<compile_context>
chip_gen: v7x
topology: tpu7x:2x2x1
jax: 0.10.2.dev20260603
libtpu: 0.0.44.dev20260713+nightly
codegen_flags: <defaults>
</compile_context>

<pallas_src>
import jax
import jax.numpy as jnp
from jax import lax
from jax.experimental import pallas as pl
from jax.experimental.pallas import tpu as pltpu
from jax.experimental.pallas import tpu_sc as plsc

_N = 10000
_E = 320000
_NC = 2
_NS = 16
_NW = _NC * _NS
_K = 125
_NB = 5
_LA = 2
_RPT = 624
_TAIL = _N - _RPT * _NS
_DDEG = 8

_EPW = _E // _NW
_NCH_D = _EPW // _K
_EPS = _E // _NS
_NCH_E = _EPS // _K

_F32 = jnp.float32
_SC_PARAMS = pltpu.CompilerParams(use_tc_tiling_on_sc=False)


def _mesh():
    return plsc.VectorSubcoreMesh(core_axis_name="c", subcore_axis_name="s")


def _zero_share(acc, zeros, sid):
    rbase = sid * _RPT
    pltpu.sync_copy(zeros.at[pl.ds(rbase, _RPT)], acc.at[pl.ds(rbase, _RPT)])

    @pl.when(sid == _NS - 1)
    def _():
        pltpu.sync_copy(zeros.at[pl.ds(_RPT * _NS, _TAIL)],
                        acc.at[pl.ds(_RPT * _NS, _TAIL)])


def _copy_out(acc, out, cid, sid):
    rbase = sid * _RPT
    pltpu.sync_copy(acc.at[pl.ds(rbase, _RPT)], out.at[cid, pl.ds(rbase, _RPT)])

    @pl.when(sid == _NS - 1)
    def _():
        pltpu.sync_copy(acc.at[pl.ds(_RPT * _NS, _TAIL)],
                        out.at[cid, pl.ds(_RPT * _NS, _TAIL)])


def _degree_body(e0, e1, e2, e3, ones4, zeros, out, acc, idxs,
                 o0, o1, o2, o3, *ssem):
    cid = lax.axis_index("c")
    sid = lax.axis_index("s")
    wid = cid * _NS + sid
    ones = (o0, o1, o2, o3)

    loads = [pltpu.async_copy(e.at[wid], idxs.at[j], ssem[0])
             for j, e in enumerate((e0, e1, e2, e3))]
    loads += [pltpu.async_copy(ones4.at[j], ones[j], ssem[1])
              for j in range(4)]
    _zero_share(acc, zeros, sid)
    for cp in loads:
        cp.wait()
    plsc.subcore_barrier()

    for j in range(4):
        def group(g, carry):
            for b in range(_NB):
                c = g * _NB + b
                if j == 0:
                    @pl.when(c >= _NB)
                    def _():
                        pltpu.make_async_copy(out.at[0, pl.ds(0, _K)],
                                              ones[0], ssem[b]).wait()
                else:
                    pltpu.make_async_copy(out.at[0, pl.ds(0, _K)],
                                          ones[0], ssem[b]).wait()
                pltpu.async_copy(ones[j], acc.at[idxs.at[j, c]], ssem[b],
                                 add=True)
            return carry

        lax.fori_loop(0, _NCH_D // _NB, group, 0)

    for b in range(_NB):
        pltpu.make_async_copy(out.at[0, pl.ds(0, _K)], ones[0], ssem[b]).wait()

    plsc.subcore_barrier()
    _copy_out(acc, out, cid, sid)


def _make_degrees():
    return pl.kernel(
        _degree_body,
        out_type=jax.ShapeDtypeStruct((_NC, _N, _DDEG), _F32),
        mesh=_mesh(),
        compiler_params=_SC_PARAMS,
        scratch_types=(
            [pltpu.VMEM_SHARED((_N, _DDEG), _F32),
             pltpu.VMEM((4, _NCH_D, _K), jnp.int32)]
            + [pltpu.VMEM((_K, _DDEG), _F32) for _ in range(4)]
            + [pltpu.SemaphoreType.DMA for _ in range(_NB)]
        ),
    )


def _make_edge_pass(dh, mode):
    nch = _NCH_E if mode == "split" else _NCH_D

    def body(table, srcx, dstx, zeros, out, acc, sidx, didx, *rest):
        rows = rest[0:_NB]
        gsem = rest[_NB:2 * _NB]
        ssem = rest[2 * _NB:3 * _NB]
        cid = lax.axis_index("c")
        sid = lax.axis_index("s")

        if mode == "split":
            ld_s = pltpu.async_copy(srcx.at[cid, sid], sidx, gsem[1])
            ld_d = pltpu.async_copy(dstx.at[sid], didx, gsem[2])
        else:
            wid = cid * _NS + sid
            ld_s = pltpu.async_copy(srcx.at[wid], sidx, gsem[1])
            ld_d = pltpu.async_copy(dstx.at[wid], didx, gsem[2])
        _zero_share(acc, zeros, sid)
        ld_s.wait()
        ld_d.wait()
        plsc.subcore_barrier()

        for c in range(_LA):
            pltpu.async_copy(table.at[sidx.at[c]], rows[c % _NB],
                             gsem[c % _NB])

        def group(g, carry):
            for b in range(_NB):
                c = g * _NB + b
                bg = (b + _LA) % _NB
                pltpu.make_async_copy(table.at[pl.ds(0, _K)], rows[b],
                                      gsem[b]).wait()
                pltpu.async_copy(rows[b], acc.at[didx.at[c]], ssem[b],
                                 add=True)

                @pl.when(jnp.logical_and(c + _LA < nch, c + _LA >= _NB))
                def _():
                    pltpu.make_async_copy(table.at[pl.ds(0, _K)], rows[bg],
                                          ssem[bg]).wait()

                @pl.when(c + _LA < nch)
                def _():
                    pltpu.async_copy(table.at[sidx.at[c + _LA]], rows[bg],
                                     gsem[bg])
            return carry

        lax.fori_loop(0, nch // _NB, group, 0)

        for b in range(_NB):
            pltpu.make_async_copy(table.at[pl.ds(0, _K)], rows[b],
                                  ssem[b]).wait()

        plsc.subcore_barrier()
        rbase = sid * _RPT
        if mode == "split":
            dsts = (out.at[pl.ds(rbase, _RPT), pl.ds(cid * dh, dh)],
                    out.at[pl.ds(_RPT * _NS, _TAIL), pl.ds(cid * dh, dh)])
        else:
            dsts = (out.at[cid, pl.ds(rbase, _RPT), pl.ds(0, dh)],
                    out.at[cid, pl.ds(_RPT * _NS, _TAIL), pl.ds(0, dh)])
        pltpu.sync_copy(acc.at[pl.ds(rbase, _RPT)], dsts[0])

        @pl.when(sid == _NS - 1)
        def _():
            pltpu.sync_copy(acc.at[pl.ds(_RPT * _NS, _TAIL)], dsts[1])

    out_shape = ((_N, 2 * dh) if mode == "split" else (_NC, _N, 128))
    return pl.kernel(
        body,
        out_type=jax.ShapeDtypeStruct(out_shape, _F32),
        mesh=_mesh(),
        compiler_params=_SC_PARAMS,
        scratch_types=(
            [pltpu.VMEM_SHARED((_N, dh), _F32),
             pltpu.VMEM((nch, _K), jnp.int32),
             pltpu.VMEM((nch, _K), jnp.int32)]
            + [pltpu.VMEM((_K, dh), _F32) for _ in range(_NB)]
            + [pltpu.SemaphoreType.DMA for _ in range(2 * _NB)]
        ),
    )


def _rs(cnt, j):
    return lax.rsqrt(jnp.maximum(cnt[:, j:j + 1], 1.0))


def _cnts(cnt_ref):
    return cnt_ref[0] + cnt_ref[1]


def _tc_z_body(x_ref, w_ref, z_ref):
    z_ref[...] = jnp.dot(x_ref[...], w_ref[...], preferred_element_type=_F32)


def _tc_pre_body(z_ref, cnt_ref, y_ref):
    cnt = _cnts(cnt_ref)
    y_ref[...] = z_ref[...] * _rs(cnt, 0)


def _tc_mid_body(s1_ref, cnt_ref, b1_ref, w2_ref, y2_ref):
    cnt = _cnts(cnt_ref)
    h = jnp.maximum(s1_ref[...] * _rs(cnt, 1) + b1_ref[...], 0.0)
    y2 = jnp.dot(h * _rs(cnt, 2), w2_ref[...], preferred_element_type=_F32)
    y2_ref[:, pl.ds(0, y2.shape[1])] = y2


def _tc_post_body(s2_ref, cnt_ref, b2_ref, out_ref):
    cnt = _cnts(cnt_ref)
    d = out_ref.shape[1]
    s2 = s2_ref[0][:, :d] + s2_ref[1][:, :d]
    out_ref[...] = s2 * _rs(cnt, 3) + b2_ref[...]


def _split_edges(edge_index):
    src = edge_index[0].reshape(_NS, _NCH_E, _K)
    dst = edge_index[1].reshape(_NS, _NCH_E, _K)
    src4 = jnp.stack([2 * src, 2 * src + 1])
    return src4, dst


def _gcn(inputs, edge_index0, edge_index1, W1, b1, W2, b2):
    src0_d = edge_index0[0].reshape(_NW, _NCH_D, _K)
    dst0_d = edge_index0[1].reshape(_NW, _NCH_D, _K)
    src1_d = edge_index1[0].reshape(_NW, _NCH_D, _K)
    dst1_d = edge_index1[1].reshape(_NW, _NCH_D, _K)
    d_hid = W1.shape[1]
    d_out = W2.shape[1]
    src0, dst0 = _split_edges(edge_index0)
    src1f = src1_d * 2
    dst1f = dst1_d

    ones4 = jnp.broadcast_to(
        (jnp.arange(_DDEG)[None, None, :] ==
         jnp.arange(4)[:, None, None]).astype(_F32), (4, _K, _DDEG))
    zeros_deg = jnp.zeros((_N, _DDEG), _F32)
    zeros_edge = jnp.zeros((_N, d_hid // 2), _F32)

    cnt = _make_degrees()(src0_d, dst0_d, src1_d, dst1_d, ones4, zeros_deg)
    cntv = cnt

    z = pl.pallas_call(
        _tc_z_body,
        out_shape=jax.ShapeDtypeStruct((_N, d_hid), _F32),
    )(inputs, W1)

    y1 = pl.pallas_call(
        _tc_pre_body,
        out_shape=jax.ShapeDtypeStruct((_N, d_hid), _F32),
    )(z, cntv)

    s1 = _make_edge_pass(d_hid // 2, "split")(
        y1.reshape(2 * _N, d_hid // 2), src0, dst0, zeros_edge)

    y2 = pl.pallas_call(
        _tc_mid_body,
        out_shape=jax.ShapeDtypeStruct((_N, d_hid), _F32),
    )(s1, cntv, b1.reshape(1, -1), W2)

    s2 = _make_edge_pass(d_out, "full")(
        y2.reshape(2 * _N, d_hid // 2), src1f, dst1f, zeros_edge)

    out = pl.pallas_call(
        _tc_post_body,
        out_shape=jax.ShapeDtypeStruct((_N, d_out), _F32),
    )(s2, cntv, b2.reshape(1, -1))

    return out


def kernel(inputs, edge_index0, edge_index1, W1, b1, W2, b2):
    return _gcn(inputs, edge_index0, edge_index1, W1, b1, W2, b2)

# --- scband reference (transcript-rebuilt; emitter-appended) ---
"""Pipeline reference for scband-gcn-49890340110363 (READ-ONLY COPY).

The authoritative reference and input builder live on the scoring server;
editing this copy changes nothing except your own understanding.
"""

import jax, jax.numpy as jnp
import numpy as np

N = 10000
E = 320000
D_IN = 128
D_HID = 128
D_OUT = 64


def setup_inputs(seed: int = 0) -> dict:
    key = jax.random.key(seed)
    ks = jax.random.split(key, 8)
    inputs = jax.random.normal(ks[0], (N, D_IN), dtype=jnp.float32)
    edge_index0 = jax.random.randint(ks[1], (2, E), 0, N, dtype=jnp.int32)
    edge_index1 = jax.random.randint(ks[2], (2, E), 0, N, dtype=jnp.int32)
    W1 = jax.random.normal(ks[3], (D_IN, D_HID), dtype=jnp.float32) * (1.0 / np.sqrt(D_IN))
    b1 = jnp.zeros((D_HID,), dtype=jnp.float32)
    W2 = jax.random.normal(ks[4], (D_HID, D_OUT), dtype=jnp.float32) * (1.0 / np.sqrt(D_HID))
    b2 = jnp.zeros((D_OUT,), dtype=jnp.float32)
    return {"inputs": inputs, "edge_index0": edge_index0, "edge_index1": edge_index1,
            "W1": W1, "b1": b1, "W2": W2, "b2": b2}


def _gcn_conv(x, src, dst, W, b, n):
    # DGL GraphConv with norm='both': D_dst^{-1/2} A D_src^{-1/2} X W + b
    deg_src = jnp.clip(jnp.bincount(src, length=n), 1).astype(x.dtype)
    deg_dst = jnp.clip(jnp.bincount(dst, length=n), 1).astype(x.dtype)
    h = x * jax.lax.rsqrt(deg_src)[:, None]
    msg = jnp.take(h, src, axis=0)
    agg = jax.ops.segment_sum(msg, dst, num_segments=n)
    agg = agg * jax.lax.rsqrt(deg_dst)[:, None]
    return agg @ W + b


def reference(inputs, edge_index0, edge_index1, W1, b1, W2, b2):
    h = _gcn_conv(inputs, edge_index0[0], edge_index0[1], W1, b1, N)
    h = jax.nn.relu(h)
    out = _gcn_conv(h, edge_index1[0], edge_index1[1], W2, b2, N)
    return out

if __name__ == "__main__":
    import jax
    _d = setup_inputs()
    print(jax.jit(kernel)(*tuple(_d.values())))

</pallas_src>

<mosaic_0001>
#map = affine_map<(d0, d1) -> (0, 0, 0)>
#map1 = affine_map<(d0, d1) -> (0, 0)>
module attributes {stable_mosaic.version = 14 : i64} {
  func.func @_degree_body(%arg0: i32, %arg1: i32, %arg2: memref<32x80x125xi32, #tpu.memory_space<hbm>>, %arg3: memref<32x80x125xi32, #tpu.memory_space<hbm>>, %arg4: memref<32x80x125xi32, #tpu.memory_space<hbm>>, %arg5: memref<32x80x125xi32, #tpu.memory_space<hbm>>, %arg6: memref<4x125x8xf32, #tpu.memory_space<hbm>>, %arg7: memref<10000x8xf32, #tpu.memory_space<hbm>>, %arg8: memref<2x10000x8xf32, #tpu.memory_space<hbm>>, %arg9: memref<10000x8xf32, #tpu.memory_space<vmem_shared>>, %arg10: memref<4x80x125xi32, #tpu.memory_space<vmem>>, %arg11: memref<125x8xf32, #tpu.memory_space<vmem>>, %arg12: memref<125x8xf32, #tpu.memory_space<vmem>>, %arg13: memref<125x8xf32, #tpu.memory_space<vmem>>, %arg14: memref<125x8xf32, #tpu.memory_space<vmem>>, %arg15: memref<!tpu.dma_semaphore, #tpu.memory_space<semaphore_mem>>, %arg16: memref<!tpu.dma_semaphore, #tpu.memory_space<semaphore_mem>>, %arg17: memref<!tpu.dma_semaphore, #tpu.memory_space<semaphore_mem>>, %arg18: memref<!tpu.dma_semaphore, #tpu.memory_space<semaphore_mem>>, %arg19: memref<!tpu.dma_semaphore, #tpu.memory_space<semaphore_mem>>) attributes {dimension_semantics = [#tpu.dimension_semantics<core_parallel>, #tpu.dimension_semantics<subcore_parallel>], iteration_bounds = array<i64: 2, 16>, scalar_prefetch = 0 : i64, scratch_operands = 11 : i64, tpu.core_type = #tpu.core_type<sc_vector_subcore>, window_params = [{transform_indices = #map}, {transform_indices = #map}, {transform_indices = #map}, {transform_indices = #map}, {transform_indices = #map}, {transform_indices = #map1}, {transform_indices = #map}]} {
    %mul3A = arith.constant 16 : i32
    %mul3A_0 = arith.muli %arg0, %mul3A : i32
    %add3A = arith.addi %mul3A_0, %arg1 : i32
    %dma_start3A = arith.constant 0 : i32
    %dma_start3A_1 = arith.constant 0 : i32
    %dma_start3A_2 = arith.constant 0 : i32
    %dma_start3A_3 = tpu.memref_slice %arg10[%dma_start3A, %dma_start3A_1, %dma_start3A_2] : memref<4x80x125xi32, #tpu.memory_space<vmem>> -> memref<1x80x125xi32, #tpu.memory_space<vmem>>
    %dma_start3A_4 = tpu.memref_squeeze %dma_start3A_3 : memref<1x80x125xi32, #tpu.memory_space<vmem>> -> memref<80x125xi32, #tpu.memory_space<vmem>>
    %dma_start3A_5 = arith.constant 0 : i32
    %dma_start3A_6 = arith.constant 0 : i32
    %dma_start3A_7 = tpu.memref_slice %arg2[%add3A, %dma_start3A_5, %dma_start3A_6] : memref<32x80x125xi32, #tpu.memory_space<hbm>> -> memref<1x80x125xi32, #tpu.memory_space<hbm>>
    %dma_start3A_8 = tpu.memref_squeeze %dma_start3A_7 : memref<1x80x125xi32, #tpu.memory_space<hbm>> -> memref<80x125xi32, #tpu.memory_space<hbm>>
    %dma_start3A_9 = arith.constant 0 : i32
    %dma_start3A_10 = arith.constant 0 : i32
    %dma_start3A_11 = tpu.memref_slice %arg10[%dma_start3A, %dma_start3A_9, %dma_start3A_10] : memref<4x80x125xi32, #tpu.memory_space<vmem>> -> memref<1x80x125xi32, #tpu.memory_space<vmem>>
    %dma_start3A_12 = tpu.memref_squeeze %dma_start3A_11 : memref<1x80x125xi32, #tpu.memory_space<vmem>> -> memref<80x125xi32, #tpu.memory_space<vmem>>
    %dma_start3A_13 = arith.constant 0 : i32
    %dma_start3A_14 = arith.constant 0 : i32
    %dma_start3A_15 = tpu.memref_slice %arg2[%add3A, %dma_start3A_13, %dma_start3A_14] : memref<32x80x125xi32, #tpu.memory_space<hbm>> -> memref<1x80x125xi32, #tpu.memory_space<hbm>>
    %dma_start3A_16 = tpu.memref_squeeze %dma_start3A_15 : memref<1x80x125xi32, #tpu.memory_space<hbm>> -> memref<80x125xi32, #tpu.memory_space<hbm>>
    tpu.enqueue_dma source(%dma_start3A_16 : memref<80x125xi32, #tpu.memory_space<hbm>>) target(%dma_start3A_12 : memref<80x125xi32, #tpu.memory_space<vmem>>) target_semaphore(%arg15 : memref<!tpu.dma_semaphore, #tpu.memory_space<semaphore_mem>>)
    %dma_start3A_17 = arith.constant 1 : i32
    %dma_start3A_18 = arith.constant 0 : i32
    %dma_start3A_19 = arith.constant 0 : i32
    %dma_start3A_20 = tpu.memref_slice %arg10[%dma_start3A_17, %dma_start3A_18, %dma_start3A_19] : memref<4x80x125xi32, #tpu.memory_space<vmem>> -> memref<1x80x125xi32, #tpu.memory_space<vmem>>
    %dma_start3A_21 = tpu.memref_squeeze %dma_start3A_20 : memref<1x80x125xi32, #tpu.memory_space<vmem>> -> memref<80x125xi32, #tpu.memory_space<vmem>>
    %dma_start3A_22 = arith.constant 0 : i32
    %dma_start3A_23 = arith.constant 0 : i32
    %dma_start3A_24 = tpu.memref_slice %arg3[%add3A, %dma_start3A_22, %dma_start3A_23] : memref<32x80x125xi32, #tpu.memory_space<hbm>> -> memref<1x80x125xi32, #tpu.memory_space<hbm>>
    %dma_start3A_25 = tpu.memref_squeeze %dma_start3A_24 : memref<1x80x125xi32, #tpu.memory_space<hbm>> -> memref<80x125xi32, #tpu.memory_space<hbm>>
    %dma_start3A_26 = arith.constant 0 : i32
    %dma_start3A_27 = arith.constant 0 : i32
    %dma_start3A_28 = tpu.memref_slice %arg10[%dma_start3A_17, %dma_start3A_26, %dma_start3A_27] : memref<4x80x125xi32, #tpu.memory_space<vmem>> -> memref<1x80x125xi32, #tpu.memory_space<vmem>>
    %dma_start3A_29 = tpu.memref_squeeze %dma_start3A_28 : memref<1x80x125xi32, #tpu.memory_space<vmem>> -> memref<80x125xi32, #tpu.memory_space<vmem>>
    %dma_start3A_30 = arith.constant 0 : i32
    %dma_start3A_31 = arith.constant 0 : i32
    %dma_start3A_32 = tpu.memref_slice %arg3[%add3A, %dma_start3A_30, %dma_start3A_31] : memref<32x80x125xi32, #tpu.memory_space<hbm>> -> memref<1x80x125xi32, #tpu.memory_space<hbm>>
    %dma_start3A_33 = tpu.memref_squeeze %dma_start3A_32 : memref<1x80x125xi32, #tpu.memory_space<hbm>> -> memref<80x125xi32, #tpu.memory_space<hbm>>
    tpu.enqueue_dma source(%dma_start3A_33 : memref<80x125xi32, #tpu.memory_space<hbm>>) target(%dma_start3A_29 : memref<80x125xi32, #tpu.memory_space<vmem>>) target_semaphore(%arg15 : memref<!tpu.dma_semaphore, #tpu.memory_space<semaphore_mem>>)
    %dma_start3A_34 = arith.constant 2 : i32
    %dma_start3A_35 = arith.constant 0 : i32
    %dma_start3A_36 = arith.constant 0 : i32
    %dma_start3A_37 = tpu.memref_slice %arg10[%dma_start3A_34, %dma_start3A_35, %dma_start3A_36] : memref<4x80x125xi32, #tpu.memory_space<vmem>> -> memref<1x80x125xi32, #tpu.memory_space<vmem>>
    %dma_start3A_38 = tpu.memref_squeeze %dma_start3A_37 : memref<1x80x125xi32, #tpu.memory_space<vmem>> -> memref<80x125xi32, #tpu.memory_space<vmem>>
    %dma_start3A_39 = arith.constant 0 : i32
    %dma_start3A_40 = arith.constant 0 : i32
    %dma_start3A_41 = tpu.memref_slice %arg4[%add3A, %dma_start3A_39, %dma_start3A_40] : memref<32x80x125xi32, #tpu.memory_space<hbm>> -> memref<1x80x125xi32, #tpu.memory_space<hbm>>
    %dma_start3A_42 = tpu.memref_squeeze %dma_start3A_41 : memref<1x80x125xi32, #tpu.memory_space<hbm>> -> memref<80x125xi32, #tpu.memory_space<hbm>>
    %dma_start3A_43 = arith.constant 0 : i32
    %dma_start3A_44 = arith.constant 0 : i32
    %dma_start3A_45 = tpu.memref_slice %arg10[%dma_start3A_34, %dma_start3A_43, %dma_start3A_44] : memref<4x80x125xi32, #tpu.memory_space<vmem>> -> memref<1x80x125xi32, #tpu.memory_space<vmem>>
    %dma_start3A_46 = tpu.memref_squeeze %dma_start3A_45 : memref<1x80x125xi32, #tpu.memory_space<vmem>> -> memref<80x125xi32, #tpu.memory_space<vmem>>
    %dma_start3A_47 = arith.constant 0 : i32
    %dma_start3A_48 = arith.constant 0 : i32
    %dma_start3A_49 = tpu.memref_slice %arg4[%add3A, %dma_start3A_47, %dma_start3A_48] : memref<32x80x125xi32, #tpu.memory_space<hbm>> -> memref<1x80x125xi32, #tpu.memory_space<hbm>>
    %dma_start3A_50 = tpu.memref_squeeze %dma_start3A_49 : memref<1x80x125xi32, #tpu.memory_space<hbm>> -> memref<80x125xi32, #tpu.memory_space<hbm>>
    tpu.enqueue_dma source(%dma_start3A_50 : memref<80x125xi32, #tpu.memory_space<hbm>>) target(%dma_start3A_46 : memref<80x125xi32, #tpu.memory_space<vmem>>) target_semaphore(%arg15 : memref<!tpu.dma_semaphore, #tpu.memory_space<semaphore_mem>>)
    %dma_start3A_51 = arith.constant 3 : i32
    %dma_start3A_52 = arith.constant 0 : i32
    %dma_start3A_53 = arith.constant 0 : i32
    %dma_start3A_54 = tpu.memref_slice %arg10[%dma_start3A_51, %dma_start3A_52, %dma_start3A_53] : memref<4x80x125xi32, #tpu.memory_space<vmem>> -> memref<1x80x125xi32, #tpu.memory_space<vmem>>
    %dma_start3A_55 = tpu.memref_squeeze %dma_start3A_54 : memref<1x80x125xi32, #tpu.memory_space<vmem>> -> memref<80x125xi32, #tpu.memory_space<vmem>>
    %dma_start3A_56 = arith.constant 0 : i32
    %dma_start3A_57 = arith.constant 0 : i32
    %dma_start3A_58 = tpu.memref_slice %arg5[%add3A, %dma_start3A_56, %dma_start3A_57] : memref<32x80x125xi32, #tpu.memory_space<hbm>> -> memref<1x80x125xi32, #tpu.memory_space<hbm>>
    %dma_start3A_59 = tpu.memref_squeeze %dma_start3A_58 : memref<1x80x125xi32, #tpu.memory_space<hbm>> -> memref<80x125xi32, #tpu.memory_space<hbm>>
    %dma_start3A_60 = arith.constant 0 : i32
    %dma_start3A_61 = arith.constant 0 : i32
    %dma_start3A_62 = tpu.memref_slice %arg10[%dma_start3A_51, %dma_start3A_60, %dma_start3A_61] : memref<4x80x125xi32, #tpu.memory_space<vmem>> -> memref<1x80x125xi32, #tpu.memory_space<vmem>>
    %dma_start3A_63 = tpu.memref_squeeze %dma_start3A_62 : memref<1x80x125xi32, #tpu.memory_space<vmem>> -> memref<80x125xi32, #tpu.memory_space<vmem>>
    %dma_start3A_64 = arith.constant 0 : i32
    %dma_start3A_65 = arith.constant 0 : i32
    %dma_start3A_66 = tpu.memref_slice %arg5[%add3A, %dma_start3A_64, %dma_start3A_65] : memref<32x80x125xi32, #tpu.memory_space<hbm>> -> memref<1x80x125xi32, #tpu.memory_space<hbm>>
    %dma_start3A_67 = tpu.memref_squeeze %dma_start3A_66 : memref<1x80x125xi32, #tpu.memory_space<hbm>> -> memref<80x125xi32, #tpu.memory_space<hbm>>
    tpu.enqueue_dma source(%dma_start3A_67 : memref<80x125xi32, #tpu.memory_space<hbm>>) target(%dma_start3A_63 : memref<80x125xi32, #tpu.memory_space<vmem>>) target_semaphore(%arg15 : memref<!tpu.dma_semaphore, #tpu.memory_space<semaphore_mem>>)
    %dma_start3A_68 = arith.constant 0 : i32
    %dma_start3A_69 = arith.constant 0 : i32
    %dma_start3A_70 = arith.constant 0 : i32
    %dma_start3A_71 = tpu.memref_slice %arg6[%dma_start3A_68, %dma_start3A_69, %dma_start3A_70] : memref<4x125x8xf32, #tpu.memory_space<hbm>> -> memref<1x125x8xf32, #tpu.memory_space<hbm>>
    %dma_start3A_72 = tpu.memref_squeeze %dma_start3A_71 : memref<1x125x8xf32, #tpu.memory_space<hbm>> -> memref<125x8xf32, #tpu.memory_space<hbm>>
    %dma_start3A_73 = arith.constant 0 : i32
    %dma_start3A_74 = arith.constant 0 : i32
    %dma_start3A_75 = tpu.memref_slice %arg6[%dma_start3A_68, %dma_start3A_73, %dma_start3A_74] : memref<4x125x8xf32, #tpu.memory_space<hbm>> -> memref<1x125x8xf32, #tpu.memory_space<hbm>>
    %dma_start3A_76 = tpu.memref_squeeze %dma_start3A_75 : memref<1x125x8xf32, #tpu.memory_space<hbm>> -> memref<125x8xf32, #tpu.memory_space<hbm>>
    tpu.enqueue_dma source(%dma_start3A_76 : memref<125x8xf32, #tpu.memory_space<hbm>>) target(%arg11 : memref<125x8xf32, #tpu.memory_space<vmem>>) target_semaphore(%arg16 : memref<!tpu.dma_semaphore, #tpu.memory_space<semaphore_mem>>)
    %dma_start3A_77 = arith.constant 1 : i32
    %dma_start3A_78 = arith.constant 0 : i32
    %dma_start3A_79 = arith.constant 0 : i32
    %dma_start3A_80 = tpu.memref_slice %arg6[%dma_start3A_77, %dma_start3A_78, %dma_start3A_79] : memref<4x125x8xf32, #tpu.memory_space<hbm>> -> memref<1x125x8xf32, #tpu.memory_space<hbm>>
    %dma_start3A_81 = tpu.memref_squeeze %dma_start3A_80 : memref<1x125x8xf32, #tpu.memory_space<hbm>> -> memref<125x8xf32, #tpu.memory_space<hbm>>
    %dma_start3A_82 = arith.constant 0 : i32
    %dma_start3A_83 = arith.constant 0 : i32
    %dma_start3A_84 = tpu.memref_slice %arg6[%dma_start3A_77, %dma_start3A_82, %dma_start3A_83] : memref<4x125x8xf32, #tpu.memory_space<hbm>> -> memref<1x125x8xf32, #tpu.memory_space<hbm>>
    %dma_start3A_85 = tpu.memref_squeeze %dma_start3A_84 : memref<1x125x8xf32, #tpu.memory_space<hbm>> -> memref<125x8xf32, #tpu.memory_space<hbm>>
    tpu.enqueue_dma source(%dma_start3A_85 : memref<125x8xf32, #tpu.memory_space<hbm>>) target(%arg12 : memref<125x8xf32, #tpu.memory_space<vmem>>) target_semaphore(%arg16 : memref<!tpu.dma_semaphore, #tpu.memory_space<semaphore_mem>>)
    %dma_start3A_86 = arith.constant 2 : i32
    %dma_start3A_87 = arith.constant 0 : i32
    %dma_start3A_88 = arith.constant 0 : i32
    %dma_start3A_89 = tpu.memref_slice %arg6[%dma_start3A_86, %dma_start3A_87, %dma_start3A_88] : memref<4x125x8xf32, #tpu.memory_space<hbm>> -> memref<1x125x8xf32, #tpu.memory_space<hbm>>
    %dma_start3A_90 = tpu.memref_squeeze %dma_start3A_89 : memref<1x125x8xf32, #tpu.memory_space<hbm>> -> memref<125x8xf32, #tpu.memory_space<hbm>>
    %dma_start3A_91 = arith.constant 0 : i32
    %dma_start3A_92 = arith.constant 0 : i32
    %dma_start3A_93 = tpu.memref_slice %arg6[%dma_start3A_86, %dma_start3A_91, %dma_start3A_92] : memref<4x125x8xf32, #tpu.memory_space<hbm>> -> memref<1x125x8xf32, #tpu.memory_space<hbm>>
    %dma_start3A_94 = tpu.memref_squeeze %dma_start3A_93 : memref<1x125x8xf32, #tpu.memory_space<hbm>> -> memref<125x8xf32, #tpu.memory_space<hbm>>
    tpu.enqueue_dma source(%dma_start3A_94 : memref<125x8xf32, #tpu.memory_space<hbm>>) target(%arg13 : memref<125x8xf32, #tpu.memory_space<vmem>>) target_semaphore(%arg16 : memref<!tpu.dma_semaphore, #tpu.memory_space<semaphore_mem>>)
    %dma_start3A_95 = arith.constant 3 : i32
    %dma_start3A_96 = arith.constant 0 : i32
    %dma_start3A_97 = arith.constant 0 : i32
    %dma_start3A_98 = tpu.memref_slice %arg6[%dma_start3A_95, %dma_start3A_96, %dma_start3A_97] : memref<4x125x8xf32, #tpu.memory_space<hbm>> -> memref<1x125x8xf32, #tpu.memory_space<hbm>>
    %dma_start3A_99 = tpu.memref_squeeze %dma_start3A_98 : memref<1x125x8xf32, #tpu.memory_space<hbm>> -> memref<125x8xf32, #tpu.memory_space<hbm>>
    %dma_start3A_100 = arith.constant 0 : i32
    %dma_start3A_101 = arith.constant 0 : i32
    %dma_start3A_102 = tpu.memref_slice %arg6[%dma_start3A_95, %dma_start3A_100, %dma_start3A_101] : memref<4x125x8xf32, #tpu.memory_space<hbm>> -> memref<1x125x8xf32, #tpu.memory_space<hbm>>
    %dma_start3A_103 = tpu.memref_squeeze %dma_start3A_102 : memref<1x125x8xf32, #tpu.memory_space<hbm>> -> memref<125x8xf32, #tpu.memory_space<hbm>>
    tpu.enqueue_dma source(%dma_start3A_103 : memref<125x8xf32, #tpu.memory_space<hbm>>) target(%arg14 : memref<125x8xf32, #tpu.memory_space<vmem>>) target_semaphore(%arg16 : memref<!tpu.dma_semaphore, #tpu.memory_space<semaphore_mem>>)
    %mul3A_104 = arith.constant 624 : i32
    %mul3A_105 = arith.muli %arg1, %mul3A_104 : i32
    "tpu.region"() ({
      %run_scoped3A = tpu.sem_alloc : memref<!tpu.dma_semaphore, #tpu.memory_space<semaphore_mem>>
      %dma_start3A_287 = arith.constant 0 : i32
      %dma_start3A_288 = tpu.memref_slice %arg9[%mul3A_105, %dma_start3A_287] : memref<10000x8xf32, #tpu.memory_space<vmem_shared>> -> memref<624x8xf32, #tpu.memory_space<vmem_shared>>
      %dma_start3A_289 = arith.constant 0 : i32
      %dma_start3A_290 = tpu.memref_slice %arg7[%mul3A_105, %dma_start3A_289] : memref<10000x8xf32, #tpu.memory_space<hbm>> -> memref<624x8xf32, #tpu.memory_space<hbm>>
      tpu.enqueue_dma source(%dma_start3A_290 : memref<624x8xf32, #tpu.memory_space<hbm>>) target(%dma_start3A_288 : memref<624x8xf32, #tpu.memory_space<vmem_shared>>) target_semaphore(%run_scoped3A : memref<!tpu.dma_semaphore, #tpu.memory_space<semaphore_mem>>)
      %dma_wait3A_291 = arith.constant 0 : i32
      %dma_wait3A_292 = tpu.memref_slice %arg9[%mul3A_105, %dma_wait3A_291] : memref<10000x8xf32, #tpu.memory_space<vmem_shared>> -> memref<624x8xf32, #tpu.memory_space<vmem_shared>>
      %dma_wait3A_293 = arith.constant 0 : i32
      %dma_wait3A_294 = tpu.memref_slice %arg7[%mul3A_105, %dma_wait3A_293] : memref<10000x8xf32, #tpu.memory_space<hbm>> -> memref<624x8xf32, #tpu.memory_space<hbm>>
      tpu.wait_dma2 semaphore(%run_scoped3A : memref<!tpu.dma_semaphore, #tpu.memory_space<semaphore_mem>>) src(%dma_wait3A_294 : memref<624x8xf32, #tpu.memory_space<hbm>>) dst(%dma_wait3A_292 : memref<624x8xf32, #tpu.memory_space<vmem_shared>>)
      tpu.yield
    }) : () -> ()
    %eq3A = arith.constant 15 : i32
    %eq3A_106 = arith.cmpi eq, %arg1, %eq3A : i32
    %convert_element_type3A = arith.extui %eq3A_106 : i1 to i32
    %cond3A = arith.constant 0 : i32
    %cond3A_107 = arith.cmpi ne, %convert_element_type3A, %cond3A : i32
    scf.if %cond3A_107 {
      "tpu.region"() ({
        %run_scoped3A = tpu.sem_alloc : memref<!tpu.dma_semaphore, #tpu.memory_space<semaphore_mem>>
        %dma_start3A_287 = arith.constant 9984 : i32
        %dma_start3A_288 = arith.constant 0 : i32
        %dma_start3A_289 = tpu.memref_slice %arg9[%dma_start3A_287, %dma_start3A_288] : memref<10000x8xf32, #tpu.memory_space<vmem_shared>> -> memref<16x8xf32, #tpu.memory_space<vmem_shared>>
        %dma_start3A_290 = arith.constant 9984 : i32
        %dma_start3A_291 = arith.constant 0 : i32
        %dma_start3A_292 = tpu.memref_slice %arg7[%dma_start3A_290, %dma_start3A_291] : memref<10000x8xf32, #tpu.memory_space<hbm>> -> memref<16x8xf32, #tpu.memory_space<hbm>>
        tpu.enqueue_dma source(%dma_start3A_292 : memref<16x8xf32, #tpu.memory_space<hbm>>) target(%dma_start3A_289 : memref<16x8xf32, #tpu.memory_space<vmem_shared>>) target_semaphore(%run_scoped3A : memref<!tpu.dma_semaphore, #tpu.memory_space<semaphore_mem>>)
        %dma_wait3A_293 = arith.constant 9984 : i32
        %dma_wait3A_294 = arith.constant 0 : i32
        %dma_wait3A_295 = tpu.memref_slice %arg9[%dma_wait3A_293, %dma_wait3A_294] : memref<10000x8xf32, #tpu.memory_space<vmem_shared>> -> memref<16x8xf32, #tpu.memory_space<vmem_shared>>
        %dma_wait3A_296 = arith.constant 9984 : i32
        %dma_wait3A_297 = arith.constant 0 : i32
        %dma_wait3A_298 = tpu.memref_slice %arg7[%dma_wait3A_296, %dma_wait3A_297] : memref<10000x8xf32, #tpu.memory_space<hbm>> -> memref<16x8xf32, #tpu.memory_space<hbm>>
        tpu.wait_dma2 semaphore(%run_scoped3A : memref<!tpu.dma_semaphore, #tpu.memory_space<semaphore_mem>>) src(%dma_wait3A_298 : memref<16x8xf32, #tpu.memory_space<hbm>>) dst(%dma_wait3A_295 : memref<16x8xf32, #tpu.memory_space<vmem_shared>>)
        tpu.yield
      }) : () -> ()
    } else {
    }
    %dma_wait3A = arith.constant 0 : i32
    %dma_wait3A_108 = arith.constant 0 : i32
    %dma_wait3A_109 = arith.constant 0 : i32
    %dma_wait3A_110 = tpu.memref_slice %arg10[%dma_wait3A, %dma_wait3A_108, %dma_wait3A_109] : memref<4x80x125xi32, #tpu.memory_space<vmem>> -> memref<1x80x125xi32, #tpu.memory_space<vmem>>
    %dma_wait3A_111 = tpu.memref_squeeze %dma_wait3A_110 : memref<1x80x125xi32, #tpu.memory_space<vmem>> -> memref<80x125xi32, #tpu.memory_space<vmem>>
    %dma_wait3A_112 = arith.constant 0 : i32
    %dma_wait3A_113 = arith.constant 0 : i32
    %dma_wait3A_114 = tpu.memref_slice %arg2[%add3A, %dma_wait3A_112, %dma_wait3A_113] : memref<32x80x125xi32, #tpu.memory_space<hbm>> -> memref<1x80x125xi32, #tpu.memory_space<hbm>>
    %dma_wait3A_115 = tpu.memref_squeeze %dma_wait3A_114 : memref<1x80x125xi32, #tpu.memory_space<hbm>> -> memref<80x125xi32, #tpu.memory_space<hbm>>
    %dma_wait3A_116 = arith.constant 0 : i32
    %dma_wait3A_117 = arith.constant 0 : i32
    %dma_wait3A_118 = tpu.memref_slice %arg10[%dma_wait3A, %dma_wait3A_116, %dma_wait3A_117] : memref<4x80x125xi32, #tpu.memory_space<vmem>> -> memref<1x80x125xi32, #tpu.memory_space<vmem>>
    %dma_wait3A_119 = tpu.memref_squeeze %dma_wait3A_118 : memref<1x80x125xi32, #tpu.memory_space<vmem>> -> memref<80x125xi32, #tpu.memory_space<vmem>>
    %dma_wait3A_120 = arith.constant 0 : i32
    %dma_wait3A_121 = arith.constant 0 : i32
    %dma_wait3A_122 = tpu.memref_slice %arg2[%add3A, %dma_wait3A_120, %dma_wait3A_121] : memref<32x80x125xi32, #tpu.memory_space<hbm>> -> memref<1x80x125xi32, #tpu.memory_space<hbm>>
    %dma_wait3A_123 = tpu.memref_squeeze %dma_wait3A_122 : memref<1x80x125xi32, #tpu.memory_space<hbm>> -> memref<80x125xi32, #tpu.memory_space<hbm>>
    tpu.wait_dma2 semaphore(%arg15 : memref<!tpu.dma_semaphore, #tpu.memory_space<semaphore_mem>>) src(%dma_wait3A_123 : memref<80x125xi32, #tpu.memory_space<hbm>>) dst(%dma_wait3A_119 : memref<80x125xi32, #tpu.memory_space<vmem>>)
    %dma_wait3A_124 = arith.constant 1 : i32
    %dma_wait3A_125 = arith.constant 0 : i32
    %dma_wait3A_126 = arith.constant 0 : i32
    %dma_wait3A_127 = tpu.memref_slice %arg10[%dma_wait3A_124, %dma_wait3A_125, %dma_wait3A_126] : memref<4x80x125xi32, #tpu.memory_space<vmem>> -> memref<1x80x125xi32, #tpu.memory_space<vmem>>
    %dma_wait3A_128 = tpu.memref_squeeze %dma_wait3A_127 : memref<1x80x125xi32, #tpu.memory_space<vmem>> -> memref<80x125xi32, #tpu.memory_space<vmem>>
    %dma_wait3A_129 = arith.constant 0 : i32
    %dma_wait3A_130 = arith.constant 0 : i32
    %dma_wait3A_131 = tpu.memref_slice %arg3[%add3A, %dma_wait3A_129, %dma_wait3A_130] : memref<32x80x125xi32, #tpu.memory_space<hbm>> -> memref<1x80x125xi32, #tpu.memory_space<hbm>>
    %dma_wait3A_132 = tpu.memref_squeeze %dma_wait3A_131 : memref<1x80x125xi32, #tpu.memory_space<hbm>> -> memref<80x125xi32, #tpu.memory_space<hbm>>
    %dma_wait3A_133 = arith.constant 0 : i32
    %dma_wait3A_134 = arith.constant 0 : i32
    %dma_wait3A_135 = tpu.memref_slice %arg10[%dma_wait3A_124, %dma_wait3A_133, %dma_wait3A_134] : memref<4x80x125xi32, #tpu.memory_space<vmem>> -> memref<1x80x125xi32, #tpu.memory_space<vmem>>
    %dma_wait3A_136 = tpu.memref_squeeze %dma_wait3A_135 : memref<1x80x125xi32, #tpu.memory_space<vmem>> -> memref<80x125xi32, #tpu.memory_space<vmem>>
    %dma_wait3A_137 = arith.constant 0 : i32
    %dma_wait3A_138 = arith.constant 0 : i32
    %dma_wait3A_139 = tpu.memref_slice %arg3[%add3A, %dma_wait3A_137, %dma_wait3A_138] : memref<32x80x125xi32, #tpu.memory_space<hbm>> -> memref<1x80x125xi32, #tpu.memory_space<hbm>>
    %dma_wait3A_140 = tpu.memref_squeeze %dma_wait3A_139 : memref<1x80x125xi32, #tpu.memory_space<hbm>> -> memref<80x125xi32, #tpu.memory_space<hbm>>
    tpu.wait_dma2 semaphore(%arg15 : memref<!tpu.dma_semaphore, #tpu.memory_space<semaphore_mem>>) src(%dma_wait3A_140 : memref<80x125xi32, #tpu.memory_space<hbm>>) dst(%dma_wait3A_136 : memref<80x125xi32, #tpu.memory_space<vmem>>)
    %dma_wait3A_141 = arith.constant 2 : i32
    %dma_wait3A_142 = arith.constant 0 : i32
    %dma_wait3A_143 = arith.constant 0 : i32
    %dma_wait3A_144 = tpu.memref_slice %arg10[%dma_wait3A_141, %dma_wait3A_142, %dma_wait3A_143] : memref<4x80x125xi32, #tpu.memory_space<vmem>> -> memref<1x80x125xi32, #tpu.memory_space<vmem>>
    %dma_wait3A_145 = tpu.memref_squeeze %dma_wait3A_144 : memref<1x80x125xi32, #tpu.memory_space<vmem>> -> memref<80x125xi32, #tpu.memory_space<vmem>>
    %dma_wait3A_146 = arith.constant 0 : i32
    %dma_wait3A_147 = arith.constant 0 : i32
    %dma_wait3A_148 = tpu.memref_slice %arg4[%add3A, %dma_wait3A_146, %dma_wait3A_147] : memref<32x80x125xi32, #tpu.memory_space<hbm>> -> memref<1x80x125xi32, #tpu.memory_space<hbm>>
    %dma_wait3A_149 = tpu.memref_squeeze %dma_wait3A_148 : memref<1x80x125xi32, #tpu.memory_space<hbm>> -> memref<80x125xi32, #tpu.memory_space<hbm>>
    %dma_wait3A_150 = arith.constant 0 : i32
    %dma_wait3A_151 = arith.constant 0 : i32
    %dma_wait3A_152 = tpu.memref_slice %arg10[%dma_wait3A_141, %dma_wait3A_150, %dma_wait3A_151] : memref<4x80x125xi32, #tpu.memory_space<vmem>> -> memref<1x80x125xi32, #tpu.memory_space<vmem>>
    %dma_wait3A_153 = tpu.memref_squeeze %dma_wait3A_152 : memref<1x80x125xi32, #tpu.memory_space<vmem>> -> memref<80x125xi32, #tpu.memory_space<vmem>>
    %dma_wait3A_154 = arith.constant 0 : i32
    %dma_wait3A_155 = arith.constant 0 : i32
    %dma_wait3A_156 = tpu.memref_slice %arg4[%add3A, %dma_wait3A_154, %dma_wait3A_155] : memref<32x80x125xi32, #tpu.memory_space<hbm>> -> memref<1x80x125xi32, #tpu.memory_space<hbm>>
    %dma_wait3A_157 = tpu.memref_squeeze %dma_wait3A_156 : memref<1x80x125xi32, #tpu.memory_space<hbm>> -> memref<80x125xi32, #tpu.memory_space<hbm>>
    tpu.wait_dma2 semaphore(%arg15 : memref<!tpu.dma_semaphore, #tpu.memory_space<semaphore_mem>>) src(%dma_wait3A_157 : memref<80x125xi32, #tpu.memory_space<hbm>>) dst(%dma_wait3A_153 : memref<80x125xi32, #tpu.memory_space<vmem>>)
    %dma_wait3A_158 = arith.constant 3 : i32
    %dma_wait3A_159 = arith.constant 0 : i32
    %dma_wait3A_160 = arith.constant 0 : i32
    %dma_wait3A_161 = tpu.memref_slice %arg10[%dma_wait3A_158, %dma_wait3A_159, %dma_wait3A_160] : memref<4x80x125xi32, #tpu.memory_space<vmem>> -> memref<1x80x125xi32, #tpu.memory_space<vmem>>
    %dma_wait3A_162 = tpu.memref_squeeze %dma_wait3A_161 : memref<1x80x125xi32, #tpu.memory_space<vmem>> -> memref<80x125xi32, #tpu.memory_space<vmem>>
    %dma_wait3A_163 = arith.constant 0 : i32
    %dma_wait3A_164 = arith.constant 0 : i32
    %dma_wait3A_165 = tpu.memref_slice %arg5[%add3A, %dma_wait3A_163, %dma_wait3A_164] : memref<32x80x125xi32, #tpu.memory_space<hbm>> -> memref<1x80x125xi32, #tpu.memory_space<hbm>>
    %dma_wait3A_166 = tpu.memref_squeeze %dma_wait3A_165 : memref<1x80x125xi32, #tpu.memory_space<hbm>> -> memref<80x125xi32, #tpu.memory_space<hbm>>
    %dma_wait3A_167 = arith.constant 0 : i32
    %dma_wait3A_168 = arith.constant 0 : i32
    %dma_wait3A_169 = tpu.memref_slice %arg10[%dma_wait3A_158, %dma_wait3A_167, %dma_wait3A_168] : memref<4x80x125xi32, #tpu.memory_space<vmem>> -> memref<1x80x125xi32, #tpu.memory_space<vmem>>
    %dma_wait3A_170 = tpu.memref_squeeze %dma_wait3A_169 : memref<1x80x125xi32, #tpu.memory_space<vmem>> -> memref<80x125xi32, #tpu.memory_space<vmem>>
    %dma_wait3A_171 = arith.constant 0 : i32
    %dma_wait3A_172 = arith.constant 0 : i32
    %dma_wait3A_173 = tpu.memref_slice %arg5[%add3A, %dma_wait3A_171, %dma_wait3A_172] : memref<32x80x125xi32, #tpu.memory_space<hbm>> -> memref<1x80x125xi32, #tpu.memory_space<hbm>>
    %dma_wait3A_174 = tpu.memref_squeeze %dma_wait3A_173 : memref<1x80x125xi32, #tpu.memory_space<hbm>> -> memref<80x125xi32, #tpu.memory_space<hbm>>
    tpu.wait_dma2 semaphore(%arg15 : memref<!tpu.dma_semaphore, #tpu.memory_space<semaphore_mem>>) src(%dma_wait3A_174 : memref<80x125xi32, #tpu.memory_space<hbm>>) dst(%dma_wait3A_170 : memref<80x125xi32, #tpu.memory_space<vmem>>)
    %dma_wait3A_175 = arith.constant 0 : i32
    %dma_wait3A_176 = arith.constant 0 : i32
    %dma_wait3A_177 = arith.constant 0 : i32
    %dma_wait3A_178 = tpu.memref_slice %arg6[%dma_wait3A_175, %dma_wait3A_176, %dma_wait3A_177] : memref<4x125x8xf32, #tpu.memory_space<hbm>> -> memref<1x125x8xf32, #tpu.memory_space<hbm>>
    %dma_wait3A_179 = tpu.memref_squeeze %dma_wait3A_178 : memref<1x125x8xf32, #tpu.memory_space<hbm>> -> memref<125x8xf32, #tpu.memory_space<hbm>>
    %dma_wait3A_180 = arith.constant 0 : i32
    %dma_wait3A_181 = arith.constant 0 : i32
    %dma_wait3A_182 = tpu.memref_slice %arg6[%dma_wait3A_175, %dma_wait3A_180, %dma_wait3A_181] : memref<4x125x8xf32, #tpu.memory_space<hbm>> -> memref<1x125x8xf32, #tpu.memory_space<hbm>>
    %dma_wait3A_183 = tpu.memref_squeeze %dma_wait3A_182 : memref<1x125x8xf32, #tpu.memory_space<hbm>> -> memref<125x8xf32, #tpu.memory_space<hbm>>
    tpu.wait_dma2 semaphore(%arg16 : memref<!tpu.dma_semaphore, #tpu.memory_space<semaphore_mem>>) src(%dma_wait3A_183 : memref<125x8xf32, #tpu.memory_space<hbm>>) dst(%arg11 : memref<125x8xf32, #tpu.memory_space<vmem>>)
    %dma_wait3A_184 = arith.constant 1 : i32
    %dma_wait3A_185 = arith.constant 0 : i32
    %dma_wait3A_186 = arith.constant 0 : i32
    %dma_wait3A_187 = tpu.memref_slice %arg6[%dma_wait3A_184, %dma_wait3A_185, %dma_wait3A_186] : memref<4x125x8xf32, #tpu.memory_space<hbm>> -> memref<1x125x8xf32, #tpu.memory_space<hbm>>
    %dma_wait3A_188 = tpu.memref_squeeze %dma_wait3A_187 : memref<1x125x8xf32, #tpu.memory_space<hbm>> -> memref<125x8xf32, #tpu.memory_space<hbm>>
    %dma_wait3A_189 = arith.constant 0 : i32
    %dma_wait3A_190 = arith.constant 0 : i32
    %dma_wait3A_191 = tpu.memref_slice %arg6[%dma_wait3A_184, %dma_wait3A_189, %dma_wait3A_190] : memref<4x125x8xf32, #tpu.memory_space<hbm>> -> memref<1x125x8xf32, #tpu.memory_space<hbm>>
    %dma_wait3A_192 = tpu.memref_squeeze %dma_wait3A_191 : memref<1x125x8xf32, #tpu.memory_space<hbm>> -> memref<125x8xf32, #tpu.memory_space<hbm>>
    tpu.wait_dma2 semaphore(%arg16 : memref<!tpu.dma_semaphore, #tpu.memory_space<semaphore_mem>>) src(%dma_wait3A_192 : memref<125x8xf32, #tpu.memory_space<hbm>>) dst(%arg12 : memref<125x8xf32, #tpu.memory_space<vmem>>)
    %dma_wait3A_193 = arith.constant 2 : i32
    %dma_wait3A_194 = arith.constant 0 : i32
    %dma_wait3A_195 = arith.constant 0 : i32
    %dma_wait3A_196 = tpu.memref_slice %arg6[%dma_wait3A_193, %dma_wait3A_194, %dma_wait3A_195] : memref<4x125x8xf32, #tpu.memory_space<hbm>> -> memref<1x125x8xf32, #tpu.memory_space<hbm>>
    %dma_wait3A_197 = tpu.memref_squeeze %dma_wait3A_196 : memref<1x125x8xf32, #tpu.memory_space<hbm>> -> memref<125x8xf32, #tpu.memory_space<hbm>>
    %dma_wait3A_198 = arith.constant 0 : i32
    %dma_wait3A_199 = arith.constant 0 : i32
    %dma_wait3A_200 = tpu.memref_slice %arg6[%dma_wait3A_193, %dma_wait3A_198, %dma_wait3A_199] : memref<4x125x8xf32, #tpu.memory_space<hbm>> -> memref<1x125x8xf32, #tpu.memory_space<hbm>>
    %dma_wait3A_201 = tpu.memref_squeeze %dma_wait3A_200 : memref<1x125x8xf32, #tpu.memory_space<hbm>> -> memref<125x8xf32, #tpu.memory_space<hbm>>
    tpu.wait_dma2 semaphore(%arg16 : memref<!tpu.dma_semaphore, #tpu.memory_space<semaphore_mem>>) src(%dma_wait3A_201 : memref<125x8xf32, #tpu.memory_space<hbm>>) dst(%arg13 : memref<125x8xf32, #tpu.memory_space<vmem>>)
    %dma_wait3A_202 = arith.constant 3 : i32
    %dma_wait3A_203 = arith.constant 0 : i32
    %dma_wait3A_204 = arith.constant 0 : i32
    %dma_wait3A_205 = tpu.memref_slice %arg6[%dma_wait3A_202, %dma_wait3A_203, %dma_wait3A_204] : memref<4x125x8xf32, #tpu.memory_space<hbm>> -> memref<1x125x8xf32, #tpu.memory_space<hbm>>
    %dma_wait3A_206 = tpu.memref_squeeze %dma_wait3A_205 : memref<1x125x8xf32, #tpu.memory_space<hbm>> -> memref<125x8xf32, #tpu.memory_space<hbm>>
    %dma_wait3A_207 = arith.constant 0 : i32
    %dma_wait3A_208 = arith.constant 0 : i32
    %dma_wait3A_209 = tpu.memref_slice %arg6[%dma_wait3A_202, %dma_wait3A_207, %dma_wait3A_208] : memref<4x125x8xf32, #tpu.memory_space<hbm>> -> memref<1x125x8xf32, #tpu.memory_space<hbm>>
    %dma_wait3A_210 = tpu.memref_squeeze %dma_wait3A_209 : memref<1x125x8xf32, #tpu.memory_space<hbm>> -> memref<125x8xf32, #tpu.memory_space<hbm>>
    tpu.wait_dma2 semaphore(%arg16 : memref<!tpu.dma_semaphore, #tpu.memory_space<semaphore_mem>>) src(%dma_wait3A_210 : memref<125x8xf32, #tpu.memory_space<hbm>>) dst(%arg14 : memref<125x8xf32, #tpu.memory_space<vmem>>)
    %barrier3A = arith.constant 0 : index
    tpu.barrier barrier_id(%barrier3A)
    %scan3A = arith.constant 0 : i32
    %scan3A_211 = arith.constant 0 : i32
    %scan3A_212 = arith.constant 16 : i32
    %scan3A_213 = arith.addi %scan3A_211, %scan3A_212 : i32
    %scan3A_214 = arith.constant 1 : i32
    scf.for %scan3A_287 = %scan3A_211 to %scan3A_213 step %scan3A_214  : i32 {
      %mul3A_288 = arith.constant 5 : i32
      %mul3A_289 = arith.muli %scan3A_287, %mul3A_288 : i32
      %add3A_290 = arith.constant 0 : i32
      %add3A_291 = arith.addi %mul3A_289, %add3A_290 : i32
      %ge3A = arith.constant 5 : i32
      %ge3A_292 = arith.cmpi sge, %add3A_291, %ge3A : i32
      %convert_element_type3A_293 = arith.extui %ge3A_292 : i1 to i32
      %cond3A_294 = arith.constant 0 : i32
      %cond3A_295 = arith.cmpi ne, %convert_element_type3A_293, %cond3A_294 : i32
      scf.if %cond3A_295 {
        %dma_wait3A_367 = arith.constant 0 : i32
        %dma_wait3A_368 = arith.constant 0 : i32
        %dma_wait3A_369 = arith.constant 0 : i32
        %dma_wait3A_370 = tpu.memref_slice %arg8[%dma_wait3A_367, %dma_wait3A_368, %dma_wait3A_369] : memref<2x10000x8xf32, #tpu.memory_space<hbm>> -> memref<1x125x8xf32, #tpu.memory_space<hbm>>
        %dma_wait3A_371 = tpu.memref_squeeze %dma_wait3A_370 : memref<1x125x8xf32, #tpu.memory_space<hbm>> -> memref<125x8xf32, #tpu.memory_space<hbm>>
        %dma_wait3A_372 = arith.constant 0 : i32
        %dma_wait3A_373 = arith.constant 0 : i32
        %dma_wait3A_374 = tpu.memref_slice %arg8[%dma_wait3A_367, %dma_wait3A_372, %dma_wait3A_373] : memref<2x10000x8xf32, #tpu.memory_space<hbm>> -> memref<1x125x8xf32, #tpu.memory_space<hbm>>
        %dma_wait3A_375 = tpu.memref_squeeze %dma_wait3A_374 : memref<1x125x8xf32, #tpu.memory_space<hbm>> -> memref<125x8xf32, #tpu.memory_space<hbm>>
        tpu.wait_dma2 semaphore(%arg15 : memref<!tpu.dma_semaphore, #tpu.memory_space<semaphore_mem>>) src(%dma_wait3A_375 : memref<125x8xf32, #tpu.memory_space<hbm>>) dst(%arg11 : memref<125x8xf32, #tpu.memory_space<vmem>>)
      } else {
      }
      %dma_start3A_296 = arith.constant 0 : i32
      %dma_start3A_297 = arith.constant 0 : i32
      %dma_start3A_298 = tpu.memref_slice %arg10[%dma_start3A_296, %add3A_291, %dma_start3A_297] : memref<4x80x125xi32, #tpu.memory_space<vmem>> -> memref<1x1x125xi32, #tpu.memory_space<vmem>>
      %dma_start3A_299 = tpu.memref_squeeze %dma_start3A_298 : memref<1x1x125xi32, #tpu.memory_space<vmem>> -> memref<125xi32, #tpu.memory_space<vmem>>
      %dma_start3A_300 = arith.constant 0 : i32
      %dma_start3A_301 = arith.constant 0 : i32
      %dma_start3A_302 = tpu.memref_slice %arg9[%dma_start3A_300, %dma_start3A_301] : memref<10000x8xf32, #tpu.memory_space<vmem_shared>> -> memref<10000x8xf32, #tpu.memory_space<vmem_shared>>
      tpu.enqueue_indirect_dma source(%arg11 : memref<125x8xf32, #tpu.memory_space<vmem>>) target(%dma_start3A_302 : memref<10000x8xf32, #tpu.memory_space<vmem_shared>>) offsets(%dma_start3A_299 : memref<125xi32, #tpu.memory_space<vmem>>) semaphore(%arg15 : memref<!tpu.dma_semaphore, #tpu.memory_space<semaphore_mem>>) {add = true}
      %mul3A_303 = arith.constant 5 : i32
      %mul3A_304 = arith.muli %scan3A_287, %mul3A_303 : i32
      %add3A_305 = arith.constant 1 : i32
      %add3A_306 = arith.addi %mul3A_304, %add3A_305 : i32
      %ge3A_307 = arith.constant 5 : i32
      %ge3A_308 = arith.cmpi sge, %add3A_306, %ge3A_307 : i32
      %convert_element_type3A_309 = arith.extui %ge3A_308 : i1 to i32
      %cond3A_310 = arith.constant 0 : i32
      %cond3A_311 = arith.cmpi ne, %convert_element_type3A_309, %cond3A_310 : i32
      scf.if %cond3A_311 {
        %dma_wait3A_367 = arith.constant 0 : i32
        %dma_wait3A_368 = arith.constant 0 : i32
        %dma_wait3A_369 = arith.constant 0 : i32
        %dma_wait3A_370 = tpu.memref_slice %arg8[%dma_wait3A_367, %dma_wait3A_368, %dma_wait3A_369] : memref<2x10000x8xf32, #tpu.memory_space<hbm>> -> memref<1x125x8xf32, #tpu.memory_space<hbm>>
        %dma_wait3A_371 = tpu.memref_squeeze %dma_wait3A_370 : memref<1x125x8xf32, #tpu.memory_space<hbm>> -> memref<125x8xf32, #tpu.memory_space<hbm>>
        %dma_wait3A_372 = arith.constant 0 : i32
        %dma_wait3A_373 = arith.constant 0 : i32
        %dma_wait3A_374 = tpu.memref_slice %arg8[%dma_wait3A_367, %dma_wait3A_372, %dma_wait3A_373] : memref<2x10000x8xf32, #tpu.memory_space<hbm>> -> memref<1x125x8xf32, #tpu.memory_space<hbm>>
        %dma_wait3A_375 = tpu.memref_squeeze %dma_wait3A_374 : memref<1x125x8xf32, #tpu.memory_space<hbm>> -> memref<125x8xf32, #tpu.memory_space<hbm>>
        tpu.wait_dma2 semaphore(%arg16 : memref<!tpu.dma_semaphore, #tpu.memory_space<semaphore_mem>>) src(%dma_wait3A_375 : memref<125x8xf32, #tpu.memory_space<hbm>>) dst(%arg11 : memref<125x8xf32, #tpu.memory_space<vmem>>)
      } else {
      }
      %dma_start3A_312 = arith.constant 0 : i32
      %dma_start3A_313 = arith.constant 0 : i32
      %dma_start3A_314 = tpu.memref_slice %arg10[%dma_start3A_312, %add3A_306, %dma_start3A_313] : memref<4x80x125xi32, #tpu.memory_space<vmem>> -> memref<1x1x125xi32, #tpu.memory_space<vmem>>
      %dma_start3A_315 = tpu.memref_squeeze %dma_start3A_314 : memref<1x1x125xi32, #tpu.memory_space<vmem>> -> memref<125xi32, #tpu.memory_space<vmem>>
      %dma_start3A_316 = arith.constant 0 : i32
      %dma_start3A_317 = arith.constant 0 : i32
      %dma_start3A_318 = tpu.memref_slice %arg9[%dma_start3A_316, %dma_start3A_317] : memref<10000x8xf32, #tpu.memory_space<vmem_shared>> -> memref<10000x8xf32, #tpu.memory_space<vmem_shared>>
      tpu.enqueue_indirect_dma source(%arg11 : memref<125x8xf32, #tpu.memory_space<vmem>>) target(%dma_start3A_318 : memref<10000x8xf32, #tpu.memory_space<vmem_shared>>) offsets(%dma_start3A_315 : memref<125xi32, #tpu.memory_space<vmem>>) semaphore(%arg16 : memref<!tpu.dma_semaphore, #tpu.memory_space<semaphore_mem>>) {add = true}
      %mul3A_319 = arith.constant 5 : i32
      %mul3A_320 = arith.muli %scan3A_287, %mul3A_319 : i32
      %add3A_321 = arith.constant 2 : i32
      %add3A_322 = arith.addi %mul3A_320, %add3A_321 : i32
      %ge3A_323 = arith.constant 5 : i32
      %ge3A_324 = arith.cmpi sge, %add3A_322, %ge3A_323 : i32
      %convert_element_type3A_325 = arith.extui %ge3A_324 : i1 to i32
      %cond3A_326 = arith.constant 0 : i32
      %cond3A_327 = arith.cmpi ne, %convert_element_type3A_325, %cond3A_326 : i32
      scf.if %cond3A_327 {
        %dma_wait3A_367 = arith.constant 0 : i32
        %dma_wait3A_368 = arith.constant 0 : i32
        %dma_wait3A_369 = arith.constant 0 : i32
        %dma_wait3A_370 = tpu.memref_slice %arg8[%dma_wait3A_367, %dma_wait3A_368, %dma_wait3A_369] : memref<2x10000x8xf32, #tpu.memory_space<hbm>> -> memref<1x125x8xf32, #tpu.memory_space<hbm>>
        %dma_wait3A_371 = tpu.memref_squeeze %dma_wait3A_370 : memref<1x125x8xf32, #tpu.memory_space<hbm>> -> memref<125x8xf32, #tpu.memory_space<hbm>>
        %dma_wait3A_372 = arith.constant 0 : i32
        %dma_wait3A_373 = arith.constant 0 : i32
        %dma_wait3A_374 = tpu.memref_slice %arg8[%dma_wait3A_367, %dma_wait3A_372, %dma_wait3A_373] : memref<2x10000x8xf32, #tpu.memory_space<hbm>> -> memref<1x125x8xf32, #tpu.memory_space<hbm>>
        %dma_wait3A_375 = tpu.memref_squeeze %dma_wait3A_374 : memref<1x125x8xf32, #tpu.memory_space<hbm>> -> memref<125x8xf32, #tpu.memory_space<hbm>>
        tpu.wait_dma2 semaphore(%arg17 : memref<!tpu.dma_semaphore, #tpu.memory_space<semaphore_mem>>) src(%dma_wait3A_375 : memref<125x8xf32, #tpu.memory_space<hbm>>) dst(%arg11 : memref<125x8xf32, #tpu.memory_space<vmem>>)
      } else {
      }
      %dma_start3A_328 = arith.constant 0 : i32
      %dma_start3A_329 = arith.constant 0 : i32
      %dma_start3A_330 = tpu.memref_slice %arg10[%dma_start3A_328, %add3A_322, %dma_start3A_329] : memref<4x80x125xi32, #tpu.memory_space<vmem>> -> memref<1x1x125xi32, #tpu.memory_space<vmem>>
      %dma_start3A_331 = tpu.memref_squeeze %dma_start3A_330 : memref<1x1x125xi32, #tpu.memory_space<vmem>> -> memref<125xi32, #tpu.memory_space<vmem>>
      %dma_start3A_332 = arith.constant 0 : i32
      %dma_start3A_333 = arith.constant 0 : i32
      %dma_start3A_334 = tpu.memref_slice %arg9[%dma_start3A_332, %dma_start3A_333] : memref<10000x8xf32, #tpu.memory_space<vmem_shared>> -> memref<10000x8xf32, #tpu.memory_space<vmem_shared>>
      tpu.enqueue_indirect_dma source(%arg11 : memref<125x8xf32, #tpu.memory_space<vmem>>) target(%dma_start3A_334 : memref<10000x8xf32, #tpu.memory_space<vmem_shared>>) offsets(%dma_start3A_331 : memref<125xi32, #tpu.memory_space<vmem>>) semaphore(%arg17 : memref<!tpu.dma_semaphore, #tpu.memory_space<semaphore_mem>>) {add = true}
      %mul3A_335 = arith.constant 5 : i32
      %mul3A_336 = arith.muli %scan3A_287, %mul3A_335 : i32
      %add3A_337 = arith.constant 3 : i32
      %add3A_338 = arith.addi %mul3A_336, %add3A_337 : i32
      %ge3A_339 = arith.constant 5 : i32
      %ge3A_340 = arith.cmpi sge, %add3A_338, %ge3A_339 : i32
      %convert_element_type3A_341 = arith.extui %ge3A_340 : i1 to i32
      %cond3A_342 = arith.constant 0 : i32
      %cond3A_343 = arith.cmpi ne, %convert_element_type3A_341, %cond3A_342 : i32
      scf.if %cond3A_343 {
        %dma_wait3A_367 = arith.constant 0 : i32
        %dma_wait3A_368 = arith.constant 0 : i32
        %dma_wait3A_369 = arith.constant 0 : i32
        %dma_wait3A_370 = tpu.memref_slice %arg8[%dma_wait3A_367, %dma_wait3A_368, %dma_wait3A_369] : memref<2x10000x8xf32, #tpu.memory_space<hbm>> -> memref<1x125x8xf32, #tpu.memory_space<hbm>>
        %dma_wait3A_371 = tpu.memref_squeeze %dma_wait3A_370 : memref<1x125x8xf32, #tpu.memory_space<hbm>> -> memref<125x8xf32, #tpu.memory_space<hbm>>
        %dma_wait3A_372 = arith.constant 0 : i32
        %dma_wait3A_373 = arith.constant 0 : i32
        %dma_wait3A_374 = tpu.memref_slice %arg8[%dma_wait3A_367, %dma_wait3A_372, %dma_wait3A_373] : memref<2x10000x8xf32, #tpu.memory_space<hbm>> -> memref<1x125x8xf32, #tpu.memory_space<hbm>>
        %dma_wait3A_375 = tpu.memref_squeeze %dma_wait3A_374 : memref<1x125x8xf32, #tpu.memory_space<hbm>> -> memref<125x8xf32, #tpu.memory_space<hbm>>
        tpu.wait_dma2 semaphore(%arg18 : memref<!tpu.dma_semaphore, #tpu.memory_space<semaphore_mem>>) src(%dma_wait3A_375 : memref<125x8xf32, #tpu.memory_space<hbm>>) dst(%arg11 : memref<125x8xf32, #tpu.memory_space<vmem>>)
      } else {
      }
      %dma_start3A_344 = arith.constant 0 : i32
      %dma_start3A_345 = arith.constant 0 : i32
      %dma_start3A_346 = tpu.memref_slice %arg10[%dma_start3A_344, %add3A_338, %dma_start3A_345] : memref<4x80x125xi32, #tpu.memory_space<vmem>> -> memref<1x1x125xi32, #tpu.memory_space<vmem>>
      %dma_start3A_347 = tpu.memref_squeeze %dma_start3A_346 : memref<1x1x125xi32, #tpu.memory_space<vmem>> -> memref<125xi32, #tpu.memory_space<vmem>>
      %dma_start3A_348 = arith.constant 0 : i32
      %dma_start3A_349 = arith.constant 0 : i32
      %dma_start3A_350 = tpu.memref_slice %arg9[%dma_start3A_348, %dma_start3A_349] : memref<10000x8xf32, #tpu.memory_space<vmem_shared>> -> memref<10000x8xf32, #tpu.memory_space<vmem_shared>>
      tpu.enqueue_indirect_dma source(%arg11 : memref<125x8xf32, #tpu.memory_space<vmem>>) target(%dma_start3A_350 : memref<10000x8xf32, #tpu.memory_space<vmem_shared>>) offsets(%dma_start3A_347 : memref<125xi32, #tpu.memory_space<vmem>>) semaphore(%arg18 : memref<!tpu.dma_semaphore, #tpu.memory_space<semaphore_mem>>) {add = true}
      %mul3A_351 = arith.constant 5 : i32
      %mul3A_352 = arith.muli %scan3A_287, %mul3A_351 : i32
      %add3A_353 = arith.constant 4 : i32
      %add3A_354 = arith.addi %mul3A_352, %add3A_353 : i32
      %ge3A_355 = arith.constant 5 : i32
      %ge3A_356 = arith.cmpi sge, %add3A_354, %ge3A_355 : i32
      %convert_element_type3A_357 = arith.extui %ge3A_356 : i1 to i32
      %cond3A_358 = arith.constant 0 : i32
      %cond3A_359 = arith.cmpi ne, %convert_element_type3A_357, %cond3A_358 : i32
      scf.if %cond3A_359 {
        %dma_wait3A_367 = arith.constant 0 : i32
        %dma_wait3A_368 = arith.constant 0 : i32
        %dma_wait3A_369 = arith.constant 0 : i32
        %dma_wait3A_370 = tpu.memref_slice %arg8[%dma_wait3A_367, %dma_wait3A_368, %dma_wait3A_369] : memref<2x10000x8xf32, #tpu.memory_space<hbm>> -> memref<1x125x8xf32, #tpu.memory_space<hbm>>
        %dma_wait3A_371 = tpu.memref_squeeze %dma_wait3A_370 : memref<1x125x8xf32, #tpu.memory_space<hbm>> -> memref<125x8xf32, #tpu.memory_space<hbm>>
        %dma_wait3A_372 = arith.constant 0 : i32
        %dma_wait3A_373 = arith.constant 0 : i32
        %dma_wait3A_374 = tpu.memref_slice %arg8[%dma_wait3A_367, %dma_wait3A_372, %dma_wait3A_373] : memref<2x10000x8xf32, #tpu.memory_space<hbm>> -> memref<1x125x8xf32, #tpu.memory_space<hbm>>
        %dma_wait3A_375 = tpu.memref_squeeze %dma_wait3A_374 : memref<1x125x8xf32, #tpu.memory_space<hbm>> -> memref<125x8xf32, #tpu.memory_space<hbm>>
        tpu.wait_dma2 semaphore(%arg19 : memref<!tpu.dma_semaphore, #tpu.memory_space<semaphore_mem>>) src(%dma_wait3A_375 : memref<125x8xf32, #tpu.memory_space<hbm>>) dst(%arg11 : memref<125x8xf32, #tpu.memory_space<vmem>>)
      } else {
      }
      %dma_start3A_360 = arith.constant 0 : i32
      %dma_start3A_361 = arith.constant 0 : i32
      %dma_start3A_362 = tpu.memref_slice %arg10[%dma_start3A_360, %add3A_354, %dma_start3A_361] : memref<4x80x125xi32, #tpu.memory_space<vmem>> -> memref<1x1x125xi32, #tpu.memory_space<vmem>>
      %dma_start3A_363 = tpu.memref_squeeze %dma_start3A_362 : memref<1x1x125xi32, #tpu.memory_space<vmem>> -> memref<125xi32, #tpu.memory_space<vmem>>
      %dma_start3A_364 = arith.constant 0 : i32
      %dma_start3A_365 = arith.constant 0 : i32
      %dma_start3A_366 = tpu.memref_slice %arg9[%dma_start3A_364, %dma_start3A_365] : memref<10000x8xf32, #tpu.memory_space<vmem_shared>> -> memref<10000x8xf32, #tpu.memory_space<vmem_shared>>
      tpu.enqueue_indirect_dma source(%arg11 : memref<125x8xf32, #tpu.memory_space<vmem>>) target(%dma_start3A_366 : memref<10000x8xf32, #tpu.memory_space<vmem_shared>>) offsets(%dma_start3A_363 : memref<125xi32, #tpu.memory_space<vmem>>) semaphore(%arg19 : memref<!tpu.dma_semaphore, #tpu.memory_space<semaphore_mem>>) {add = true}
    }
    %scan3A_215 = arith.constant 16 : i32
    %scan3A_216 = arith.constant 0 : i32
    %scan3A_217 = arith.constant 0 : i32
    %scan3A_218 = arith.constant 16 : i32
    %scan3A_219 = arith.addi %scan3A_217, %scan3A_218 : i32
    %scan3A_220 = arith.constant 1 : i32
    scf.for %scan3A_287 = %scan3A_217 to %scan3A_219 step %scan3A_220  : i32 {
      %mul3A_288 = arith.constant 5 : i32
      %mul3A_289 = arith.muli %scan3A_287, %mul3A_288 : i32
      %add3A_290 = arith.constant 0 : i32
      %add3A_291 = arith.addi %mul3A_289, %add3A_290 : i32
      %dma_wait3A_292 = arith.constant 0 : i32
      %dma_wait3A_293 = arith.constant 0 : i32
      %dma_wait3A_294 = arith.constant 0 : i32
      %dma_wait3A_295 = tpu.memref_slice %arg8[%dma_wait3A_292, %dma_wait3A_293, %dma_wait3A_294] : memref<2x10000x8xf32, #tpu.memory_space<hbm>> -> memref<1x125x8xf32, #tpu.memory_space<hbm>>
      %dma_wait3A_296 = tpu.memref_squeeze %dma_wait3A_295 : memref<1x125x8xf32, #tpu.memory_space<hbm>> -> memref<125x8xf32, #tpu.memory_space<hbm>>
      %dma_wait3A_297 = arith.constant 0 : i32
      %dma_wait3A_298 = arith.constant 0 : i32
      %dma_wait3A_299 = tpu.memref_slice %arg8[%dma_wait3A_292, %dma_wait3A_297, %dma_wait3A_298] : memref<2x10000x8xf32, #tpu.memory_space<hbm>> -> memref<1x125x8xf32, #tpu.memory_space<hbm>>
      %dma_wait3A_300 = tpu.memref_squeeze %dma_wait3A_299 : memref<1x125x8xf32, #tpu.memory_space<hbm>> -> memref<125x8xf32, #tpu.memory_space<hbm>>
      tpu.wait_dma2 semaphore(%arg15 : memref<!tpu.dma_semaphore, #tpu.memory_space<semaphore_mem>>) src(%dma_wait3A_300 : memref<125x8xf32, #tpu.memory_space<hbm>>) dst(%arg11 : memref<125x8xf32, #tpu.memory_space<vmem>>)
      %dma_start3A_301 = arith.constant 1 : i32
      %dma_start3A_302 = arith.constant 0 : i32
      %dma_start3A_303 = tpu.memref_slice %arg10[%dma_start3A_301, %add3A_291, %dma_start3A_302] : memref<4x80x125xi32, #tpu.memory_space<vmem>> -> memref<1x1x125xi32, #tpu.memory_space<vmem>>
      %dma_start3A_304 = tpu.memref_squeeze %dma_start3A_303 : memref<1x1x125xi32, #tpu.memory_space<vmem>> -> memref<125xi32, #tpu.memory_space<vmem>>
      %dma_start3A_305 = arith.constant 0 : i32
      %dma_start3A_306 = arith.constant 0 : i32
      %dma_start3A_307 = tpu.memref_slice %arg9[%dma_start3A_305, %dma_start3A_306] : memref<10000x8xf32, #tpu.memory_space<vmem_shared>> -> memref<10000x8xf32, #tpu.memory_space<vmem_shared>>
      tpu.enqueue_indirect_dma source(%arg12 : memref<125x8xf32, #tpu.memory_space<vmem>>) target(%dma_start3A_307 : memref<10000x8xf32, #tpu.memory_space<vmem_shared>>) offsets(%dma_start3A_304 : memref<125xi32, #tpu.memory_space<vmem>>) semaphore(%arg15 : memref<!tpu.dma_semaphore, #tpu.memory_space<semaphore_mem>>) {add = true}
      %mul3A_308 = arith.constant 5 : i32
      %mul3A_309 = arith.muli %scan3A_287, %mul3A_308 : i32
      %add3A_310 = arith.constant 1 : i32
      %add3A_311 = arith.addi %mul3A_309, %add3A_310 : i32
      %dma_wait3A_312 = arith.constant 0 : i32
      %dma_wait3A_313 = arith.constant 0 : i32
      %dma_wait3A_314 = arith.constant 0 : i32
      %dma_wait3A_315 = tpu.memref_slice %arg8[%dma_wait3A_312, %dma_wait3A_313, %dma_wait3A_314] : memref<2x10000x8xf32, #tpu.memory_space<hbm>> -> memref<1x125x8xf32, #tpu.memory_space<hbm>>
      %dma_wait3A_316 = tpu.memref_squeeze %dma_wait3A_315 : memref<1x125x8xf32, #tpu.memory_space<hbm>> -> memref<125x8xf32, #tpu.memory_space<hbm>>
      %dma_wait3A_317 = arith.constant 0 : i32
      %dma_wait3A_318 = arith.constant 0 : i32
      %dma_wait3A_319 = tpu.memref_slice %arg8[%dma_wait3A_312, %dma_wait3A_317, %dma_wait3A_318] : memref<2x10000x8xf32, #tpu.memory_space<hbm>> -> memref<1x125x8xf32, #tpu.memory_space<hbm>>
      %dma_wait3A_320 = tpu.memref_squeeze %dma_wait3A_319 : memref<1x125x8xf32, #tpu.memory_space<hbm>> -> memref<125x8xf32, #tpu.memory_space<hbm>>
      tpu.wait_dma2 semaphore(%arg16 : memref<!tpu.dma_semaphore, #tpu.memory_space<semaphore_mem>>) src(%dma_wait3A_320 : memref<125x8xf32, #tpu.memory_space<hbm>>) dst(%arg11 : memref<125x8xf32, #tpu.memory_space<vmem>>)
      %dma_start3A_321 = arith.constant 1 : i32
      %dma_start3A_322 = arith.constant 0 : i32
      %dma_start3A_323 = tpu.memref_slice %arg10[%dma_start3A_321, %add3A_311, %dma_start3A_322] : memref<4x80x125xi32, #tpu.memory_space<vmem>> -> memref<1x1x125xi32, #tpu.memory_space<vmem>>
      %dma_start3A_324 = tpu.memref_squeeze %dma_start3A_323 : memref<1x1x125xi32, #tpu.memory_space<vmem>> -> memref<125xi32, #tpu.memory_space<vmem>>
      %dma_start3A_325 = arith.constant 0 : i32
      %dma_start3A_326 = arith.constant 0 : i32
      %dma_start3A_327 = tpu.memref_slice %arg9[%dma_start3A_325, %dma_start3A_326] : memref<10000x8xf32, #tpu.memory_space<vmem_shared>> -> memref<10000x8xf32, #tpu.memory_space<vmem_shared>>
      tpu.enqueue_indirect_dma source(%arg12 : memref<125x8xf32, #tpu.memory_space<vmem>>) target(%dma_start3A_327 : memref<10000x8xf32, #tpu.memory_space<vmem_shared>>) offsets(%dma_start3A_324 : memref<125xi32, #tpu.memory_space<vmem>>) semaphore(%arg16 : memref<!tpu.dma_semaphore, #tpu.memory_space<semaphore_mem>>) {add = true}
      %mul3A_328 = arith.constant 5 : i32
      %mul3A_329 = arith.muli %scan3A_287, %mul3A_328 : i32
      %add3A_330 = arith.constant 2 : i32
      %add3A_331 = arith.addi %mul3A_329, %add3A_330 : i32
      %dma_wait3A_332 = arith.constant 0 : i32
      %dma_wait3A_333 = arith.constant 0 : i32
      %dma_wait3A_334 = arith.constant 0 : i32
      %dma_wait3A_335 = tpu.memref_slice %arg8[%dma_wait3A_332, %dma_wait3A_333, %dma_wait3A_334] : memref<2x10000x8xf32, #tpu.memory_space<hbm>> -> memref<1x125x8xf32, #tpu.memory_space<hbm>>
      %dma_wait3A_336 = tpu.memref_squeeze %dma_wait3A_335 : memref<1x125x8xf32, #tpu.memory_space<hbm>> -> memref<125x8xf32, #tpu.memory_space<hbm>>
      %dma_wait3A_337 = arith.constant 0 : i32
      %dma_wait3A_338 = arith.constant 0 : i32
      %dma_wait3A_339 = tpu.memref_slice %arg8[%dma_wait3A_332, %dma_wait3A_337, %dma_wait3A_338] : memref<2x10000x8xf32, #tpu.memory_space<hbm>> -> memref<1x125x8xf32, #tpu.memory_space<hbm>>
      %dma_wait3A_340 = tpu.memref_squeeze %dma_wait3A_339 : memref<1x125x8xf32, #tpu.memory_space<hbm>> -> memref<125x8xf32, #tpu.memory_space<hbm>>
      tpu.wait_dma2 semaphore(%arg17 : memref<!tpu.dma_semaphore, #tpu.memory_space<semaphore_mem>>) src(%dma_wait3A_340 : memref<125x8xf32, #tpu.memory_space<hbm>>) dst(%arg11 : memref<125x8xf32, #tpu.memory_space<vmem>>)
      %dma_start3A_341 = arith.constant 1 : i32
      %dma_start3A_342 = arith.constant 0 : i32
      %dma_start3A_343 = tpu.memref_slice %arg10[%dma_start3A_341, %add3A_331, %dma_start3A_342] : memref<4x80x125xi32, #tpu.memory_space<vmem>> -> memref<1x1x125xi32, #tpu.memory_space<vmem>>
      %dma_start3A_344 = tpu.memref_squeeze %dma_start3A_343 : memref<1x1x125xi32, #tpu.memory_space<vmem>> -> memref<125xi32, #tpu.memory_space<vmem>>
      %dma_start3A_345 = arith.constant 0 : i32
      %dma_start3A_346 = arith.constant 0 : i32
      %dma_start3A_347 = tpu.memref_slice %arg9[%dma_start3A_345, %dma_start3A_346] : memref<10000x8xf32, #tpu.memory_space<vmem_shared>> -> memref<10000x8xf32, #tpu.memory_space<vmem_shared>>
      tpu.enqueue_indirect_dma source(%arg12 : memref<125x8xf32, #tpu.memory_space<vmem>>) target(%dma_start3A_347 : memref<10000x8xf32, #tpu.memory_space<vmem_shared>>) offsets(%dma_start3A_344 : memref<125xi32, #tpu.memory_space<vmem>>) semaphore(%arg17 : memref<!tpu.dma_semaphore, #tpu.memory_space<semaphore_mem>>) {add = true}
      %mul3A_348 = arith.constant 5 : i32
      %mul3A_349 = arith.muli %scan3A_287, %mul3A_348 : i32
      %add3A_350 = arith.constant 3 : i32
      %add3A_351 = arith.addi %mul3A_349, %add3A_350 : i32
      %dma_wait3A_352 = arith.constant 0 : i32
      %dma_wait3A_353 = arith.constant 0 : i32
      %dma_wait3A_354 = arith.constant 0 : i32
      %dma_wait3A_355 = tpu.memref_slice %arg8[%dma_wait3A_352, %dma_wait3A_353, %dma_wait3A_354] : memref<2x10000x8xf32, #tpu.memory_space<hbm>> -> memref<1x125x8xf32, #tpu.memory_space<hbm>>
      %dma_wait3A_356 = tpu.memref_squeeze %dma_wait3A_355 : memref<1x125x8xf32, #tpu.memory_space<hbm>> -> memref<125x8xf32, #tpu.memory_space<hbm>>
      %dma_wait3A_357 = arith.constant 0 : i32
      %dma_wait3A_358 = arith.constant 0 : i32
      %dma_wait3A_359 = tpu.memref_slice %arg8[%dma_wait3A_352, %dma_wait3A_357, %dma_wait3A_358] : memref<2x10000x8xf32, #tpu.memory_space<hbm>> -> memref<1x125x8xf32, #tpu.memory_space<hbm>>
      %dma_wait3A_360 = tpu.memref_squeeze %dma_wait3A_359 : memref<1x125x8xf32, #tpu.memory_space<hbm>> -> memref<125x8xf32, #tpu.memory_space<hbm>>
      tpu.wait_dma2 semaphore(%arg18 : memref<!tpu.dma_semaphore, #tpu.memory_space<semaphore_mem>>) src(%dma_wait3A_360 : memref<125x8xf32, #tpu.memory_space<hbm>>) dst(%arg11 : memref<125x8xf32, #tpu.memory_space<vmem>>)
      %dma_start3A_361 = arith.constant 1 : i32
      %dma_start3A_362 = arith.constant 0 : i32
      %dma_start3A_363 = tpu.memref_slice %arg10[%dma_start3A_361, %add3A_351, %dma_start3A_362] : memref<4x80x125xi32, #tpu.memory_space<vmem>> -> memref<1x1x125xi32, #tpu.memory_space<vmem>>
      %dma_start3A_364 = tpu.memref_squeeze %dma_start3A_363 : memref<1x1x125xi32, #tpu.memory_space<vmem>> -> memref<125xi32, #tpu.memory_space<vmem>>
      %dma_start3A_365 = arith.constant 0 : i32
      %dma_start3A_366 = arith.constant 0 : i32
      %dma_start3A_367 = tpu.memref_slice %arg9[%dma_start3A_365, %dma_start3A_366] : memref<10000x8xf32, #tpu.memory_space<vmem_shared>> -> memref<10000x8xf32, #tpu.memory_space<vmem_shared>>
      tpu.enqueue_indirect_dma source(%arg12 : memref<125x8xf32, #tpu.memory_space<vmem>>) target(%dma_start3A_367 : memref<10000x8xf32, #tpu.memory_space<vmem_shared>>) offsets(%dma_start3A_364 : memref<125xi32, #tpu.memory_space<vmem>>) semaphore(%arg18 : memref<!tpu.dma_semaphore, #tpu.memory_space<semaphore_mem>>) {add = true}
      %mul3A_368 = arith.constant 5 : i32
      %mul3A_369 = arith.muli %scan3A_287, %mul3A_368 : i32
      %add3A_370 = arith.constant 4 : i32
      %add3A_371 = arith.addi %mul3A_369, %add3A_370 : i32
      %dma_wait3A_372 = arith.constant 0 : i32
      %dma_wait3A_373 = arith.constant 0 : i32
      %dma_wait3A_374 = arith.constant 0 : i32
      %dma_wait3A_375 = tpu.memref_slice %arg8[%dma_wait3A_372, %dma_wait3A_373, %dma_wait3A_374] : memref<2x10000x8xf32, #tpu.memory_space<hbm>> -> memref<1x125x8xf32, #tpu.memory_space<hbm>>
      %dma_wait3A_376 = tpu.memref_squeeze %dma_wait3A_375 : memref<1x125x8xf32, #tpu.memory_space<hbm>> -> memref<125x8xf32, #tpu.memory_space<hbm>>
      %dma_wait3A_377 = arith.constant 0 : i32
      %dma_wait3A_378 = arith.constant 0 : i32
      %dma_wait3A_379 = tpu.memref_slice %arg8[%dma_wait3A_372, %dma_wait3A_377, %dma_wait3A_378] : memref<2x10000x8xf32, #tpu.memory_space<hbm>> -> memref<1x125x8xf32, #tpu.memory_space<hbm>>
      %dma_wait3A_380 = tpu.memref_squeeze %dma_wait3A_379 : memref<1x125x8xf32, #tpu.memory_space<hbm>> -> memref<125x8xf32, #tpu.memory_space<hbm>>
      tpu.wait_dma2 semaphore(%arg19 : memref<!tpu.dma_semaphore, #tpu.memory_space<semaphore_mem>>) src(%dma_wait3A_380 : memref<125x8xf32, #tpu.memory_space<hbm>>) dst(%arg11 : memref<125x8xf32, #tpu.memory_space<vmem>>)
      %dma_start3A_381 = arith.constant 1 : i32
      %dma_start3A_382 = arith.constant 0 : i32
      %dma_start3A_383 = tpu.memref_slice %arg10[%dma_start3A_381, %add3A_371, %dma_start3A_382] : memref<4x80x125xi32, #tpu.memory_space<vmem>> -> memref<1x1x125xi32, #tpu.memory_space<vmem>>
      %dma_start3A_384 = tpu.memref_squeeze %dma_start3A_383 : memref<1x1x125xi32, #tpu.memory_space<vmem>> -> memref<125xi32, #tpu.memory_space<vmem>>
      %dma_start3A_385 = arith.constant 0 : i32
      %dma_start3A_386 = arith.constant 0 : i32
      %dma_start3A_387 = tpu.memref_slice %arg9[%dma_start3A_385, %dma_start3A_386] : memref<10000x8xf32, #tpu.memory_space<vmem_shared>> -> memref<10000x8xf32, #tpu.memory_space<vmem_shared>>
      tpu.enqueue_indirect_dma source(%arg12 : memref<125x8xf32, #tpu.memory_space<vmem>>) target(%dma_start3A_387 : memref<10000x8xf32, #tpu.memory_space<vmem_shared>>) offsets(%dma_start3A_384 : memref<125xi32, #tpu.memory_space<vmem>>) semaphore(%arg19 : memref<!tpu.dma_semaphore, #tpu.memory_space<semaphore_mem>>) {add = true}
    }
    %scan3A_221 = arith.constant 16 : i32
    %scan3A_222 = arith.constant 0 : i32
    %scan3A_223 = arith.constant 0 : i32
    %scan3A_224 = arith.constant 16 : i32
    %scan3A_225 = arith.addi %scan3A_223, %scan3A_224 : i32
    %scan3A_226 = arith.constant 1 : i32
    scf.for %scan3A_287 = %scan3A_223 to %scan3A_225 step %scan3A_226  : i32 {
      %mul3A_288 = arith.constant 5 : i32
      %mul3A_289 = arith.muli %scan3A_287, %mul3A_288 : i32
      %add3A_290 = arith.constant 0 : i32
      %add3A_291 = arith.addi %mul3A_289, %add3A_290 : i32
      %dma_wait3A_292 = arith.constant 0 : i32
      %dma_wait3A_293 = arith.constant 0 : i32
      %dma_wait3A_294 = arith.constant 0 : i32
      %dma_wait3A_295 = tpu.memref_slice %arg8[%dma_wait3A_292, %dma_wait3A_293, %dma_wait3A_294] : memref<2x10000x8xf32, #tpu.memory_space<hbm>> -> memref<1x125x8xf32, #tpu.memory_space<hbm>>
      %dma_wait3A_296 = tpu.memref_squeeze %dma_wait3A_295 : memref<1x125x8xf32, #tpu.memory_space<hbm>> -> memref<125x8xf32, #tpu.memory_space<hbm>>
      %dma_wait3A_297 = arith.constant 0 : i32
      %dma_wait3A_298 = arith.constant 0 : i32
      %dma_wait3A_299 = tpu.memref_slice %arg8[%dma_wait3A_292, %dma_wait3A_297, %dma_wait3A_298] : memref<2x10000x8xf32, #tpu.memory_space<hbm>> -> memref<1x125x8xf32, #tpu.memory_space<hbm>>
      %dma_wait3A_300 = tpu.memref_squeeze %dma_wait3A_299 : memref<1x125x8xf32, #tpu.memory_space<hbm>> -> memref<125x8xf32, #tpu.memory_space<hbm>>
      tpu.wait_dma2 semaphore(%arg15 : memref<!tpu.dma_semaphore, #tpu.memory_space<semaphore_mem>>) src(%dma_wait3A_300 : memref<125x8xf32, #tpu.memory_space<hbm>>) dst(%arg11 : memref<125x8xf32, #tpu.memory_space<vmem>>)
      %dma_start3A_301 = arith.constant 2 : i32
      %dma_start3A_302 = arith.constant 0 : i32
      %dma_start3A_303 = tpu.memref_slice %arg10[%dma_start3A_301, %add3A_291, %dma_start3A_302] : memref<4x80x125xi32, #tpu.memory_space<vmem>> -> memref<1x1x125xi32, #tpu.memory_space<vmem>>
      %dma_start3A_304 = tpu.memref_squeeze %dma_start3A_303 : memref<1x1x125xi32, #tpu.memory_space<vmem>> -> memref<125xi32, #tpu.memory_space<vmem>>
      %dma_start3A_305 = arith.constant 0 : i32
      %dma_start3A_306 = arith.constant 0 : i32
      %dma_start3A_307 = tpu.memref_slice %arg9[%dma_start3A_305, %dma_start3A_306] : memref<10000x8xf32, #tpu.memory_space<vmem_shared>> -> memref<10000x8xf32, #tpu.memory_space<vmem_shared>>
      tpu.enqueue_indirect_dma source(%arg13 : memref<125x8xf32, #tpu.memory_space<vmem>>) target(%dma_start3A_307 : memref<10000x8xf32, #tpu.memory_space<vmem_shared>>) offsets(%dma_start3A_304 : memref<125xi32, #tpu.memory_space<vmem>>) semaphore(%arg15 : memref<!tpu.dma_semaphore, #tpu.memory_space<semaphore_mem>>) {add = true}
      %mul3A_308 = arith.constant 5 : i32
      %mul3A_309 = arith.muli %scan3A_287, %mul3A_308 : i32
      %add3A_310 = arith.constant 1 : i32
      %add3A_311 = arith.addi %mul3A_309, %add3A_310 : i32
      %dma_wait3A_312 = arith.constant 0 : i32
      %dma_wait3A_313 = arith.constant 0 : i32
      %dma_wait3A_314 = arith.constant 0 : i32
      %dma_wait3A_315 = tpu.memref_slice %arg8[%dma_wait3A_312, %dma_wait3A_313, %dma_wait3A_314] : memref<2x10000x8xf32, #tpu.memory_space<hbm>> -> memref<1x125x8xf32, #tpu.memory_space<hbm>>
      %dma_wait3A_316 = tpu.memref_squeeze %dma_wait3A_315 : memref<1x125x8xf32, #tpu.memory_space<hbm>> -> memref<125x8xf32, #tpu.memory_space<hbm>>
      %dma_wait3A_317 = arith.constant 0 : i32
      %dma_wait3A_318 = arith.constant 0 : i32
      %dma_wait3A_319 = tpu.memref_slice %arg8[%dma_wait3A_312, %dma_wait3A_317, %dma_wait3A_318] : memref<2x10000x8xf32, #tpu.memory_space<hbm>> -> memref<1x125x8xf32, #tpu.memory_space<hbm>>
      %dma_wait3A_320 = tpu.memref_squeeze %dma_wait3A_319 : memref<1x125x8xf32, #tpu.memory_space<hbm>> -> memref<125x8xf32, #tpu.memory_space<hbm>>
      tpu.wait_dma2 semaphore(%arg16 : memref<!tpu.dma_semaphore, #tpu.memory_space<semaphore_mem>>) src(%dma_wait3A_320 : memref<125x8xf32, #tpu.memory_space<hbm>>) dst(%arg11 : memref<125x8xf32, #tpu.memory_space<vmem>>)
      %dma_start3A_321 = arith.constant 2 : i32
      %dma_start3A_322 = arith.constant 0 : i32
      %dma_start3A_323 = tpu.memref_slice %arg10[%dma_start3A_321, %add3A_311, %dma_start3A_322] : memref<4x80x125xi32, #tpu.memory_space<vmem>> -> memref<1x1x125xi32, #tpu.memory_space<vmem>>
      %dma_start3A_324 = tpu.memref_squeeze %dma_start3A_323 : memref<1x1x125xi32, #tpu.memory_space<vmem>> -> memref<125xi32, #tpu.memory_space<vmem>>
      %dma_start3A_325 = arith.constant 0 : i32
      %dma_start3A_326 = arith.constant 0 : i32
      %dma_start3A_327 = tpu.memref_slice %arg9[%dma_start3A_325, %dma_start3A_326] : memref<10000x8xf32, #tpu.memory_space<vmem_shared>> -> memref<10000x8xf32, #tpu.memory_space<vmem_shared>>
      tpu.enqueue_indirect_dma source(%arg13 : memref<125x8xf32, #tpu.memory_space<vmem>>) target(%dma_start3A_327 : memref<10000x8xf32, #tpu.memory_space<vmem_shared>>) offsets(%dma_start3A_324 : memref<125xi32, #tpu.memory_space<vmem>>) semaphore(%arg16 : memref<!tpu.dma_semaphore, #tpu.memory_space<semaphore_mem>>) {add = true}
      %mul3A_328 = arith.constant 5 : i32
      %mul3A_329 = arith.muli %scan3A_287, %mul3A_328 : i32
      %add3A_330 = arith.constant 2 : i32
      %add3A_331 = arith.addi %mul3A_329, %add3A_330 : i32
      %dma_wait3A_332 = arith.constant 0 : i32
      %dma_wait3A_333 = arith.constant 0 : i32
      %dma_wait3A_334 = arith.constant 0 : i32
      %dma_wait3A_335 = tpu.memref_slice %arg8[%dma_wait3A_332, %dma_wait3A_333, %dma_wait3A_334] : memref<2x10000x8xf32, #tpu.memory_space<hbm>> -> memref<1x125x8xf32, #tpu.memory_space<hbm>>
      %dma_wait3A_336 = tpu.memref_squeeze %dma_wait3A_335 : memref<1x125x8xf32, #tpu.memory_space<hbm>> -> memref<125x8xf32, #tpu.memory_space<hbm>>
      %dma_wait3A_337 = arith.constant 0 : i32
      %dma_wait3A_338 = arith.constant 0 : i32
      %dma_wait3A_339 = tpu.memref_slice %arg8[%dma_wait3A_332, %dma_wait3A_337, %dma_wait3A_338] : memref<2x10000x8xf32, #tpu.memory_space<hbm>> -> memref<1x125x8xf32, #tpu.memory_space<hbm>>
      %dma_wait3A_340 = tpu.memref_squeeze %dma_wait3A_339 : memref<1x125x8xf32, #tpu.memory_space<hbm>> -> memref<125x8xf32, #tpu.memory_space<hbm>>
      tpu.wait_dma2 semaphore(%arg17 : memref<!tpu.dma_semaphore, #tpu.memory_space<semaphore_mem>>) src(%dma_wait3A_340 : memref<125x8xf32, #tpu.memory_space<hbm>>) dst(%arg11 : memref<125x8xf32, #tpu.memory_space<vmem>>)
      %dma_start3A_341 = arith.constant 2 : i32
      %dma_start3A_342 = arith.constant 0 : i32
      %dma_start3A_343 = tpu.memref_slice %arg10[%dma_start3A_341, %add3A_331, %dma_start3A_342] : memref<4x80x125xi32, #tpu.memory_space<vmem>> -> memref<1x1x125xi32, #tpu.memory_space<vmem>>
      %dma_start3A_344 = tpu.memref_squeeze %dma_start3A_343 : memref<1x1x125xi32, #tpu.memory_space<vmem>> -> memref<125xi32, #tpu.memory_space<vmem>>
      %dma_start3A_345 = arith.constant 0 : i32
      %dma_start3A_346 = arith.constant 0 : i32
      %dma_start3A_347 = tpu.memref_slice %arg9[%dma_start3A_345, %dma_start3A_346] : memref<10000x8xf32, #tpu.memory_space<vmem_shared>> -> memref<10000x8xf32, #tpu.memory_space<vmem_shared>>
      tpu.enqueue_indirect_dma source(%arg13 : memref<125x8xf32, #tpu.memory_space<vmem>>) target(%dma_start3A_347 : memref<10000x8xf32, #tpu.memory_space<vmem_shared>>) offsets(%dma_start3A_344 : memref<125xi32, #tpu.memory_space<vmem>>) semaphore(%arg17 : memref<!tpu.dma_semaphore, #tpu.memory_space<semaphore_mem>>) {add = true}
      %mul3A_348 = arith.constant 5 : i32
      %mul3A_349 = arith.muli %scan3A_287, %mul3A_348 : i32
      %add3A_350 = arith.constant 3 : i32
      %add3A_351 = arith.addi %mul3A_349, %add3A_350 : i32
      %dma_wait3A_352 = arith.constant 0 : i32
      %dma_wait3A_353 = arith.constant 0 : i32
      %dma_wait3A_354 = arith.constant 0 : i32
      %dma_wait3A_355 = tpu.memref_slice %arg8[%dma_wait3A_352, %dma_wait3A_353, %dma_wait3A_354] : memref<2x10000x8xf32, #tpu.memory_space<hbm>> -> memref<1x125x8xf32, #tpu.memory_space<hbm>>
      %dma_wait3A_356 = tpu.memref_squeeze %dma_wait3A_355 : memref<1x125x8xf32, #tpu.memory_space<hbm>> -> memref<125x8xf32, #tpu.memory_space<hbm>>
      %dma_wait3A_357 = arith.constant 0 : i32
      %dma_wait3A_358 = arith.constant 0 : i32
      %dma_wait3A_359 = tpu.memref_slice %arg8[%dma_wait3A_352, %dma_wait3A_357, %dma_wait3A_358] : memref<2x10000x8xf32, #tpu.memory_space<hbm>> -> memref<1x125x8xf32, #tpu.memory_space<hbm>>
      %dma_wait3A_360 = tpu.memref_squeeze %dma_wait3A_359 : memref<1x125x8xf32, #tpu.memory_space<hbm>> -> memref<125x8xf32, #tpu.memory_space<hbm>>
      tpu.wait_dma2 semaphore(%arg18 : memref<!tpu.dma_semaphore, #tpu.memory_space<semaphore_mem>>) src(%dma_wait3A_360 : memref<125x8xf32, #tpu.memory_space<hbm>>) dst(%arg11 : memref<125x8xf32, #tpu.memory_space<vmem>>)
      %dma_start3A_361 = arith.constant 2 : i32
      %dma_start3A_362 = arith.constant 0 : i32
      %dma_start3A_363 = tpu.memref_slice %arg10[%dma_start3A_361, %add3A_351, %dma_start3A_362] : memref<4x80x125xi32, #tpu.memory_space<vmem>> -> memref<1x1x125xi32, #tpu.memory_space<vmem>>
      %dma_start3A_364 = tpu.memref_squeeze %dma_start3A_363 : memref<1x1x125xi32, #tpu.memory_space<vmem>> -> memref<125xi32, #tpu.memory_space<vmem>>
      %dma_start3A_365 = arith.constant 0 : i32
      %dma_start3A_366 = arith.constant 0 : i32
      %dma_start3A_367 = tpu.memref_slice %arg9[%dma_start3A_365, %dma_start3A_366] : memref<10000x8xf32, #tpu.memory_space<vmem_shared>> -> memref<10000x8xf32, #tpu.memory_space<vmem_shared>>
      tpu.enqueue_indirect_dma source(%arg13 : memref<125x8xf32, #tpu.memory_space<vmem>>) target(%dma_start3A_367 : memref<10000x8xf32, #tpu.memory_space<vmem_shared>>) offsets(%dma_start3A_364 : memref<125xi32, #tpu.memory_space<vmem>>) semaphore(%arg18 : memref<!tpu.dma_semaphore, #tpu.memory_space<semaphore_mem>>) {add = true}
      %mul3A_368 = arith.constant 5 : i32
      %mul3A_369 = arith.muli %scan3A_287, %mul3A_368 : i32
      %add3A_370 = arith.constant 4 : i32
      %add3A_371 = arith.addi %mul3A_369, %add3A_370 : i32
      %dma_wait3A_372 = arith.constant 0 : i32
      %dma_wait3A_373 = arith.constant 0 : i32
      %dma_wait3A_374 = arith.constant 0 : i32
      %dma_wait3A_375 = tpu.memref_slice %arg8[%dma_wait3A_372, %dma_wait3A_373, %dma_wait3A_374] : memref<2x10000x8xf32, #tpu.memory_space<hbm>> -> memref<1x125x8xf32, #tpu.memory_space<hbm>>
      %dma_wait3A_376 = tpu.memref_squeeze %dma_wait3A_375 : memref<1x125x8xf32, #tpu.memory_space<hbm>> -> memref<125x8xf32, #tpu.memory_space<hbm>>
      %dma_wait3A_377 = arith.constant 0 : i32
      %dma_wait3A_378 = arith.constant 0 : i32
      %dma_wait3A_379 = tpu.memref_slice %arg8[%dma_wait3A_372, %dma_wait3A_377, %dma_wait3A_378] : memref<2x10000x8xf32, #tpu.memory_space<hbm>> -> memref<1x125x8xf32, #tpu.memory_space<hbm>>
      %dma_wait3A_380 = tpu.memref_squeeze %dma_wait3A_379 : memref<1x125x8xf32, #tpu.memory_space<hbm>> -> memref<125x8xf32, #tpu.memory_space<hbm>>
      tpu.wait_dma2 semaphore(%arg19 : memref<!tpu.dma_semaphore, #tpu.memory_space<semaphore_mem>>) src(%dma_wait3A_380 : memref<125x8xf32, #tpu.memory_space<hbm>>) dst(%arg11 : memref<125x8xf32, #tpu.memory_space<vmem>>)
      %dma_start3A_381 = arith.constant 2 : i32
      %dma_start3A_382 = arith.constant 0 : i32
      %dma_start3A_383 = tpu.memref_slice %arg10[%dma_start3A_381, %add3A_371, %dma_start3A_382] : memref<4x80x125xi32, #tpu.memory_space<vmem>> -> memref<1x1x125xi32, #tpu.memory_space<vmem>>
      %dma_start3A_384 = tpu.memref_squeeze %dma_start3A_383 : memref<1x1x125xi32, #tpu.memory_space<vmem>> -> memref<125xi32, #tpu.memory_space<vmem>>
      %dma_start3A_385 = arith.constant 0 : i32
      %dma_start3A_386 = arith.constant 0 : i32
      %dma_start3A_387 = tpu.memref_slice %arg9[%dma_start3A_385, %dma_start3A_386] : memref<10000x8xf32, #tpu.memory_space<vmem_shared>> -> memref<10000x8xf32, #tpu.memory_space<vmem_shared>>
      tpu.enqueue_indirect_dma source(%arg13 : memref<125x8xf32, #tpu.memory_space<vmem>>) target(%dma_start3A_387 : memref<10000x8xf32, #tpu.memory_space<vmem_shared>>) offsets(%dma_start3A_384 : memref<125xi32, #tpu.memory_space<vmem>>) semaphore(%arg19 : memref<!tpu.dma_semaphore, #tpu.memory_space<semaphore_mem>>) {add = true}
    }
    %scan3A_227 = arith.constant 16 : i32
    %scan3A_228 = arith.constant 0 : i32
    %scan3A_229 = arith.constant 0 : i32
    %scan3A_230 = arith.constant 16 : i32
    %scan3A_231 = arith.addi %scan3A_229, %scan3A_230 : i32
    %scan3A_232 = arith.constant 1 : i32
    scf.for %scan3A_287 = %scan3A_229 to %scan3A_231 step %scan3A_232  : i32 {
      %mul3A_288 = arith.constant 5 : i32
      %mul3A_289 = arith.muli %scan3A_287, %mul3A_288 : i32
      %add3A_290 = arith.constant 0 : i32
      %add3A_291 = arith.addi %mul3A_289, %add3A_290 : i32
      %dma_wait3A_292 = arith.constant 0 : i32
      %dma_wait3A_293 = arith.constant 0 : i32
      %dma_wait3A_294 = arith.constant 0 : i32
      %dma_wait3A_295 = tpu.memref_slice %arg8[%dma_wait3A_292, %dma_wait3A_293, %dma_wait3A_294] : memref<2x10000x8xf32, #tpu.memory_space<hbm>> -> memref<1x125x8xf32, #tpu.memory_space<hbm>>
      %dma_wait3A_296 = tpu.memref_squeeze %dma_wait3A_295 : memref<1x125x8xf32, #tpu.memory_space<hbm>> -> memref<125x8xf32, #tpu.memory_space<hbm>>
      %dma_wait3A_297 = arith.constant 0 : i32
      %dma_wait3A_298 = arith.constant 0 : i32
      %dma_wait3A_299 = tpu.memref_slice %arg8[%dma_wait3A_292, %dma_wait3A_297, %dma_wait3A_298] : memref<2x10000x8xf32, #tpu.memory_space<hbm>> -> memref<1x125x8xf32, #tpu.memory_space<hbm>>
      %dma_wait3A_300 = tpu.memref_squeeze %dma_wait3A_299 : memref<1x125x8xf32, #tpu.memory_space<hbm>> -> memref<125x8xf32, #tpu.memory_space<hbm>>
      tpu.wait_dma2 semaphore(%arg15 : memref<!tpu.dma_semaphore, #tpu.memory_space<semaphore_mem>>) src(%dma_wait3A_300 : memref<125x8xf32, #tpu.memory_space<hbm>>) dst(%arg11 : memref<125x8xf32, #tpu.memory_space<vmem>>)
      %dma_start3A_301 = arith.constant 3 : i32
      %dma_start3A_302 = arith.constant 0 : i32
      %dma_start3A_303 = tpu.memref_slice %arg10[%dma_start3A_301, %add3A_291, %dma_start3A_302] : memref<4x80x125xi32, #tpu.memory_space<vmem>> -> memref<1x1x125xi32, #tpu.memory_space<vmem>>
      %dma_start3A_304 = tpu.memref_squeeze %dma_start3A_303 : memref<1x1x125xi32, #tpu.memory_space<vmem>> -> memref<125xi32, #tpu.memory_space<vmem>>
      %dma_start3A_305 = arith.constant 0 : i32
      %dma_start3A_306 = arith.constant 0 : i32
      %dma_start3A_307 = tpu.memref_slice %arg9[%dma_start3A_305, %dma_start3A_306] : memref<10000x8xf32, #tpu.memory_space<vmem_shared>> -> memref<10000x8xf32, #tpu.memory_space<vmem_shared>>
      tpu.enqueue_indirect_dma source(%arg14 : memref<125x8xf32, #tpu.memory_space<vmem>>) target(%dma_start3A_307 : memref<10000x8xf32, #tpu.memory_space<vmem_shared>>) offsets(%dma_start3A_304 : memref<125xi32, #tpu.memory_space<vmem>>) semaphore(%arg15 : memref<!tpu.dma_semaphore, #tpu.memory_space<semaphore_mem>>) {add = true}
      %mul3A_308 = arith.constant 5 : i32
      %mul3A_309 = arith.muli %scan3A_287, %mul3A_308 : i32
      %add3A_310 = arith.constant 1 : i32
      %add3A_311 = arith.addi %mul3A_309, %add3A_310 : i32
      %dma_wait3A_312 = arith.constant 0 : i32
      %dma_wait3A_313 = arith.constant 0 : i32
      %dma_wait3A_314 = arith.constant 0 : i32
      %dma_wait3A_315 = tpu.memref_slice %arg8[%dma_wait3A_312, %dma_wait3A_313, %dma_wait3A_314] : memref<2x10000x8xf32, #tpu.memory_space<hbm>> -> memref<1x125x8xf32, #tpu.memory_space<hbm>>
      %dma_wait3A_316 = tpu.memref_squeeze %dma_wait3A_315 : memref<1x125x8xf32, #tpu.memory_space<hbm>> -> memref<125x8xf32, #tpu.memory_space<hbm>>
      %dma_wait3A_317 = arith.constant 0 : i32
      %dma_wait3A_318 = arith.constant 0 : i32
      %dma_wait3A_319 = tpu.memref_slice %arg8[%dma_wait3A_312, %dma_wait3A_317, %dma_wait3A_318] : memref<2x10000x8xf32, #tpu.memory_space<hbm>> -> memref<1x125x8xf32, #tpu.memory_space<hbm>>
      %dma_wait3A_320 = tpu.memref_squeeze %dma_wait3A_319 : memref<1x125x8xf32, #tpu.memory_space<hbm>> -> memref<125x8xf32, #tpu.memory_space<hbm>>
      tpu.wait_dma2 semaphore(%arg16 : memref<!tpu.dma_semaphore, #tpu.memory_space<semaphore_mem>>) src(%dma_wait3A_320 : memref<125x8xf32, #tpu.memory_space<hbm>>) dst(%arg11 : memref<125x8xf32, #tpu.memory_space<vmem>>)
      %dma_start3A_321 = arith.constant 3 : i32
      %dma_start3A_322 = arith.constant 0 : i32
      %dma_start3A_323 = tpu.memref_slice %arg10[%dma_start3A_321, %add3A_311, %dma_start3A_322] : memref<4x80x125xi32, #tpu.memory_space<vmem>> -> memref<1x1x125xi32, #tpu.memory_space<vmem>>
      %dma_start3A_324 = tpu.memref_squeeze %dma_start3A_323 : memref<1x1x125xi32, #tpu.memory_space<vmem>> -> memref<125xi32, #tpu.memory_space<vmem>>
      %dma_start3A_325 = arith.constant 0 : i32
      %dma_start3A_326 = arith.constant 0 : i32
      %dma_start3A_327 = tpu.memref_slice %arg9[%dma_start3A_325, %dma_start3A_326] : memref<10000x8xf32, #tpu.memory_space<vmem_shared>> -> memref<10000x8xf32, #tpu.memory_space<vmem_shared>>
      tpu.enqueue_indirect_dma source(%arg14 : memref<125x8xf32, #tpu.memory_space<vmem>>) target(%dma_start3A_327 : memref<10000x8xf32, #tpu.memory_space<vmem_shared>>) offsets(%dma_start3A_324 : memref<125xi32, #tpu.memory_space<vmem>>) semaphore(%arg16 : memref<!tpu.dma_semaphore, #tpu.memory_space<semaphore_mem>>) {add = true}
      %mul3A_328 = arith.constant 5 : i32
      %mul3A_329 = arith.muli %scan3A_287, %mul3A_328 : i32
      %add3A_330 = arith.constant 2 : i32
      %add3A_331 = arith.addi %mul3A_329, %add3A_330 : i32
      %dma_wait3A_332 = arith.constant 0 : i32
      %dma_wait3A_333 = arith.constant 0 : i32
      %dma_wait3A_334 = arith.constant 0 : i32
      %dma_wait3A_335 = tpu.memref_slice %arg8[%dma_wait3A_332, %dma_wait3A_333, %dma_wait3A_334] : memref<2x10000x8xf32, #tpu.memory_space<hbm>> -> memref<1x125x8xf32, #tpu.memory_space<hbm>>
      %dma_wait3A_336 = tpu.memref_squeeze %dma_wait3A_335 : memref<1x125x8xf32, #tpu.memory_space<hbm>> -> memref<125x8xf32, #tpu.memory_space<hbm>>
      %dma_wait3A_337 = arith.constant 0 : i32
      %dma_wait3A_338 = arith.constant 0 : i32
      %dma_wait3A_339 = tpu.memref_slice %arg8[%dma_wait3A_332, %dma_wait3A_337, %dma_wait3A_338] : memref<2x10000x8xf32, #tpu.memory_space<hbm>> -> memref<1x125x8xf32, #tpu.memory_space<hbm>>
      %dma_wait3A_340 = tpu.memref_squeeze %dma_wait3A_339 : memref<1x125x8xf32, #tpu.memory_space<hbm>> -> memref<125x8xf32, #tpu.memory_space<hbm>>
      tpu.wait_dma2 semaphore(%arg17 : memref<!tpu.dma_semaphore, #tpu.memory_space<semaphore_mem>>) src(%dma_wait3A_340 : memref<125x8xf32, #tpu.memory_space<hbm>>) dst(%arg11 : memref<125x8xf32, #tpu.memory_space<vmem>>)
      %dma_start3A_341 = arith.constant 3 : i32
      %dma_start3A_342 = arith.constant 0 : i32
      %dma_start3A_343 = tpu.memref_slice %arg10[%dma_start3A_341, %add3A_331, %dma_start3A_342] : memref<4x80x125xi32, #tpu.memory_space<vmem>> -> memref<1x1x125xi32, #tpu.memory_space<vmem>>
      %dma_start3A_344 = tpu.memref_squeeze %dma_start3A_343 : memref<1x1x125xi32, #tpu.memory_space<vmem>> -> memref<125xi32, #tpu.memory_space<vmem>>
      %dma_start3A_345 = arith.constant 0 : i32
      %dma_start3A_346 = arith.constant 0 : i32
      %dma_start3A_347 = tpu.memref_slice %arg9[%dma_start3A_345, %dma_start3A_346] : memref<10000x8xf32, #tpu.memory_space<vmem_shared>> -> memref<10000x8xf32, #tpu.memory_space<vmem_shared>>
      tpu.enqueue_indirect_dma source(%arg14 : memref<125x8xf32, #tpu.memory_space<vmem>>) target(%dma_start3A_347 : memref<10000x8xf32, #tpu.memory_space<vmem_shared>>) offsets(%dma_start3A_344 : memref<125xi32, #tpu.memory_space<vmem>>) semaphore(%arg17 : memref<!tpu.dma_semaphore, #tpu.memory_space<semaphore_mem>>) {add = true}
      %mul3A_348 = arith.constant 5 : i32
      %mul3A_349 = arith.muli %scan3A_287, %mul3A_348 : i32
      %add3A_350 = arith.constant 3 : i32
      %add3A_351 = arith.addi %mul3A_349, %add3A_350 : i32
      %dma_wait3A_352 = arith.constant 0 : i32
      %dma_wait3A_353 = arith.constant 0 : i32
      %dma_wait3A_354 = arith.constant 0 : i32
      %dma_wait3A_355 = tpu.memref_slice %arg8[%dma_wait3A_352, %dma_wait3A_353, %dma_wait3A_354] : memref<2x10000x8xf32, #tpu.memory_space<hbm>> -> memref<1x125x8xf32, #tpu.memory_space<hbm>>
      %dma_wait3A_356 = tpu.memref_squeeze %dma_wait3A_355 : memref<1x125x8xf32, #tpu.memory_space<hbm>> -> memref<125x8xf32, #tpu.memory_space<hbm>>
      %dma_wait3A_357 = arith.constant 0 : i32
      %dma_wait3A_358 = arith.constant 0 : i32
      %dma_wait3A_359 = tpu.memref_slice %arg8[%dma_wait3A_352, %dma_wait3A_357, %dma_wait3A_358] : memref<2x10000x8xf32, #tpu.memory_space<hbm>> -> memref<1x125x8xf32, #tpu.memory_space<hbm>>
      %dma_wait3A_360 = tpu.memref_squeeze %dma_wait3A_359 : memref<1x125x8xf32, #tpu.memory_space<hbm>> -> memref<125x8xf32, #tpu.memory_space<hbm>>
      tpu.wait_dma2 semaphore(%arg18 : memref<!tpu.dma_semaphore, #tpu.memory_space<semaphore_mem>>) src(%dma_wait3A_360 : memref<125x8xf32, #tpu.memory_space<hbm>>) dst(%arg11 : memref<125x8xf32, #tpu.memory_space<vmem>>)
      %dma_start3A_361 = arith.constant 3 : i32
      %dma_start3A_362 = arith.constant 0 : i32
      %dma_start3A_363 = tpu.memref_slice %arg10[%dma_start3A_361, %add3A_351, %dma_start3A_362] : memref<4x80x125xi32, #tpu.memory_space<vmem>> -> memref<1x1x125xi32, #tpu.memory_space<vmem>>
      %dma_start3A_364 = tpu.memref_squeeze %dma_start3A_363 : memref<1x1x125xi32, #tpu.memory_space<vmem>> -> memref<125xi32, #tpu.memory_space<vmem>>
      %dma_start3A_365 = arith.constant 0 : i32
      %dma_start3A_366 = arith.constant 0 : i32
      %dma_start3A_367 = tpu.memref_slice %arg9[%dma_start3A_365, %dma_start3A_366] : memref<10000x8xf32, #tpu.memory_space<vmem_shared>> -> memref<10000x8xf32, #tpu.memory_space<vmem_shared>>
      tpu.enqueue_indirect_dma source(%arg14 : memref<125x8xf32, #tpu.memory_space<vmem>>) target(%dma_start3A_367 : memref<10000x8xf32, #tpu.memory_space<vmem_shared>>) offsets(%dma_start3A_364 : memref<125xi32, #tpu.memory_space<vmem>>) semaphore(%arg18 : memref<!tpu.dma_semaphore, #tpu.memory_space<semaphore_mem>>) {add = true}
      %mul3A_368 = arith.constant 5 : i32
      %mul3A_369 = arith.muli %scan3A_287, %mul3A_368 : i32
      %add3A_370 = arith.constant 4 : i32
      %add3A_371 = arith.addi %mul3A_369, %add3A_370 : i32
      %dma_wait3A_372 = arith.constant 0 : i32
      %dma_wait3A_373 = arith.constant 0 : i32
      %dma_wait3A_374 = arith.constant 0 : i32
      %dma_wait3A_375 = tpu.memref_slice %arg8[%dma_wait3A_372, %dma_wait3A_373, %dma_wait3A_374] : memref<2x10000x8xf32, #tpu.memory_space<hbm>> -> memref<1x125x8xf32, #tpu.memory_space<hbm>>
      %dma_wait3A_376 = tpu.memref_squeeze %dma_wait3A_375 : memref<1x125x8xf32, #tpu.memory_space<hbm>> -> memref<125x8xf32, #tpu.memory_space<hbm>>
      %dma_wait3A_377 = arith.constant 0 : i32
      %dma_wait3A_378 = arith.constant 0 : i32
      %dma_wait3A_379 = tpu.memref_slice %arg8[%dma_wait3A_372, %dma_wait3A_377, %dma_wait3A_378] : memref<2x10000x8xf32, #tpu.memory_space<hbm>> -> memref<1x125x8xf32, #tpu.memory_space<hbm>>
      %dma_wait3A_380 = tpu.memref_squeeze %dma_wait3A_379 : memref<1x125x8xf32, #tpu.memory_space<hbm>> -> memref<125x8xf32, #tpu.memory_space<hbm>>
      tpu.wait_dma2 semaphore(%arg19 : memref<!tpu.dma_semaphore, #tpu.memory_space<semaphore_mem>>) src(%dma_wait3A_380 : memref<125x8xf32, #tpu.memory_space<hbm>>) dst(%arg11 : memref<125x8xf32, #tpu.memory_space<vmem>>)
      %dma_start3A_381 = arith.constant 3 : i32
      %dma_start3A_382 = arith.constant 0 : i32
      %dma_start3A_383 = tpu.memref_slice %arg10[%dma_start3A_381, %add3A_371, %dma_start3A_382] : memref<4x80x125xi32, #tpu.memory_space<vmem>> -> memref<1x1x125xi32, #tpu.memory_space<vmem>>
      %dma_start3A_384 = tpu.memref_squeeze %dma_start3A_383 : memref<1x1x125xi32, #tpu.memory_space<vmem>> -> memref<125xi32, #tpu.memory_space<vmem>>
      %dma_start3A_385 = arith.constant 0 : i32
      %dma_start3A_386 = arith.constant 0 : i32
      %dma_start3A_387 = tpu.memref_slice %arg9[%dma_start3A_385, %dma_start3A_386] : memref<10000x8xf32, #tpu.memory_space<vmem_shared>> -> memref<10000x8xf32, #tpu.memory_space<vmem_shared>>
      tpu.enqueue_indirect_dma source(%arg14 : memref<125x8xf32, #tpu.memory_space<vmem>>) target(%dma_start3A_387 : memref<10000x8xf32, #tpu.memory_space<vmem_shared>>) offsets(%dma_start3A_384 : memref<125xi32, #tpu.memory_space<vmem>>) semaphore(%arg19 : memref<!tpu.dma_semaphore, #tpu.memory_space<semaphore_mem>>) {add = true}
    }
    %scan3A_233 = arith.constant 16 : i32
    %dma_wait3A_234 = arith.constant 0 : i32
    %dma_wait3A_235 = arith.constant 0 : i32
    %dma_wait3A_236 = arith.constant 0 : i32
    %dma_wait3A_237 = tpu.memref_slice %arg8[%dma_wait3A_234, %dma_wait3A_235, %dma_wait3A_236] : memref<2x10000x8xf32, #tpu.memory_space<hbm>> -> memref<1x125x8xf32, #tpu.memory_space<hbm>>
    %dma_wait3A_238 = tpu.memref_squeeze %dma_wait3A_237 : memref<1x125x8xf32, #tpu.memory_space<hbm>> -> memref<125x8xf32, #tpu.memory_space<hbm>>
    %dma_wait3A_239 = arith.constant 0 : i32
    %dma_wait3A_240 = arith.constant 0 : i32
    %dma_wait3A_241 = tpu.memref_slice %arg8[%dma_wait3A_234, %dma_wait3A_239, %dma_wait3A_240] : memref<2x10000x8xf32, #tpu.memory_space<hbm>> -> memref<1x125x8xf32, #tpu.memory_space<hbm>>
    %dma_wait3A_242 = tpu.memref_squeeze %dma_wait3A_241 : memref<1x125x8xf32, #tpu.memory_space<hbm>> -> memref<125x8xf32, #tpu.memory_space<hbm>>
    tpu.wait_dma2 semaphore(%arg15 : memref<!tpu.dma_semaphore, #tpu.memory_space<semaphore_mem>>) src(%dma_wait3A_242 : memref<125x8xf32, #tpu.memory_space<hbm>>) dst(%arg11 : memref<125x8xf32, #tpu.memory_space<vmem>>)
    %dma_wait3A_243 = arith.constant 0 : i32
    %dma_wait3A_244 = arith.constant 0 : i32
    %dma_wait3A_245 = arith.constant 0 : i32
    %dma_wait3A_246 = tpu.memref_slice %arg8[%dma_wait3A_243, %dma_wait3A_244, %dma_wait3A_245] : memref<2x10000x8xf32, #tpu.memory_space<hbm>> -> memref<1x125x8xf32, #tpu.memory_space<hbm>>
    %dma_wait3A_247 = tpu.memref_squeeze %dma_wait3A_246 : memref<1x125x8xf32, #tpu.memory_space<hbm>> -> memref<125x8xf32, #tpu.memory_space<hbm>>
    %dma_wait3A_248 = arith.constant 0 : i32
    %dma_wait3A_249 = arith.constant 0 : i32
    %dma_wait3A_250 = tpu.memref_slice %arg8[%dma_wait3A_243, %dma_wait3A_248, %dma_wait3A_249] : memref<2x10000x8xf32, #tpu.memory_space<hbm>> -> memref<1x125x8xf32, #tpu.memory_space<hbm>>
    %dma_wait3A_251 = tpu.memref_squeeze %dma_wait3A_250 : memref<1x125x8xf32, #tpu.memory_space<hbm>> -> memref<125x8xf32, #tpu.memory_space<hbm>>
    tpu.wait_dma2 semaphore(%arg16 : memref<!tpu.dma_semaphore, #tpu.memory_space<semaphore_mem>>) src(%dma_wait3A_251 : memref<125x8xf32, #tpu.memory_space<hbm>>) dst(%arg11 : memref<125x8xf32, #tpu.memory_space<vmem>>)
    %dma_wait3A_252 = arith.constant 0 : i32
    %dma_wait3A_253 = arith.constant 0 : i32
    %dma_wait3A_254 = arith.constant 0 : i32
    %dma_wait3A_255 = tpu.memref_slice %arg8[%dma_wait3A_252, %dma_wait3A_253, %dma_wait3A_254] : memref<2x10000x8xf32, #tpu.memory_space<hbm>> -> memref<1x125x8xf32, #tpu.memory_space<hbm>>
    %dma_wait3A_256 = tpu.memref_squeeze %dma_wait3A_255 : memref<1x125x8xf32, #tpu.memory_space<hbm>> -> memref<125x8xf32, #tpu.memory_space<hbm>>
    %dma_wait3A_257 = arith.constant 0 : i32
    %dma_wait3A_258 = arith.constant 0 : i32
    %dma_wait3A_259 = tpu.memref_slice %arg8[%dma_wait3A_252, %dma_wait3A_257, %dma_wait3A_258] : memref<2x10000x8xf32, #tpu.memory_space<hbm>> -> memref<1x125x8xf32, #tpu.memory_space<hbm>>
    %dma_wait3A_260 = tpu.memref_squeeze %dma_wait3A_259 : memref<1x125x8xf32, #tpu.memory_space<hbm>> -> memref<125x8xf32, #tpu.memory_space<hbm>>
    tpu.wait_dma2 semaphore(%arg17 : memref<!tpu.dma_semaphore, #tpu.memory_space<semaphore_mem>>) src(%dma_wait3A_260 : memref<125x8xf32, #tpu.memory_space<hbm>>) dst(%arg11 : memref<125x8xf32, #tpu.memory_space<vmem>>)
    %dma_wait3A_261 = arith.constant 0 : i32
    %dma_wait3A_262 = arith.constant 0 : i32
    %dma_wait3A_263 = arith.constant 0 : i32
    %dma_wait3A_264 = tpu.memref_slice %arg8[%dma_wait3A_261, %dma_wait3A_262, %dma_wait3A_263] : memref<2x10000x8xf32, #tpu.memory_space<hbm>> -> memref<1x125x8xf32, #tpu.memory_space<hbm>>
    %dma_wait3A_265 = tpu.memref_squeeze %dma_wait3A_264 : memref<1x125x8xf32, #tpu.memory_space<hbm>> -> memref<125x8xf32, #tpu.memory_space<hbm>>
    %dma_wait3A_266 = arith.constant 0 : i32
    %dma_wait3A_267 = arith.constant 0 : i32
    %dma_wait3A_268 = tpu.memref_slice %arg8[%dma_wait3A_261, %dma_wait3A_266, %dma_wait3A_267] : memref<2x10000x8xf32, #tpu.memory_space<hbm>> -> memref<1x125x8xf32, #tpu.memory_space<hbm>>
    %dma_wait3A_269 = tpu.memref_squeeze %dma_wait3A_268 : memref<1x125x8xf32, #tpu.memory_space<hbm>> -> memref<125x8xf32, #tpu.memory_space<hbm>>
    tpu.wait_dma2 semaphore(%arg18 : memref<!tpu.dma_semaphore, #tpu.memory_space<semaphore_mem>>) src(%dma_wait3A_269 : memref<125x8xf32, #tpu.memory_space<hbm>>) dst(%arg11 : memref<125x8xf32, #tpu.memory_space<vmem>>)
    %dma_wait3A_270 = arith.constant 0 : i32
    %dma_wait3A_271 = arith.constant 0 : i32
    %dma_wait3A_272 = arith.constant 0 : i32
    %dma_wait3A_273 = tpu.memref_slice %arg8[%dma_wait3A_270, %dma_wait3A_271, %dma_wait3A_272] : memref<2x10000x8xf32, #tpu.memory_space<hbm>> -> memref<1x125x8xf32, #tpu.memory_space<hbm>>
    %dma_wait3A_274 = tpu.memref_squeeze %dma_wait3A_273 : memref<1x125x8xf32, #tpu.memory_space<hbm>> -> memref<125x8xf32, #tpu.memory_space<hbm>>
    %dma_wait3A_275 = arith.constant 0 : i32
    %dma_wait3A_276 = arith.constant 0 : i32
    %dma_wait3A_277 = tpu.memref_slice %arg8[%dma_wait3A_270, %dma_wait3A_275, %dma_wait3A_276] : memref<2x10000x8xf32, #tpu.memory_space<hbm>> -> memref<1x125x8xf32, #tpu.memory_space<hbm>>
    %dma_wait3A_278 = tpu.memref_squeeze %dma_wait3A_277 : memref<1x125x8xf32, #tpu.memory_space<hbm>> -> memref<125x8xf32, #tpu.memory_space<hbm>>
    tpu.wait_dma2 semaphore(%arg19 : memref<!tpu.dma_semaphore, #tpu.memory_space<semaphore_mem>>) src(%dma_wait3A_278 : memref<125x8xf32, #tpu.memory_space<hbm>>) dst(%arg11 : memref<125x8xf32, #tpu.memory_space<vmem>>)
    %barrier3A_279 = arith.constant 0 : index
    tpu.barrier barrier_id(%barrier3A_279)
    %mul3A_280 = arith.constant 624 : i32
    %mul3A_281 = arith.muli %arg1, %mul3A_280 : i32
    "tpu.region"() ({
      %run_scoped3A = tpu.sem_alloc : memref<!tpu.dma_semaphore, #tpu.memory_space<semaphore_mem>>
      %dma_start3A_287 = arith.constant 0 : i32
      %dma_start3A_288 = tpu.memref_slice %arg8[%arg0, %mul3A_281, %dma_start3A_287] : memref<2x10000x8xf32, #tpu.memory_space<hbm>> -> memref<1x624x8xf32, #tpu.memory_space<hbm>>
      %dma_start3A_289 = tpu.memref_squeeze %dma_start3A_288 : memref<1x624x8xf32, #tpu.memory_space<hbm>> -> memref<624x8xf32, #tpu.memory_space<hbm>>
      %dma_start3A_290 = arith.constant 0 : i32
      %dma_start3A_291 = tpu.memref_slice %arg9[%mul3A_281, %dma_start3A_290] : memref<10000x8xf32, #tpu.memory_space<vmem_shared>> -> memref<624x8xf32, #tpu.memory_space<vmem_shared>>
      tpu.enqueue_dma source(%dma_start3A_291 : memref<624x8xf32, #tpu.memory_space<vmem_shared>>) target(%dma_start3A_289 : memref<624x8xf32, #tpu.memory_space<hbm>>) target_semaphore(%run_scoped3A : memref<!tpu.dma_semaphore, #tpu.memory_space<semaphore_mem>>)
      %dma_wait3A_292 = arith.constant 0 : i32
      %dma_wait3A_293 = tpu.memref_slice %arg8[%arg0, %mul3A_281, %dma_wait3A_292] : memref<2x10000x8xf32, #tpu.memory_space<hbm>> -> memref<1x624x8xf32, #tpu.memory_space<hbm>>
      %dma_wait3A_294 = tpu.memref_squeeze %dma_wait3A_293 : memref<1x624x8xf32, #tpu.memory_space<hbm>> -> memref<624x8xf32, #tpu.memory_space<hbm>>
      %dma_wait3A_295 = arith.constant 0 : i32
      %dma_wait3A_296 = tpu.memref_slice %arg9[%mul3A_281, %dma_wait3A_295] : memref<10000x8xf32, #tpu.memory_space<vmem_shared>> -> memref<624x8xf32, #tpu.memory_space<vmem_shared>>
      tpu.wait_dma2 semaphore(%run_scoped3A : memref<!tpu.dma_semaphore, #tpu.memory_space<semaphore_mem>>) src(%dma_wait3A_296 : memref<624x8xf32, #tpu.memory_space<vmem_shared>>) dst(%dma_wait3A_294 : memref<624x8xf32, #tpu.memory_space<hbm>>)
      tpu.yield
    }) : () -> ()
    %eq3A_282 = arith.constant 15 : i32
    %eq3A_283 = arith.cmpi eq, %arg1, %eq3A_282 : i32
    %convert_element_type3A_284 = arith.extui %eq3A_283 : i1 to i32
    %cond3A_285 = arith.constant 0 : i32
    %cond3A_286 = arith.cmpi ne, %convert_element_type3A_284, %cond3A_285 : i32
    scf.if %cond3A_286 {
      "tpu.region"() ({
        %run_scoped3A = tpu.sem_alloc : memref<!tpu.dma_semaphore, #tpu.memory_space<semaphore_mem>>
        %dma_start3A_287 = arith.constant 9984 : i32
        %dma_start3A_288 = arith.constant 0 : i32
        %dma_start3A_289 = tpu.memref_slice %arg8[%arg0, %dma_start3A_287, %dma_start3A_288] : memref<2x10000x8xf32, #tpu.memory_space<hbm>> -> memref<1x16x8xf32, #tpu.memory_space<hbm>>
        %dma_start3A_290 = tpu.memref_squeeze %dma_start3A_289 : memref<1x16x8xf32, #tpu.memory_space<hbm>> -> memref<16x8xf32, #tpu.memory_space<hbm>>
        %dma_start3A_291 = arith.constant 9984 : i32
        %dma_start3A_292 = arith.constant 0 : i32
        %dma_start3A_293 = tpu.memref_slice %arg9[%dma_start3A_291, %dma_start3A_292] : memref<10000x8xf32, #tpu.memory_space<vmem_shared>> -> memref<16x8xf32, #tpu.memory_space<vmem_shared>>
        tpu.enqueue_dma source(%dma_start3A_293 : memref<16x8xf32, #tpu.memory_space<vmem_shared>>) target(%dma_start3A_290 : memref<16x8xf32, #tpu.memory_space<hbm>>) target_semaphore(%run_scoped3A : memref<!tpu.dma_semaphore, #tpu.memory_space<semaphore_mem>>)
        %dma_wait3A_294 = arith.constant 9984 : i32
        %dma_wait3A_295 = arith.constant 0 : i32
        %dma_wait3A_296 = tpu.memref_slice %arg8[%arg0, %dma_wait3A_294, %dma_wait3A_295] : memref<2x10000x8xf32, #tpu.memory_space<hbm>> -> memref<1x16x8xf32, #tpu.memory_space<hbm>>
        %dma_wait3A_297 = tpu.memref_squeeze %dma_wait3A_296 : memref<1x16x8xf32, #tpu.memory_space<hbm>> -> memref<16x8xf32, #tpu.memory_space<hbm>>
        %dma_wait3A_298 = arith.constant 9984 : i32
        %dma_wait3A_299 = arith.constant 0 : i32
        %dma_wait3A_300 = tpu.memref_slice %arg9[%dma_wait3A_298, %dma_wait3A_299] : memref<10000x8xf32, #tpu.memory_space<vmem_shared>> -> memref<16x8xf32, #tpu.memory_space<vmem_shared>>
        tpu.wait_dma2 semaphore(%run_scoped3A : memref<!tpu.dma_semaphore, #tpu.memory_space<semaphore_mem>>) src(%dma_wait3A_300 : memref<16x8xf32, #tpu.memory_space<vmem_shared>>) dst(%dma_wait3A_297 : memref<16x8xf32, #tpu.memory_space<hbm>>)
        tpu.yield
      }) : () -> ()
    } else {
    }
    return
  }
}

#map = affine_map<(d0, d1) -> (0, 0)>
#map1 = affine_map<(d0, d1) -> (0, 0, 0, 0)>
#map2 = affine_map<(d0, d1) -> (0, 0, 0)>
module attributes {stable_mosaic.version = 14 : i64} {
  func.func @body(%arg0: i32, %arg1: i32, %arg2: memref<20000x64xf32, #tpu.memory_space<hbm>>, %arg3: memref<2x16x160x125xi32, #tpu.memory_space<hbm>>, %arg4: memref<16x160x125xi32, #tpu.memory_space<hbm>>, %arg5: memref<10000x64xf32, #tpu.memory_space<hbm>>, %arg6: memref<10000x128xf32, #tpu.memory_space<hbm>>, %arg7: memref<10000x64xf32, #tpu.memory_space<vmem_shared>>, %arg8: memref<160x125xi32, #tpu.memory_space<vmem>>, %arg9: memref<160x125xi32, #tpu.memory_space<vmem>>, %arg10: memref<125x64xf32, #tpu.memory_space<vmem>>, %arg11: memref<125x64xf32, #tpu.memory_space<vmem>>, %arg12: memref<125x64xf32, #tpu.memory_space<vmem>>, %arg13: memref<125x64xf32, #tpu.memory_space<vmem>>, %arg14: memref<125x64xf32, #tpu.memory_space<vmem>>, %arg15: memref<!tpu.dma_semaphore, #tpu.memory_space<semaphore_mem>>, %arg16: memref<!tpu.dma_semaphore, #tpu.memory_space<semaphore_mem>>, %arg17: memref<!tpu.dma_semaphore, #tpu.memory_space<semaphore_mem>>, %arg18: memref<!tpu.dma_semaphore, #tpu.memory_space<semaphore_mem>>, %arg19: memref<!tpu.dma_semaphore, #tpu.memory_space<semaphore_mem>>, %arg20: memref<!tpu.dma_semaphore, #tpu.memory_space<semaphore_mem>>, %arg21: memref<!tpu.dma_semaphore, #tpu.memory_space<semaphore_mem>>, %arg22: memref<!tpu.dma_semaphore, #tpu.memory_space<semaphore_mem>>, %arg23: memref<!tpu.dma_semaphore, #tpu.memory_space<semaphore_mem>>, %arg24: memref<!tpu.dma_semaphore, #tpu.memory_space<semaphore_mem>>) attributes {dimension_semantics = [#tpu.dimension_semantics<core_parallel>, #tpu.dimension_semantics<subcore_parallel>], iteration_bounds = array<i64: 2, 16>, scalar_prefetch = 0 : i64, scratch_operands = 18 : i64, tpu.core_type = #tpu.core_type<sc_vector_subcore>, window_params = [{transform_indices = #map}, {transform_indices = #map1}, {transform_indices = #map2}, {transform_indices = #map}, {transform_indices = #map}]} {
    %dma_start3A = arith.constant 0 : i32
    %dma_start3A_0 = arith.constant 0 : i32
    %dma_start3A_1 = tpu.memref_slice %arg3[%arg0, %arg1, %dma_start3A, %dma_start3A_0] : memref<2x16x160x125xi32, #tpu.memory_space<hbm>> -> memref<1x1x160x125xi32, #tpu.memory_space<hbm>>
    %dma_start3A_2 = tpu.memref_squeeze %dma_start3A_1 : memref<1x1x160x125xi32, #tpu.memory_space<hbm>> -> memref<160x125xi32, #tpu.memory_space<hbm>>
    %dma_start3A_3 = arith.constant 0 : i32
    %dma_start3A_4 = arith.constant 0 : i32
    %dma_start3A_5 = tpu.memref_slice %arg3[%arg0, %arg1, %dma_start3A_3, %dma_start3A_4] : memref<2x16x160x125xi32, #tpu.memory_space<hbm>> -> memref<1x1x160x125xi32, #tpu.memory_space<hbm>>
    %dma_start3A_6 = tpu.memref_squeeze %dma_start3A_5 : memref<1x1x160x125xi32, #tpu.memory_space<hbm>> -> memref<160x125xi32, #tpu.memory_space<hbm>>
    tpu.enqueue_dma source(%dma_start3A_6 : memref<160x125xi32, #tpu.memory_space<hbm>>) target(%arg8 : memref<160x125xi32, #tpu.memory_space<vmem>>) target_semaphore(%arg16 : memref<!tpu.dma_semaphore, #tpu.memory_space<semaphore_mem>>)
    %dma_start3A_7 = arith.constant 0 : i32
    %dma_start3A_8 = arith.constant 0 : i32
    %dma_start3A_9 = tpu.memref_slice %arg4[%arg1, %dma_start3A_7, %dma_start3A_8] : memref<16x160x125xi32, #tpu.memory_space<hbm>> -> memref<1x160x125xi32, #tpu.memory_space<hbm>>
    %dma_start3A_10 = tpu.memref_squeeze %dma_start3A_9 : memref<1x160x125xi32, #tpu.memory_space<hbm>> -> memref<160x125xi32, #tpu.memory_space<hbm>>
    %dma_start3A_11 = arith.constant 0 : i32
    %dma_start3A_12 = arith.constant 0 : i32
    %dma_start3A_13 = tpu.memref_slice %arg4[%arg1, %dma_start3A_11, %dma_start3A_12] : memref<16x160x125xi32, #tpu.memory_space<hbm>> -> memref<1x160x125xi32, #tpu.memory_space<hbm>>
    %dma_start3A_14 = tpu.memref_squeeze %dma_start3A_13 : memref<1x160x125xi32, #tpu.memory_space<hbm>> -> memref<160x125xi32, #tpu.memory_space<hbm>>
    tpu.enqueue_dma source(%dma_start3A_14 : memref<160x125xi32, #tpu.memory_space<hbm>>) target(%arg9 : memref<160x125xi32, #tpu.memory_space<vmem>>) target_semaphore(%arg17 : memref<!tpu.dma_semaphore, #tpu.memory_space<semaphore_mem>>)
    %mul3A = arith.constant 624 : i32
    %mul3A_15 = arith.muli %arg1, %mul3A : i32
    "tpu.region"() ({
      %run_scoped3A = tpu.sem_alloc : memref<!tpu.dma_semaphore, #tpu.memory_space<semaphore_mem>>
      %dma_start3A_94 = arith.constant 0 : i32
      %dma_start3A_95 = tpu.memref_slice %arg7[%mul3A_15, %dma_start3A_94] : memref<10000x64xf32, #tpu.memory_space<vmem_shared>> -> memref<624x64xf32, #tpu.memory_space<vmem_shared>>
      %dma_start3A_96 = arith.constant 0 : i32
      %dma_start3A_97 = tpu.memref_slice %arg5[%mul3A_15, %dma_start3A_96] : memref<10000x64xf32, #tpu.memory_space<hbm>> -> memref<624x64xf32, #tpu.memory_space<hbm>>
      tpu.enqueue_dma source(%dma_start3A_97 : memref<624x64xf32, #tpu.memory_space<hbm>>) target(%dma_start3A_95 : memref<624x64xf32, #tpu.memory_space<vmem_shared>>) target_semaphore(%run_scoped3A : memref<!tpu.dma_semaphore, #tpu.memory_space<semaphore_mem>>)
      %dma_wait3A_98 = arith.constant 0 : i32
      %dma_wait3A_99 = tpu.memref_slice %arg7[%mul3A_15, %dma_wait3A_98] : memref<10000x64xf32, #tpu.memory_space<vmem_shared>> -> memref<624x64xf32, #tpu.memory_space<vmem_shared>>
      %dma_wait3A_100 = arith.constant 0 : i32
      %dma_wait3A_101 = tpu.memref_slice %arg5[%mul3A_15, %dma_wait3A_100] : memref<10000x64xf32, #tpu.memory_space<hbm>> -> memref<624x64xf32, #tpu.memory_space<hbm>>
      tpu.wait_dma2 semaphore(%run_scoped3A : memref<!tpu.dma_semaphore, #tpu.memory_space<semaphore_mem>>) src(%dma_wait3A_101 : memref<624x64xf32, #tpu.memory_space<hbm>>) dst(%dma_wait3A_99 : memref<624x64xf32, #tpu.memory_space<vmem_shared>>)
      tpu.yield
    }) : () -> ()
    %eq3A = arith.constant 15 : i32
    %eq3A_16 = arith.cmpi eq, %arg1, %eq3A : i32
    %convert_element_type3A = arith.extui %eq3A_16 : i1 to i32
    %cond3A = arith.constant 0 : i32
    %cond3A_17 = arith.cmpi ne, %convert_element_type3A, %cond3A : i32
    scf.if %cond3A_17 {
      "tpu.region"() ({
        %run_scoped3A = tpu.sem_alloc : memref<!tpu.dma_semaphore, #tpu.memory_space<semaphore_mem>>
        %dma_start3A_94 = arith.constant 9984 : i32
        %dma_start3A_95 = arith.constant 0 : i32
        %dma_start3A_96 = tpu.memref_slice %arg7[%dma_start3A_94, %dma_start3A_95] : memref<10000x64xf32, #tpu.memory_space<vmem_shared>> -> memref<16x64xf32, #tpu.memory_space<vmem_shared>>
        %dma_start3A_97 = arith.constant 9984 : i32
        %dma_start3A_98 = arith.constant 0 : i32
        %dma_start3A_99 = tpu.memref_slice %arg5[%dma_start3A_97, %dma_start3A_98] : memref<10000x64xf32, #tpu.memory_space<hbm>> -> memref<16x64xf32, #tpu.memory_space<hbm>>
        tpu.enqueue_dma source(%dma_start3A_99 : memref<16x64xf32, #tpu.memory_space<hbm>>) target(%dma_start3A_96 : memref<16x64xf32, #tpu.memory_space<vmem_shared>>) target_semaphore(%run_scoped3A : memref<!tpu.dma_semaphore, #tpu.memory_space<semaphore_mem>>)
        %dma_wait3A_100 = arith.constant 9984 : i32
        %dma_wait3A_101 = arith.constant 0 : i32
        %dma_wait3A_102 = tpu.memref_slice %arg7[%dma_wait3A_100, %dma_wait3A_101] : memref<10000x64xf32, #tpu.memory_space<vmem_shared>> -> memref<16x64xf32, #tpu.memory_space<vmem_shared>>
        %dma_wait3A_103 = arith.constant 9984 : i32
        %dma_wait3A_104 = arith.constant 0 : i32
        %dma_wait3A_105 = tpu.memref_slice %arg5[%dma_wait3A_103, %dma_wait3A_104] : memref<10000x64xf32, #tpu.memory_space<hbm>> -> memref<16x64xf32, #tpu.memory_space<hbm>>
        tpu.wait_dma2 semaphore(%run_scoped3A : memref<!tpu.dma_semaphore, #tpu.memory_space<semaphore_mem>>) src(%dma_wait3A_105 : memref<16x64xf32, #tpu.memory_space<hbm>>) dst(%dma_wait3A_102 : memref<16x64xf32, #tpu.memory_space<vmem_shared>>)
        tpu.yield
      }) : () -> ()
    } else {
    }
    %dma_wait3A = arith.constant 0 : i32
    %dma_wait3A_18 = arith.constant 0 : i32
    %dma_wait3A_19 = tpu.memref_slice %arg3[%arg0, %arg1, %dma_wait3A, %dma_wait3A_18] : memref<2x16x160x125xi32, #tpu.memory_space<hbm>> -> memref<1x1x160x125xi32, #tpu.memory_space<hbm>>
    %dma_wait3A_20 = tpu.memref_squeeze %dma_wait3A_19 : memref<1x1x160x125xi32, #tpu.memory_space<hbm>> -> memref<160x125xi32, #tpu.memory_space<hbm>>
    %dma_wait3A_21 = arith.constant 0 : i32
    %dma_wait3A_22 = arith.constant 0 : i32
    %dma_wait3A_23 = tpu.memref_slice %arg3[%arg0, %arg1, %dma_wait3A_21, %dma_wait3A_22] : memref<2x16x160x125xi32, #tpu.memory_space<hbm>> -> memref<1x1x160x125xi32, #tpu.memory_space<hbm>>
    %dma_wait3A_24 = tpu.memref_squeeze %dma_wait3A_23 : memref<1x1x160x125xi32, #tpu.memory_space<hbm>> -> memref<160x125xi32, #tpu.memory_space<hbm>>
    tpu.wait_dma2 semaphore(%arg16 : memref<!tpu.dma_semaphore, #tpu.memory_space<semaphore_mem>>) src(%dma_wait3A_24 : memref<160x125xi32, #tpu.memory_space<hbm>>) dst(%arg8 : memref<160x125xi32, #tpu.memory_space<vmem>>)
    %dma_wait3A_25 = arith.constant 0 : i32
    %dma_wait3A_26 = arith.constant 0 : i32
    %dma_wait3A_27 = tpu.memref_slice %arg4[%arg1, %dma_wait3A_25, %dma_wait3A_26] : memref<16x160x125xi32, #tpu.memory_space<hbm>> -> memref<1x160x125xi32, #tpu.memory_space<hbm>>
    %dma_wait3A_28 = tpu.memref_squeeze %dma_wait3A_27 : memref<1x160x125xi32, #tpu.memory_space<hbm>> -> memref<160x125xi32, #tpu.memory_space<hbm>>
    %dma_wait3A_29 = arith.constant 0 : i32
    %dma_wait3A_30 = arith.constant 0 : i32
    %dma_wait3A_31 = tpu.memref_slice %arg4[%arg1, %dma_wait3A_29, %dma_wait3A_30] : memref<16x160x125xi32, #tpu.memory_space<hbm>> -> memref<1x160x125xi32, #tpu.memory_space<hbm>>
    %dma_wait3A_32 = tpu.memref_squeeze %dma_wait3A_31 : memref<1x160x125xi32, #tpu.memory_space<hbm>> -> memref<160x125xi32, #tpu.memory_space<hbm>>
    tpu.wait_dma2 semaphore(%arg17 : memref<!tpu.dma_semaphore, #tpu.memory_space<semaphore_mem>>) src(%dma_wait3A_32 : memref<160x125xi32, #tpu.memory_space<hbm>>) dst(%arg9 : memref<160x125xi32, #tpu.memory_space<vmem>>)
    %barrier3A = arith.constant 0 : index
    tpu.barrier barrier_id(%barrier3A)
    %dma_start3A_33 = arith.constant 0 : i32
    %dma_start3A_34 = arith.constant 0 : i32
    %dma_start3A_35 = tpu.memref_slice %arg8[%dma_start3A_33, %dma_start3A_34] : memref<160x125xi32, #tpu.memory_space<vmem>> -> memref<1x125xi32, #tpu.memory_space<vmem>>
    %dma_start3A_36 = tpu.memref_squeeze %dma_start3A_35 : memref<1x125xi32, #tpu.memory_space<vmem>> -> memref<125xi32, #tpu.memory_space<vmem>>
    %dma_start3A_37 = arith.constant 0 : i32
    %dma_start3A_38 = arith.constant 0 : i32
    %dma_start3A_39 = tpu.memref_slice %arg2[%dma_start3A_37, %dma_start3A_38] : memref<20000x64xf32, #tpu.memory_space<hbm>> -> memref<20000x64xf32, #tpu.memory_space<hbm>>
    tpu.enqueue_indirect_dma source(%dma_start3A_39 : memref<20000x64xf32, #tpu.memory_space<hbm>>) target(%arg10 : memref<125x64xf32, #tpu.memory_space<vmem>>) offsets(%dma_start3A_36 : memref<125xi32, #tpu.memory_space<vmem>>) semaphore(%arg15 : memref<!tpu.dma_semaphore, #tpu.memory_space<semaphore_mem>>)
    %dma_start3A_40 = arith.constant 1 : i32
    %dma_start3A_41 = arith.constant 0 : i32
    %dma_start3A_42 = tpu.memref_slice %arg8[%dma_start3A_40, %dma_start3A_41] : memref<160x125xi32, #tpu.memory_space<vmem>> -> memref<1x125xi32, #tpu.memory_space<vmem>>
    %dma_start3A_43 = tpu.memref_squeeze %dma_start3A_42 : memref<1x125xi32, #tpu.memory_space<vmem>> -> memref<125xi32, #tpu.memory_space<vmem>>
    %dma_start3A_44 = arith.constant 0 : i32
    %dma_start3A_45 = arith.constant 0 : i32
    %dma_start3A_46 = tpu.memref_slice %arg2[%dma_start3A_44, %dma_start3A_45] : memref<20000x64xf32, #tpu.memory_space<hbm>> -> memref<20000x64xf32, #tpu.memory_space<hbm>>
    tpu.enqueue_indirect_dma source(%dma_start3A_46 : memref<20000x64xf32, #tpu.memory_space<hbm>>) target(%arg11 : memref<125x64xf32, #tpu.memory_space<vmem>>) offsets(%dma_start3A_43 : memref<125xi32, #tpu.memory_space<vmem>>) semaphore(%arg16 : memref<!tpu.dma_semaphore, #tpu.memory_space<semaphore_mem>>)
    %scan3A = arith.constant 0 : i32
    %scan3A_47 = arith.constant 0 : i32
    %scan3A_48 = arith.constant 32 : i32
    %scan3A_49 = arith.addi %scan3A_47, %scan3A_48 : i32
    %scan3A_50 = arith.constant 1 : i32
    scf.for %scan3A_94 = %scan3A_47 to %scan3A_49 step %scan3A_50  : i32 {
      %mul3A_95 = arith.constant 5 : i32
      %mul3A_96 = arith.muli %scan3A_94, %mul3A_95 : i32
      %add3A = arith.constant 0 : i32
      %add3A_97 = arith.addi %mul3A_96, %add3A : i32
      %dma_wait3A_98 = arith.constant 0 : i32
      %dma_wait3A_99 = arith.constant 0 : i32
      %dma_wait3A_100 = tpu.memref_slice %arg2[%dma_wait3A_98, %dma_wait3A_99] : memref<20000x64xf32, #tpu.memory_space<hbm>> -> memref<125x64xf32, #tpu.memory_space<hbm>>
      %dma_wait3A_101 = arith.constant 0 : i32
      %dma_wait3A_102 = arith.constant 0 : i32
      %dma_wait3A_103 = tpu.memref_slice %arg2[%dma_wait3A_101, %dma_wait3A_102] : memref<20000x64xf32, #tpu.memory_space<hbm>> -> memref<125x64xf32, #tpu.memory_space<hbm>>
      tpu.wait_dma2 semaphore(%arg15 : memref<!tpu.dma_semaphore, #tpu.memory_space<semaphore_mem>>) src(%dma_wait3A_103 : memref<125x64xf32, #tpu.memory_space<hbm>>) dst(%arg10 : memref<125x64xf32, #tpu.memory_space<vmem>>)
      %dma_start3A_104 = arith.constant 0 : i32
      %dma_start3A_105 = tpu.memref_slice %arg9[%add3A_97, %dma_start3A_104] : memref<160x125xi32, #tpu.memory_space<vmem>> -> memref<1x125xi32, #tpu.memory_space<vmem>>
      %dma_start3A_106 = tpu.memref_squeeze %dma_start3A_105 : memref<1x125xi32, #tpu.memory_space<vmem>> -> memref<125xi32, #tpu.memory_space<vmem>>
      %dma_start3A_107 = arith.constant 0 : i32
      %dma_start3A_108 = arith.constant 0 : i32
      %dma_start3A_109 = tpu.memref_slice %arg7[%dma_start3A_107, %dma_start3A_108] : memref<10000x64xf32, #tpu.memory_space<vmem_shared>> -> memref<10000x64xf32, #tpu.memory_space<vmem_shared>>
      tpu.enqueue_indirect_dma source(%arg10 : memref<125x64xf32, #tpu.memory_space<vmem>>) target(%dma_start3A_109 : memref<10000x64xf32, #tpu.memory_space<vmem_shared>>) offsets(%dma_start3A_106 : memref<125xi32, #tpu.memory_space<vmem>>) semaphore(%arg20 : memref<!tpu.dma_semaphore, #tpu.memory_space<semaphore_mem>>) {add = true}
      %add3A_110 = arith.constant 2 : i32
      %add3A_111 = arith.addi %add3A_97, %add3A_110 : i32
      %lt3A = arith.constant 160 : i32
      %lt3A_112 = arith.cmpi slt, %add3A_111, %lt3A : i32
      %add3A_113 = arith.constant 2 : i32
      %add3A_114 = arith.addi %add3A_97, %add3A_113 : i32
      %ge3A = arith.constant 5 : i32
      %ge3A_115 = arith.cmpi sge, %add3A_114, %ge3A : i32
      %and3A = arith.andi %lt3A_112, %ge3A_115 : i1
      %convert_element_type3A_116 = arith.extui %and3A : i1 to i32
      %cond3A_117 = arith.constant 0 : i32
      %cond3A_118 = arith.cmpi ne, %convert_element_type3A_116, %cond3A_117 : i32
      scf.if %cond3A_118 {
        %dma_wait3A_266 = arith.constant 0 : i32
        %dma_wait3A_267 = arith.constant 0 : i32
        %dma_wait3A_268 = tpu.memref_slice %arg2[%dma_wait3A_266, %dma_wait3A_267] : memref<20000x64xf32, #tpu.memory_space<hbm>> -> memref<125x64xf32, #tpu.memory_space<hbm>>
        %dma_wait3A_269 = arith.constant 0 : i32
        %dma_wait3A_270 = arith.constant 0 : i32
        %dma_wait3A_271 = tpu.memref_slice %arg2[%dma_wait3A_269, %dma_wait3A_270] : memref<20000x64xf32, #tpu.memory_space<hbm>> -> memref<125x64xf32, #tpu.memory_space<hbm>>
        tpu.wait_dma2 semaphore(%arg22 : memref<!tpu.dma_semaphore, #tpu.memory_space<semaphore_mem>>) src(%dma_wait3A_271 : memref<125x64xf32, #tpu.memory_space<hbm>>) dst(%arg12 : memref<125x64xf32, #tpu.memory_space<vmem>>)
      } else {
      }
      %add3A_119 = arith.constant 2 : i32
      %add3A_120 = arith.addi %add3A_97, %add3A_119 : i32
      %lt3A_121 = arith.constant 160 : i32
      %lt3A_122 = arith.cmpi slt, %add3A_120, %lt3A_121 : i32
      %convert_element_type3A_123 = arith.extui %lt3A_122 : i1 to i32
      %cond3A_124 = arith.constant 0 : i32
      %cond3A_125 = arith.cmpi ne, %convert_element_type3A_123, %cond3A_124 : i32
      scf.if %cond3A_125 {
        %add3A_266 = arith.constant 2 : i32
        %add3A_267 = arith.addi %add3A_97, %add3A_266 : i32
        %dma_start3A_268 = arith.constant 0 : i32
        %dma_start3A_269 = tpu.memref_slice %arg8[%add3A_267, %dma_start3A_268] : memref<160x125xi32, #tpu.memory_space<vmem>> -> memref<1x125xi32, #tpu.memory_space<vmem>>
        %dma_start3A_270 = tpu.memref_squeeze %dma_start3A_269 : memref<1x125xi32, #tpu.memory_space<vmem>> -> memref<125xi32, #tpu.memory_space<vmem>>
        %dma_start3A_271 = arith.constant 0 : i32
        %dma_start3A_272 = arith.constant 0 : i32
        %dma_start3A_273 = tpu.memref_slice %arg2[%dma_start3A_271, %dma_start3A_272] : memref<20000x64xf32, #tpu.memory_space<hbm>> -> memref<20000x64xf32, #tpu.memory_space<hbm>>
        tpu.enqueue_indirect_dma source(%dma_start3A_273 : memref<20000x64xf32, #tpu.memory_space<hbm>>) target(%arg12 : memref<125x64xf32, #tpu.memory_space<vmem>>) offsets(%dma_start3A_270 : memref<125xi32, #tpu.memory_space<vmem>>) semaphore(%arg17 : memref<!tpu.dma_semaphore, #tpu.memory_space<semaphore_mem>>)
      } else {
      }
      %mul3A_126 = arith.constant 5 : i32
      %mul3A_127 = arith.muli %scan3A_94, %mul3A_126 : i32
      %add3A_128 = arith.constant 1 : i32
      %add3A_129 = arith.addi %mul3A_127, %add3A_128 : i32
      %dma_wait3A_130 = arith.constant 0 : i32
      %dma_wait3A_131 = arith.constant 0 : i32
      %dma_wait3A_132 = tpu.memref_slice %arg2[%dma_wait3A_130, %dma_wait3A_131] : memref<20000x64xf32, #tpu.memory_space<hbm>> -> memref<125x64xf32, #tpu.memory_space<hbm>>
      %dma_wait3A_133 = arith.constant 0 : i32
      %dma_wait3A_134 = arith.constant 0 : i32
      %dma_wait3A_135 = tpu.memref_slice %arg2[%dma_wait3A_133, %dma_wait3A_134] : memref<20000x64xf32, #tpu.memory_space<hbm>> -> memref<125x64xf32, #tpu.memory_space<hbm>>
      tpu.wait_dma2 semaphore(%arg16 : memref<!tpu.dma_semaphore, #tpu.memory_space<semaphore_mem>>) src(%dma_wait3A_135 : memref<125x64xf32, #tpu.memory_space<hbm>>) dst(%arg11 : memref<125x64xf32, #tpu.memory_space<vmem>>)
      %dma_start3A_136 = arith.constant 0 : i32
      %dma_start3A_137 = tpu.memref_slice %arg9[%add3A_129, %dma_start3A_136] : memref<160x125xi32, #tpu.memory_space<vmem>> -> memref<1x125xi32, #tpu.memory_space<vmem>>
      %dma_start3A_138 = tpu.memref_squeeze %dma_start3A_137 : memref<1x125xi32, #tpu.memory_space<vmem>> -> memref<125xi32, #tpu.memory_space<vmem>>
      %dma_start3A_139 = arith.constant 0 : i32
      %dma_start3A_140 = arith.constant 0 : i32
      %dma_start3A_141 = tpu.memref_slice %arg7[%dma_start3A_139, %dma_start3A_140] : memref<10000x64xf32, #tpu.memory_space<vmem_shared>> -> memref<10000x64xf32, #tpu.memory_space<vmem_shared>>
      tpu.enqueue_indirect_dma source(%arg11 : memref<125x64xf32, #tpu.memory_space<vmem>>) target(%dma_start3A_141 : memref<10000x64xf32, #tpu.memory_space<vmem_shared>>) offsets(%dma_start3A_138 : memref<125xi32, #tpu.memory_space<vmem>>) semaphore(%arg21 : memref<!tpu.dma_semaphore, #tpu.memory_space<semaphore_mem>>) {add = true}
      %add3A_142 = arith.constant 2 : i32
      %add3A_143 = arith.addi %add3A_129, %add3A_142 : i32
      %lt3A_144 = arith.constant 160 : i32
      %lt3A_145 = arith.cmpi slt, %add3A_143, %lt3A_144 : i32
      %add3A_146 = arith.constant 2 : i32
      %add3A_147 = arith.addi %add3A_129, %add3A_146 : i32
      %ge3A_148 = arith.constant 5 : i32
      %ge3A_149 = arith.cmpi sge, %add3A_147, %ge3A_148 : i32
      %and3A_150 = arith.andi %lt3A_145, %ge3A_149 : i1
      %convert_element_type3A_151 = arith.extui %and3A_150 : i1 to i32
      %cond3A_152 = arith.constant 0 : i32
      %cond3A_153 = arith.cmpi ne, %convert_element_type3A_151, %cond3A_152 : i32
      scf.if %cond3A_153 {
        %dma_wait3A_266 = arith.constant 0 : i32
        %dma_wait3A_267 = arith.constant 0 : i32
        %dma_wait3A_268 = tpu.memref_slice %arg2[%dma_wait3A_266, %dma_wait3A_267] : memref<20000x64xf32, #tpu.memory_space<hbm>> -> memref<125x64xf32, #tpu.memory_space<hbm>>
        %dma_wait3A_269 = arith.constant 0 : i32
        %dma_wait3A_270 = arith.constant 0 : i32
        %dma_wait3A_271 = tpu.memref_slice %arg2[%dma_wait3A_269, %dma_wait3A_270] : memref<20000x64xf32, #tpu.memory_space<hbm>> -> memref<125x64xf32, #tpu.memory_space<hbm>>
        tpu.wait_dma2 semaphore(%arg23 : memref<!tpu.dma_semaphore, #tpu.memory_space<semaphore_mem>>) src(%dma_wait3A_271 : memref<125x64xf32, #tpu.memory_space<hbm>>) dst(%arg13 : memref<125x64xf32, #tpu.memory_space<vmem>>)
      } else {
      }
      %add3A_154 = arith.constant 2 : i32
      %add3A_155 = arith.addi %add3A_129, %add3A_154 : i32
      %lt3A_156 = arith.constant 160 : i32
      %lt3A_157 = arith.cmpi slt, %add3A_155, %lt3A_156 : i32
      %convert_element_type3A_158 = arith.extui %lt3A_157 : i1 to i32
      %cond3A_159 = arith.constant 0 : i32
      %cond3A_160 = arith.cmpi ne, %convert_element_type3A_158, %cond3A_159 : i32
      scf.if %cond3A_160 {
        %add3A_266 = arith.constant 2 : i32
        %add3A_267 = arith.addi %add3A_129, %add3A_266 : i32
        %dma_start3A_268 = arith.constant 0 : i32
        %dma_start3A_269 = tpu.memref_slice %arg8[%add3A_267, %dma_start3A_268] : memref<160x125xi32, #tpu.memory_space<vmem>> -> memref<1x125xi32, #tpu.memory_space<vmem>>
        %dma_start3A_270 = tpu.memref_squeeze %dma_start3A_269 : memref<1x125xi32, #tpu.memory_space<vmem>> -> memref<125xi32, #tpu.memory_space<vmem>>
        %dma_start3A_271 = arith.constant 0 : i32
        %dma_start3A_272 = arith.constant 0 : i32
        %dma_start3A_273 = tpu.memref_slice %arg2[%dma_start3A_271, %dma_start3A_272] : memref<20000x64xf32, #tpu.memory_space<hbm>> -> memref<20000x64xf32, #tpu.memory_space<hbm>>
        tpu.enqueue_indirect_dma source(%dma_start3A_273 : memref<20000x64xf32, #tpu.memory_space<hbm>>) target(%arg13 : memref<125x64xf32, #tpu.memory_space<vmem>>) offsets(%dma_start3A_270 : memref<125xi32, #tpu.memory_space<vmem>>) semaphore(%arg18 : memref<!tpu.dma_semaphore, #tpu.memory_space<semaphore_mem>>)
      } else {
      }
      %mul3A_161 = arith.constant 5 : i32
      %mul3A_162 = arith.muli %scan3A_94, %mul3A_161 : i32
      %add3A_163 = arith.constant 2 : i32
      %add3A_164 = arith.addi %mul3A_162, %add3A_163 : i32
      %dma_wait3A_165 = arith.constant 0 : i32
      %dma_wait3A_166 = arith.constant 0 : i32
      %dma_wait3A_167 = tpu.memref_slice %arg2[%dma_wait3A_165, %dma_wait3A_166] : memref<20000x64xf32, #tpu.memory_space<hbm>> -> memref<125x64xf32, #tpu.memory_space<hbm>>
      %dma_wait3A_168 = arith.constant 0 : i32
      %dma_wait3A_169 = arith.constant 0 : i32
      %dma_wait3A_170 = tpu.memref_slice %arg2[%dma_wait3A_168, %dma_wait3A_169] : memref<20000x64xf32, #tpu.memory_space<hbm>> -> memref<125x64xf32, #tpu.memory_space<hbm>>
      tpu.wait_dma2 semaphore(%arg17 : memref<!tpu.dma_semaphore, #tpu.memory_space<semaphore_mem>>) src(%dma_wait3A_170 : memref<125x64xf32, #tpu.memory_space<hbm>>) dst(%arg12 : memref<125x64xf32, #tpu.memory_space<vmem>>)
      %dma_start3A_171 = arith.constant 0 : i32
      %dma_start3A_172 = tpu.memref_slice %arg9[%add3A_164, %dma_start3A_171] : memref<160x125xi32, #tpu.memory_space<vmem>> -> memref<1x125xi32, #tpu.memory_space<vmem>>
      %dma_start3A_173 = tpu.memref_squeeze %dma_start3A_172 : memref<1x125xi32, #tpu.memory_space<vmem>> -> memref<125xi32, #tpu.memory_space<vmem>>
      %dma_start3A_174 = arith.constant 0 : i32
      %dma_start3A_175 = arith.constant 0 : i32
      %dma_start3A_176 = tpu.memref_slice %arg7[%dma_start3A_174, %dma_start3A_175] : memref<10000x64xf32, #tpu.memory_space<vmem_shared>> -> memref<10000x64xf32, #tpu.memory_space<vmem_shared>>
      tpu.enqueue_indirect_dma source(%arg12 : memref<125x64xf32, #tpu.memory_space<vmem>>) target(%dma_start3A_176 : memref<10000x64xf32, #tpu.memory_space<vmem_shared>>) offsets(%dma_start3A_173 : memref<125xi32, #tpu.memory_space<vmem>>) semaphore(%arg22 : memref<!tpu.dma_semaphore, #tpu.memory_space<semaphore_mem>>) {add = true}
      %add3A_177 = arith.constant 2 : i32
      %add3A_178 = arith.addi %add3A_164, %add3A_177 : i32
      %lt3A_179 = arith.constant 160 : i32
      %lt3A_180 = arith.cmpi slt, %add3A_178, %lt3A_179 : i32
      %add3A_181 = arith.constant 2 : i32
      %add3A_182 = arith.addi %add3A_164, %add3A_181 : i32
      %ge3A_183 = arith.constant 5 : i32
      %ge3A_184 = arith.cmpi sge, %add3A_182, %ge3A_183 : i32
      %and3A_185 = arith.andi %lt3A_180, %ge3A_184 : i1
      %convert_element_type3A_186 = arith.extui %and3A_185 : i1 to i32
      %cond3A_187 = arith.constant 0 : i32
      %cond3A_188 = arith.cmpi ne, %convert_element_type3A_186, %cond3A_187 : i32
      scf.if %cond3A_188 {
        %dma_wait3A_266 = arith.constant 0 : i32
        %dma_wait3A_267 = arith.constant 0 : i32
        %dma_wait3A_268 = tpu.memref_slice %arg2[%dma_wait3A_266, %dma_wait3A_267] : memref<20000x64xf32, #tpu.memory_space<hbm>> -> memref<125x64xf32, #tpu.memory_space<hbm>>
        %dma_wait3A_269 = arith.constant 0 : i32
        %dma_wait3A_270 = arith.constant 0 : i32
        %dma_wait3A_271 = tpu.memref_slice %arg2[%dma_wait3A_269, %dma_wait3A_270] : memref<20000x64xf32, #tpu.memory_space<hbm>> -> memref<125x64xf32, #tpu.memory_space<hbm>>
        tpu.wait_dma2 semaphore(%arg24 : memref<!tpu.dma_semaphore, #tpu.memory_space<semaphore_mem>>) src(%dma_wait3A_271 : memref<125x64xf32, #tpu.memory_space<hbm>>) dst(%arg14 : memref<125x64xf32, #tpu.memory_space<vmem>>)
      } else {
      }
      %add3A_189 = arith.constant 2 : i32
      %add3A_190 = arith.addi %add3A_164, %add3A_189 : i32
      %lt3A_191 = arith.constant 160 : i32
      %lt3A_192 = arith.cmpi slt, %add3A_190, %lt3A_191 : i32
      %convert_element_type3A_193 = arith.extui %lt3A_192 : i1 to i32
      %cond3A_194 = arith.constant 0 : i32
      %cond3A_195 = arith.cmpi ne, %convert_element_type3A_193, %cond3A_194 : i32
      scf.if %cond3A_195 {
        %add3A_266 = arith.constant 2 : i32
        %add3A_267 = arith.addi %add3A_164, %add3A_266 : i32
        %dma_start3A_268 = arith.constant 0 : i32
        %dma_start3A_269 = tpu.memref_slice %arg8[%add3A_267, %dma_start3A_268] : memref<160x125xi32, #tpu.memory_space<vmem>> -> memref<1x125xi32, #tpu.memory_space<vmem>>
        %dma_start3A_270 = tpu.memref_squeeze %dma_start3A_269 : memref<1x125xi32, #tpu.memory_space<vmem>> -> memref<125xi32, #tpu.memory_space<vmem>>
        %dma_start3A_271 = arith.constant 0 : i32
        %dma_start3A_272 = arith.constant 0 : i32
        %dma_start3A_273 = tpu.memref_slice %arg2[%dma_start3A_271, %dma_start3A_272] : memref<20000x64xf32, #tpu.memory_space<hbm>> -> memref<20000x64xf32, #tpu.memory_space<hbm>>
        tpu.enqueue_indirect_dma source(%dma_start3A_273 : memref<20000x64xf32, #tpu.memory_space<hbm>>) target(%arg14 : memref<125x64xf32, #tpu.memory_space<vmem>>) offsets(%dma_start3A_270 : memref<125xi32, #tpu.memory_space<vmem>>) semaphore(%arg19 : memref<!tpu.dma_semaphore, #tpu.memory_space<semaphore_mem>>)
      } else {
      }
      %mul3A_196 = arith.constant 5 : i32
      %mul3A_197 = arith.muli %scan3A_94, %mul3A_196 : i32
      %add3A_198 = arith.constant 3 : i32
      %add3A_199 = arith.addi %mul3A_197, %add3A_198 : i32
      %dma_wait3A_200 = arith.constant 0 : i32
      %dma_wait3A_201 = arith.constant 0 : i32
      %dma_wait3A_202 = tpu.memref_slice %arg2[%dma_wait3A_200, %dma_wait3A_201] : memref<20000x64xf32, #tpu.memory_space<hbm>> -> memref<125x64xf32, #tpu.memory_space<hbm>>
      %dma_wait3A_203 = arith.constant 0 : i32
      %dma_wait3A_204 = arith.constant 0 : i32
      %dma_wait3A_205 = tpu.memref_slice %arg2[%dma_wait3A_203, %dma_wait3A_204] : memref<20000x64xf32, #tpu.memory_space<hbm>> -> memref<125x64xf32, #tpu.memory_space<hbm>>
      tpu.wait_dma2 semaphore(%arg18 : memref<!tpu.dma_semaphore, #tpu.memory_space<semaphore_mem>>) src(%dma_wait3A_205 : memref<125x64xf32, #tpu.memory_space<hbm>>) dst(%arg13 : memref<125x64xf32, #tpu.memory_space<vmem>>)
      %dma_start3A_206 = arith.constant 0 : i32
      %dma_start3A_207 = tpu.memref_slice %arg9[%add3A_199, %dma_start3A_206] : memref<160x125xi32, #tpu.memory_space<vmem>> -> memref<1x125xi32, #tpu.memory_space<vmem>>
      %dma_start3A_208 = tpu.memref_squeeze %dma_start3A_207 : memref<1x125xi32, #tpu.memory_space<vmem>> -> memref<125xi32, #tpu.memory_space<vmem>>
      %dma_start3A_209 = arith.constant 0 : i32
      %dma_start3A_210 = arith.constant 0 : i32
      %dma_start3A_211 = tpu.memref_slice %arg7[%dma_start3A_209, %dma_start3A_210] : memref<10000x64xf32, #tpu.memory_space<vmem_shared>> -> memref<10000x64xf32, #tpu.memory_space<vmem_shared>>
      tpu.enqueue_indirect_dma source(%arg13 : memref<125x64xf32, #tpu.memory_space<vmem>>) target(%dma_start3A_211 : memref<10000x64xf32, #tpu.memory_space<vmem_shared>>) offsets(%dma_start3A_208 : memref<125xi32, #tpu.memory_space<vmem>>) semaphore(%arg23 : memref<!tpu.dma_semaphore, #tpu.memory_space<semaphore_mem>>) {add = true}
      %add3A_212 = arith.constant 2 : i32
      %add3A_213 = arith.addi %add3A_199, %add3A_212 : i32
      %lt3A_214 = arith.constant 160 : i32
      %lt3A_215 = arith.cmpi slt, %add3A_213, %lt3A_214 : i32
      %add3A_216 = arith.constant 2 : i32
      %add3A_217 = arith.addi %add3A_199, %add3A_216 : i32
      %ge3A_218 = arith.constant 5 : i32
      %ge3A_219 = arith.cmpi sge, %add3A_217, %ge3A_218 : i32
      %and3A_220 = arith.andi %lt3A_215, %ge3A_219 : i1
      %convert_element_type3A_221 = arith.extui %and3A_220 : i1 to i32
      %cond3A_222 = arith.constant 0 : i32
      %cond3A_223 = arith.cmpi ne, %convert_element_type3A_221, %cond3A_222 : i32
      scf.if %cond3A_223 {
        %dma_wait3A_266 = arith.constant 0 : i32
        %dma_wait3A_267 = arith.constant 0 : i32
        %dma_wait3A_268 = tpu.memref_slice %arg2[%dma_wait3A_266, %dma_wait3A_267] : memref<20000x64xf32, #tpu.memory_space<hbm>> -> memref<125x64xf32, #tpu.memory_space<hbm>>
        %dma_wait3A_269 = arith.constant 0 : i32
        %dma_wait3A_270 = arith.constant 0 : i32
        %dma_wait3A_271 = tpu.memref_slice %arg2[%dma_wait3A_269, %dma_wait3A_270] : memref<20000x64xf32, #tpu.memory_space<hbm>> -> memref<125x64xf32, #tpu.memory_space<hbm>>
        tpu.wait_dma2 semaphore(%arg20 : memref<!tpu.dma_semaphore, #tpu.memory_space<semaphore_mem>>) src(%dma_wait3A_271 : memref<125x64xf32, #tpu.memory_space<hbm>>) dst(%arg10 : memref<125x64xf32, #tpu.memory_space<vmem>>)
      } else {
      }
      %add3A_224 = arith.constant 2 : i32
      %add3A_225 = arith.addi %add3A_199, %add3A_224 : i32
      %lt3A_226 = arith.constant 160 : i32
      %lt3A_227 = arith.cmpi slt, %add3A_225, %lt3A_226 : i32
      %convert_element_type3A_228 = arith.extui %lt3A_227 : i1 to i32
      %cond3A_229 = arith.constant 0 : i32
      %cond3A_230 = arith.cmpi ne, %convert_element_type3A_228, %cond3A_229 : i32
      scf.if %cond3A_230 {
        %add3A_266 = arith.constant 2 : i32
        %add3A_267 = arith.addi %add3A_199, %add3A_266 : i32
        %dma_start3A_268 = arith.constant 0 : i32
        %dma_start3A_269 = tpu.memref_slice %arg8[%add3A_267, %dma_start3A_268] : memref<160x125xi32, #tpu.memory_space<vmem>> -> memref<1x125xi32, #tpu.memory_space<vmem>>
        %dma_start3A_270 = tpu.memref_squeeze %dma_start3A_269 : memref<1x125xi32, #tpu.memory_space<vmem>> -> memref<125xi32, #tpu.memory_space<vmem>>
        %dma_start3A_271 = arith.constant 0 : i32
        %dma_start3A_272 = arith.constant 0 : i32
        %dma_start3A_273 = tpu.memref_slice %arg2[%dma_start3A_271, %dma_start3A_272] : memref<20000x64xf32, #tpu.memory_space<hbm>> -> memref<20000x64xf32, #tpu.memory_space<hbm>>
        tpu.enqueue_indirect_dma source(%dma_start3A_273 : memref<20000x64xf32, #tpu.memory_space<hbm>>) target(%arg10 : memref<125x64xf32, #tpu.memory_space<vmem>>) offsets(%dma_start3A_270 : memref<125xi32, #tpu.memory_space<vmem>>) semaphore(%arg15 : memref<!tpu.dma_semaphore, #tpu.memory_space<semaphore_mem>>)
      } else {
      }
      %mul3A_231 = arith.constant 5 : i32
      %mul3A_232 = arith.muli %scan3A_94, %mul3A_231 : i32
      %add3A_233 = arith.constant 4 : i32
      %add3A_234 = arith.addi %mul3A_232, %add3A_233 : i32
      %dma_wait3A_235 = arith.constant 0 : i32
      %dma_wait3A_236 = arith.constant 0 : i32
      %dma_wait3A_237 = tpu.memref_slice %arg2[%dma_wait3A_235, %dma_wait3A_236] : memref<20000x64xf32, #tpu.memory_space<hbm>> -> memref<125x64xf32, #tpu.memory_space<hbm>>
      %dma_wait3A_238 = arith.constant 0 : i32
      %dma_wait3A_239 = arith.constant 0 : i32
      %dma_wait3A_240 = tpu.memref_slice %arg2[%dma_wait3A_238, %dma_wait3A_239] : memref<20000x64xf32, #tpu.memory_space<hbm>> -> memref<125x64xf32, #tpu.memory_space<hbm>>
      tpu.wait_dma2 semaphore(%arg19 : memref<!tpu.dma_semaphore, #tpu.memory_space<semaphore_mem>>) src(%dma_wait3A_240 : memref<125x64xf32, #tpu.memory_space<hbm>>) dst(%arg14 : memref<125x64xf32, #tpu.memory_space<vmem>>)
      %dma_start3A_241 = arith.constant 0 : i32
      %dma_start3A_242 = tpu.memref_slice %arg9[%add3A_234, %dma_start3A_241] : memref<160x125xi32, #tpu.memory_space<vmem>> -> memref<1x125xi32, #tpu.memory_space<vmem>>
      %dma_start3A_243 = tpu.memref_squeeze %dma_start3A_242 : memref<1x125xi32, #tpu.memory_space<vmem>> -> memref<125xi32, #tpu.memory_space<vmem>>
      %dma_start3A_244 = arith.constant 0 : i32
      %dma_start3A_245 = arith.constant 0 : i32
      %dma_start3A_246 = tpu.memref_slice %arg7[%dma_start3A_244, %dma_start3A_245] : memref<10000x64xf32, #tpu.memory_space<vmem_shared>> -> memref<10000x64xf32, #tpu.memory_space<vmem_shared>>
      tpu.enqueue_indirect_dma source(%arg14 : memref<125x64xf32, #tpu.memory_space<vmem>>) target(%dma_start3A_246 : memref<10000x64xf32, #tpu.memory_space<vmem_shared>>) offsets(%dma_start3A_243 : memref<125xi32, #tpu.memory_space<vmem>>) semaphore(%arg24 : memref<!tpu.dma_semaphore, #tpu.memory_space<semaphore_mem>>) {add = true}
      %add3A_247 = arith.constant 2 : i32
      %add3A_248 = arith.addi %add3A_234, %add3A_247 : i32
      %lt3A_249 = arith.constant 160 : i32
      %lt3A_250 = arith.cmpi slt, %add3A_248, %lt3A_249 : i32
      %add3A_251 = arith.constant 2 : i32
      %add3A_252 = arith.addi %add3A_234, %add3A_251 : i32
      %ge3A_253 = arith.constant 5 : i32
      %ge3A_254 = arith.cmpi sge, %add3A_252, %ge3A_253 : i32
      %and3A_255 = arith.andi %lt3A_250, %ge3A_254 : i1
      %convert_element_type3A_256 = arith.extui %and3A_255 : i1 to i32
      %cond3A_257 = arith.constant 0 : i32
      %cond3A_258 = arith.cmpi ne, %convert_element_type3A_256, %cond3A_257 : i32
      scf.if %cond3A_258 {
        %dma_wait3A_266 = arith.constant 0 : i32
        %dma_wait3A_267 = arith.constant 0 : i32
        %dma_wait3A_268 = tpu.memref_slice %arg2[%dma_wait3A_266, %dma_wait3A_267] : memref<20000x64xf32, #tpu.memory_space<hbm>> -> memref<125x64xf32, #tpu.memory_space<hbm>>
        %dma_wait3A_269 = arith.constant 0 : i32
        %dma_wait3A_270 = arith.constant 0 : i32
        %dma_wait3A_271 = tpu.memref_slice %arg2[%dma_wait3A_269, %dma_wait3A_270] : memref<20000x64xf32, #tpu.memory_space<hbm>> -> memref<125x64xf32, #tpu.memory_space<hbm>>
        tpu.wait_dma2 semaphore(%arg21 : memref<!tpu.dma_semaphore, #tpu.memory_space<semaphore_mem>>) src(%dma_wait3A_271 : memref<125x64xf32, #tpu.memory_space<hbm>>) dst(%arg11 : memref<125x64xf32, #tpu.memory_space<vmem>>)
      } else {
      }
      %add3A_259 = arith.constant 2 : i32
      %add3A_260 = arith.addi %add3A_234, %add3A_259 : i32
      %lt3A_261 = arith.constant 160 : i32
      %lt3A_262 = arith.cmpi slt, %add3A_260, %lt3A_261 : i32
      %convert_element_type3A_263 = arith.extui %lt3A_262 : i1 to i32
      %cond3A_264 = arith.constant 0 : i32
      %cond3A_265 = arith.cmpi ne, %convert_element_type3A_263, %cond3A_264 : i32
      scf.if %cond3A_265 {
        %add3A_266 = arith.constant 2 : i32
        %add3A_267 = arith.addi %add3A_234, %add3A_266 : i32
        %dma_start3A_268 = arith.constant 0 : i32
        %dma_start3A_269 = tpu.memref_slice %arg8[%add3A_267, %dma_start3A_268] : memref<160x125xi32, #tpu.memory_space<vmem>> -> memref<1x125xi32, #tpu.memory_space<vmem>>
        %dma_start3A_270 = tpu.memref_squeeze %dma_start3A_269 : memref<1x125xi32, #tpu.memory_space<vmem>> -> memref<125xi32, #tpu.memory_space<vmem>>
        %dma_start3A_271 = arith.constant 0 : i32
        %dma_start3A_272 = arith.constant 0 : i32
        %dma_start3A_273 = tpu.memref_slice %arg2[%dma_start3A_271, %dma_start3A_272] : memref<20000x64xf32, #tpu.memory_space<hbm>> -> memref<20000x64xf32, #tpu.memory_space<hbm>>
        tpu.enqueue_indirect_dma source(%dma_start3A_273 : memref<20000x64xf32, #tpu.memory_space<hbm>>) target(%arg11 : memref<125x64xf32, #tpu.memory_space<vmem>>) offsets(%dma_start3A_270 : memref<125xi32, #tpu.memory_space<vmem>>) semaphore(%arg16 : memref<!tpu.dma_semaphore, #tpu.memory_space<semaphore_mem>>)
      } else {
      }
    }
    %scan3A_51 = arith.constant 32 : i32
    %dma_wait3A_52 = arith.constant 0 : i32
    %dma_wait3A_53 = arith.constant 0 : i32
    %dma_wait3A_54 = tpu.memref_slice %arg2[%dma_wait3A_52, %dma_wait3A_53] : memref<20000x64xf32, #tpu.memory_space<hbm>> -> memref<125x64xf32, #tpu.memory_space<hbm>>
    %dma_wait3A_55 = arith.constant 0 : i32
    %dma_wait3A_56 = arith.constant 0 : i32
    %dma_wait3A_57 = tpu.memref_slice %arg2[%dma_wait3A_55, %dma_wait3A_56] : memref<20000x64xf32, #tpu.memory_space<hbm>> -> memref<125x64xf32, #tpu.memory_space<hbm>>
    tpu.wait_dma2 semaphore(%arg20 : memref<!tpu.dma_semaphore, #tpu.memory_space<semaphore_mem>>) src(%dma_wait3A_57 : memref<125x64xf32, #tpu.memory_space<hbm>>) dst(%arg10 : memref<125x64xf32, #tpu.memory_space<vmem>>)
    %dma_wait3A_58 = arith.constant 0 : i32
    %dma_wait3A_59 = arith.constant 0 : i32
    %dma_wait3A_60 = tpu.memref_slice %arg2[%dma_wait3A_58, %dma_wait3A_59] : memref<20000x64xf32, #tpu.memory_space<hbm>> -> memref<125x64xf32, #tpu.memory_space<hbm>>
    %dma_wait3A_61 = arith.constant 0 : i32
    %dma_wait3A_62 = arith.constant 0 : i32
    %dma_wait3A_63 = tpu.memref_slice %arg2[%dma_wait3A_61, %dma_wait3A_62] : memref<20000x64xf32, #tpu.memory_space<hbm>> -> memref<125x64xf32, #tpu.memory_space<hbm>>
    tpu.wait_dma2 semaphore(%arg21 : memref<!tpu.dma_semaphore, #tpu.memory_space<semaphore_mem>>) src(%dma_wait3A_63 : memref<125x64xf32, #tpu.memory_space<hbm>>) dst(%arg11 : memref<125x64xf32, #tpu.memory_space<vmem>>)
    %dma_wait3A_64 = arith.constant 0 : i32
    %dma_wait3A_65 = arith.constant 0 : i32
    %dma_wait3A_66 = tpu.memref_slice %arg2[%dma_wait3A_64, %dma_wait3A_65] : memref<20000x64xf32, #tpu.memory_space<hbm>> -> memref<125x64xf32, #tpu.memory_space<hbm>>
    %dma_wait3A_67 = arith.constant 0 : i32
    %dma_wait3A_68 = arith.constant 0 : i32
    %dma_wait3A_69 = tpu.memref_slice %arg2[%dma_wait3A_67, %dma_wait3A_68] : memref<20000x64xf32, #tpu.memory_space<hbm>> -> memref<125x64xf32, #tpu.memory_space<hbm>>
    tpu.wait_dma2 semaphore(%arg22 : memref<!tpu.dma_semaphore, #tpu.memory_space<semaphore_mem>>) src(%dma_wait3A_69 : memref<125x64xf32, #tpu.memory_space<hbm>>) dst(%arg12 : memref<125x64xf32, #tpu.memory_space<vmem>>)
    %dma_wait3A_70 = arith.constant 0 : i32
    %dma_wait3A_71 = arith.constant 0 : i32
    %dma_wait3A_72 = tpu.memref_slice %arg2[%dma_wait3A_70, %dma_wait3A_71] : memref<20000x64xf32, #tpu.memory_space<hbm>> -> memref<125x64xf32, #tpu.memory_space<hbm>>
    %dma_wait3A_73 = arith.constant 0 : i32
    %dma_wait3A_74 = arith.constant 0 : i32
    %dma_wait3A_75 = tpu.memref_slice %arg2[%dma_wait3A_73, %dma_wait3A_74] : memref<20000x64xf32, #tpu.memory_space<hbm>> -> memref<125x64xf32, #tpu.memory_space<hbm>>
    tpu.wait_dma2 semaphore(%arg23 : memref<!tpu.dma_semaphore, #tpu.memory_space<semaphore_mem>>) src(%dma_wait3A_75 : memref<125x64xf32, #tpu.memory_space<hbm>>) dst(%arg13 : memref<125x64xf32, #tpu.memory_space<vmem>>)
    %dma_wait3A_76 = arith.constant 0 : i32
    %dma_wait3A_77 = arith.constant 0 : i32
    %dma_wait3A_78 = tpu.memref_slice %arg2[%dma_wait3A_76, %dma_wait3A_77] : memref<20000x64xf32, #tpu.memory_space<hbm>> -> memref<125x64xf32, #tpu.memory_space<hbm>>
    %dma_wait3A_79 = arith.constant 0 : i32
    %dma_wait3A_80 = arith.constant 0 : i32
    %dma_wait3A_81 = tpu.memref_slice %arg2[%dma_wait3A_79, %dma_wait3A_80] : memref<20000x64xf32, #tpu.memory_space<hbm>> -> memref<125x64xf32, #tpu.memory_space<hbm>>
    tpu.wait_dma2 semaphore(%arg24 : memref<!tpu.dma_semaphore, #tpu.memory_space<semaphore_mem>>) src(%dma_wait3A_81 : memref<125x64xf32, #tpu.memory_space<hbm>>) dst(%arg14 : memref<125x64xf32, #tpu.memory_space<vmem>>)
    %barrier3A_82 = arith.constant 0 : index
    tpu.barrier barrier_id(%barrier3A_82)
    %mul3A_83 = arith.constant 624 : i32
    %mul3A_84 = arith.muli %arg1, %mul3A_83 : i32
    %mul3A_85 = arith.constant 64 : i32
    %mul3A_86 = arith.muli %arg0, %mul3A_85 : i32
    %mul3A_87 = arith.constant 64 : i32
    %mul3A_88 = arith.muli %arg0, %mul3A_87 : i32
    "tpu.region"() ({
      %run_scoped3A = tpu.sem_alloc : memref<!tpu.dma_semaphore, #tpu.memory_space<semaphore_mem>>
      %dma_start3A_94 = tpu.memref_slice %arg6[%mul3A_84, %mul3A_86] : memref<10000x128xf32, #tpu.memory_space<hbm>> -> memref<624x64xf32, #tpu.memory_space<hbm>>
      %dma_start3A_95 = arith.constant 0 : i32
      %dma_start3A_96 = tpu.memref_slice %arg7[%mul3A_84, %dma_start3A_95] : memref<10000x64xf32, #tpu.memory_space<vmem_shared>> -> memref<624x64xf32, #tpu.memory_space<vmem_shared>>
      tpu.enqueue_dma source(%dma_start3A_96 : memref<624x64xf32, #tpu.memory_space<vmem_shared>>) target(%dma_start3A_94 : memref<624x64xf32, #tpu.memory_space<hbm>>) target_semaphore(%run_scoped3A : memref<!tpu.dma_semaphore, #tpu.memory_space<semaphore_mem>>)
      %dma_wait3A_97 = tpu.memref_slice %arg6[%mul3A_84, %mul3A_86] : memref<10000x128xf32, #tpu.memory_space<hbm>> -> memref<624x64xf32, #tpu.memory_space<hbm>>
      %dma_wait3A_98 = arith.constant 0 : i32
      %dma_wait3A_99 = tpu.memref_slice %arg7[%mul3A_84, %dma_wait3A_98] : memref<10000x64xf32, #tpu.memory_space<vmem_shared>> -> memref<624x64xf32, #tpu.memory_space<vmem_shared>>
      tpu.wait_dma2 semaphore(%run_scoped3A : memref<!tpu.dma_semaphore, #tpu.memory_space<semaphore_mem>>) src(%dma_wait3A_99 : memref<624x64xf32, #tpu.memory_space<vmem_shared>>) dst(%dma_wait3A_97 : memref<624x64xf32, #tpu.memory_space<hbm>>)
      tpu.yield
    }) : () -> ()
    %eq3A_89 = arith.constant 15 : i32
    %eq3A_90 = arith.cmpi eq, %arg1, %eq3A_89 : i32
    %convert_element_type3A_91 = arith.extui %eq3A_90 : i1 to i32
    %cond3A_92 = arith.constant 0 : i32
    %cond3A_93 = arith.cmpi ne, %convert_element_type3A_91, %cond3A_92 : i32
    scf.if %cond3A_93 {
      "tpu.region"() ({
        %run_scoped3A = tpu.sem_alloc : memref<!tpu.dma_semaphore, #tpu.memory_space<semaphore_mem>>
        %dma_start3A_94 = arith.constant 9984 : i32
        %dma_start3A_95 = tpu.memref_slice %arg6[%dma_start3A_94, %mul3A_88] : memref<10000x128xf32, #tpu.memory_space<hbm>> -> memref<16x64xf32, #tpu.memory_space<hbm>>
        %dma_start3A_96 = arith.constant 9984 : i32
        %dma_start3A_97 = arith.constant 0 : i32
        %dma_start3A_98 = tpu.memref_slice %arg7[%dma_start3A_96, %dma_start3A_97] : memref<10000x64xf32, #tpu.memory_space<vmem_shared>> -> memref<16x64xf32, #tpu.memory_space<vmem_shared>>
        tpu.enqueue_dma source(%dma_start3A_98 : memref<16x64xf32, #tpu.memory_space<vmem_shared>>) target(%dma_start3A_95 : memref<16x64xf32, #tpu.memory_space<hbm>>) target_semaphore(%run_scoped3A : memref<!tpu.dma_semaphore, #tpu.memory_space<semaphore_mem>>)
        %dma_wait3A_99 = arith.constant 9984 : i32
        %dma_wait3A_100 = tpu.memref_slice %arg6[%dma_wait3A_99, %mul3A_88] : memref<10000x128xf32, #tpu.memory_space<hbm>> -> memref<16x64xf32, #tpu.memory_space<hbm>>
        %dma_wait3A_101 = arith.constant 9984 : i32
        %dma_wait3A_102 = arith.constant 0 : i32
        %dma_wait3A_103 = tpu.memref_slice %arg7[%dma_wait3A_101, %dma_wait3A_102] : memref<10000x64xf32, #tpu.memory_space<vmem_shared>> -> memref<16x64xf32, #tpu.memory_space<vmem_shared>>
        tpu.wait_dma2 semaphore(%run_scoped3A : memref<!tpu.dma_semaphore, #tpu.memory_space<semaphore_mem>>) src(%dma_wait3A_103 : memref<16x64xf32, #tpu.memory_space<vmem_shared>>) dst(%dma_wait3A_100 : memref<16x64xf32, #tpu.memory_space<hbm>>)
        tpu.yield
      }) : () -> ()
    } else {
    }
    return
  }
}

#map = affine_map<(d0, d1) -> (0, 0)>
#map1 = affine_map<(d0, d1) -> (0, 0, 0)>
module attributes {stable_mosaic.version = 14 : i64} {
  func.func @body(%arg0: i32, %arg1: i32, %arg2: memref<20000x64xf32, #tpu.memory_space<hbm>>, %arg3: memref<32x80x125xi32, #tpu.memory_space<hbm>>, %arg4: memref<32x80x125xi32, #tpu.memory_space<hbm>>, %arg5: memref<10000x64xf32, #tpu.memory_space<hbm>>, %arg6: memref<2x10000x128xf32, #tpu.memory_space<hbm>>, %arg7: memref<10000x64xf32, #tpu.memory_space<vmem_shared>>, %arg8: memref<80x125xi32, #tpu.memory_space<vmem>>, %arg9: memref<80x125xi32, #tpu.memory_space<vmem>>, %arg10: memref<125x64xf32, #tpu.memory_space<vmem>>, %arg11: memref<125x64xf32, #tpu.memory_space<vmem>>, %arg12: memref<125x64xf32, #tpu.memory_space<vmem>>, %arg13: memref<125x64xf32, #tpu.memory_space<vmem>>, %arg14: memref<125x64xf32, #tpu.memory_space<vmem>>, %arg15: memref<!tpu.dma_semaphore, #tpu.memory_space<semaphore_mem>>, %arg16: memref<!tpu.dma_semaphore, #tpu.memory_space<semaphore_mem>>, %arg17: memref<!tpu.dma_semaphore, #tpu.memory_space<semaphore_mem>>, %arg18: memref<!tpu.dma_semaphore, #tpu.memory_space<semaphore_mem>>, %arg19: memref<!tpu.dma_semaphore, #tpu.memory_space<semaphore_mem>>, %arg20: memref<!tpu.dma_semaphore, #tpu.memory_space<semaphore_mem>>, %arg21: memref<!tpu.dma_semaphore, #tpu.memory_space<semaphore_mem>>, %arg22: memref<!tpu.dma_semaphore, #tpu.memory_space<semaphore_mem>>, %arg23: memref<!tpu.dma_semaphore, #tpu.memory_space<semaphore_mem>>, %arg24: memref<!tpu.dma_semaphore, #tpu.memory_space<semaphore_mem>>) attributes {dimension_semantics = [#tpu.dimension_semantics<core_parallel>, #tpu.dimension_semantics<subcore_parallel>], iteration_bounds = array<i64: 2, 16>, scalar_prefetch = 0 : i64, scratch_operands = 18 : i64, tpu.core_type = #tpu.core_type<sc_vector_subcore>, window_params = [{transform_indices = #map}, {transform_indices = #map1}, {transform_indices = #map1}, {transform_indices = #map}, {transform_indices = #map1}]} {
    %mul3A = arith.constant 16 : i32
    %mul3A_0 = arith.muli %arg0, %mul3A : i32
    %add3A = arith.addi %mul3A_0, %arg1 : i32
    %dma_start3A = arith.constant 0 : i32
    %dma_start3A_1 = arith.constant 0 : i32
    %dma_start3A_2 = tpu.memref_slice %arg3[%add3A, %dma_start3A, %dma_start3A_1] : memref<32x80x125xi32, #tpu.memory_space<hbm>> -> memref<1x80x125xi32, #tpu.memory_space<hbm>>
    %dma_start3A_3 = tpu.memref_squeeze %dma_start3A_2 : memref<1x80x125xi32, #tpu.memory_space<hbm>> -> memref<80x125xi32, #tpu.memory_space<hbm>>
    %dma_start3A_4 = arith.constant 0 : i32
    %dma_start3A_5 = arith.constant 0 : i32
    %dma_start3A_6 = tpu.memref_slice %arg3[%add3A, %dma_start3A_4, %dma_start3A_5] : memref<32x80x125xi32, #tpu.memory_space<hbm>> -> memref<1x80x125xi32, #tpu.memory_space<hbm>>
    %dma_start3A_7 = tpu.memref_squeeze %dma_start3A_6 : memref<1x80x125xi32, #tpu.memory_space<hbm>> -> memref<80x125xi32, #tpu.memory_space<hbm>>
    tpu.enqueue_dma source(%dma_start3A_7 : memref<80x125xi32, #tpu.memory_space<hbm>>) target(%arg8 : memref<80x125xi32, #tpu.memory_space<vmem>>) target_semaphore(%arg16 : memref<!tpu.dma_semaphore, #tpu.memory_space<semaphore_mem>>)
    %dma_start3A_8 = arith.constant 0 : i32
    %dma_start3A_9 = arith.constant 0 : i32
    %dma_start3A_10 = tpu.memref_slice %arg4[%add3A, %dma_start3A_8, %dma_start3A_9] : memref<32x80x125xi32, #tpu.memory_space<hbm>> -> memref<1x80x125xi32, #tpu.memory_space<hbm>>
    %dma_start3A_11 = tpu.memref_squeeze %dma_start3A_10 : memref<1x80x125xi32, #tpu.memory_space<hbm>> -> memref<80x125xi32, #tpu.memory_space<hbm>>
    %dma_start3A_12 = arith.constant 0 : i32
    %dma_start3A_13 = arith.constant 0 : i32
    %dma_start3A_14 = tpu.memref_slice %arg4[%add3A, %dma_start3A_12, %dma_start3A_13] : memref<32x80x125xi32, #tpu.memory_space<hbm>> -> memref<1x80x125xi32, #tpu.memory_space<hbm>>
    %dma_start3A_15 = tpu.memref_squeeze %dma_start3A_14 : memref<1x80x125xi32, #tpu.memory_space<hbm>> -> memref<80x125xi32, #tpu.memory_space<hbm>>
    tpu.enqueue_dma source(%dma_start3A_15 : memref<80x125xi32, #tpu.memory_space<hbm>>) target(%arg9 : memref<80x125xi32, #tpu.memory_space<vmem>>) target_semaphore(%arg17 : memref<!tpu.dma_semaphore, #tpu.memory_space<semaphore_mem>>)
    %mul3A_16 = arith.constant 624 : i32
    %mul3A_17 = arith.muli %arg1, %mul3A_16 : i32
    "tpu.region"() ({
      %run_scoped3A = tpu.sem_alloc : memref<!tpu.dma_semaphore, #tpu.memory_space<semaphore_mem>>
      %dma_start3A_92 = arith.constant 0 : i32
      %dma_start3A_93 = tpu.memref_slice %arg7[%mul3A_17, %dma_start3A_92] : memref<10000x64xf32, #tpu.memory_space<vmem_shared>> -> memref<624x64xf32, #tpu.memory_space<vmem_shared>>
      %dma_start3A_94 = arith.constant 0 : i32
      %dma_start3A_95 = tpu.memref_slice %arg5[%mul3A_17, %dma_start3A_94] : memref<10000x64xf32, #tpu.memory_space<hbm>> -> memref<624x64xf32, #tpu.memory_space<hbm>>
      tpu.enqueue_dma source(%dma_start3A_95 : memref<624x64xf32, #tpu.memory_space<hbm>>) target(%dma_start3A_93 : memref<624x64xf32, #tpu.memory_space<vmem_shared>>) target_semaphore(%run_scoped3A : memref<!tpu.dma_semaphore, #tpu.memory_space<semaphore_mem>>)
      %dma_wait3A_96 = arith.constant 0 : i32
      %dma_wait3A_97 = tpu.memref_slice %arg7[%mul3A_17, %dma_wait3A_96] : memref<10000x64xf32, #tpu.memory_space<vmem_shared>> -> memref<624x64xf32, #tpu.memory_space<vmem_shared>>
      %dma_wait3A_98 = arith.constant 0 : i32
      %dma_wait3A_99 = tpu.memref_slice %arg5[%mul3A_17, %dma_wait3A_98] : memref<10000x64xf32, #tpu.memory_space<hbm>> -> memref<624x64xf32, #tpu.memory_space<hbm>>
      tpu.wait_dma2 semaphore(%run_scoped3A : memref<!tpu.dma_semaphore, #tpu.memory_space<semaphore_mem>>) src(%dma_wait3A_99 : memref<624x64xf32, #tpu.memory_space<hbm>>) dst(%dma_wait3A_97 : memref<624x64xf32, #tpu.memory_space<vmem_shared>>)
      tpu.yield
    }) : () -> ()
    %eq3A = arith.constant 15 : i32
    %eq3A_18 = arith.cmpi eq, %arg1, %eq3A : i32
    %convert_element_type3A = arith.extui %eq3A_18 : i1 to i32
    %cond3A = arith.constant 0 : i32
    %cond3A_19 = arith.cmpi ne, %convert_element_type3A, %cond3A : i32
    scf.if %cond3A_19 {
      "tpu.region"() ({
        %run_scoped3A = tpu.sem_alloc : memref<!tpu.dma_semaphore, #tpu.memory_space<semaphore_mem>>
        %dma_start3A_92 = arith.constant 9984 : i32
        %dma_start3A_93 = arith.constant 0 : i32
        %dma_start3A_94 = tpu.memref_slice %arg7[%dma_start3A_92, %dma_start3A_93] : memref<10000x64xf32, #tpu.memory_space<vmem_shared>> -> memref<16x64xf32, #tpu.memory_space<vmem_shared>>
        %dma_start3A_95 = arith.constant 9984 : i32
        %dma_start3A_96 = arith.constant 0 : i32
        %dma_start3A_97 = tpu.memref_slice %arg5[%dma_start3A_95, %dma_start3A_96] : memref<10000x64xf32, #tpu.memory_space<hbm>> -> memref<16x64xf32, #tpu.memory_space<hbm>>
        tpu.enqueue_dma source(%dma_start3A_97 : memref<16x64xf32, #tpu.memory_space<hbm>>) target(%dma_start3A_94 : memref<16x64xf32, #tpu.memory_space<vmem_shared>>) target_semaphore(%run_scoped3A : memref<!tpu.dma_semaphore, #tpu.memory_space<semaphore_mem>>)
        %dma_wait3A_98 = arith.constant 9984 : i32
        %dma_wait3A_99 = arith.constant 0 : i32
        %dma_wait3A_100 = tpu.memref_slice %arg7[%dma_wait3A_98, %dma_wait3A_99] : memref<10000x64xf32, #tpu.memory_space<vmem_shared>> -> memref<16x64xf32, #tpu.memory_space<vmem_shared>>
        %dma_wait3A_101 = arith.constant 9984 : i32
        %dma_wait3A_102 = arith.constant 0 : i32
        %dma_wait3A_103 = tpu.memref_slice %arg5[%dma_wait3A_101, %dma_wait3A_102] : memref<10000x64xf32, #tpu.memory_space<hbm>> -> memref<16x64xf32, #tpu.memory_space<hbm>>
        tpu.wait_dma2 semaphore(%run_scoped3A : memref<!tpu.dma_semaphore, #tpu.memory_space<semaphore_mem>>) src(%dma_wait3A_103 : memref<16x64xf32, #tpu.memory_space<hbm>>) dst(%dma_wait3A_100 : memref<16x64xf32, #tpu.memory_space<vmem_shared>>)
        tpu.yield
      }) : () -> ()
    } else {
    }
    %dma_wait3A = arith.constant 0 : i32
    %dma_wait3A_20 = arith.constant 0 : i32
    %dma_wait3A_21 = tpu.memref_slice %arg3[%add3A, %dma_wait3A, %dma_wait3A_20] : memref<32x80x125xi32, #tpu.memory_space<hbm>> -> memref<1x80x125xi32, #tpu.memory_space<hbm>>
    %dma_wait3A_22 = tpu.memref_squeeze %dma_wait3A_21 : memref<1x80x125xi32, #tpu.memory_space<hbm>> -> memref<80x125xi32, #tpu.memory_space<hbm>>
    %dma_wait3A_23 = arith.constant 0 : i32
    %dma_wait3A_24 = arith.constant 0 : i32
    %dma_wait3A_25 = tpu.memref_slice %arg3[%add3A, %dma_wait3A_23, %dma_wait3A_24] : memref<32x80x125xi32, #tpu.memory_space<hbm>> -> memref<1x80x125xi32, #tpu.memory_space<hbm>>
    %dma_wait3A_26 = tpu.memref_squeeze %dma_wait3A_25 : memref<1x80x125xi32, #tpu.memory_space<hbm>> -> memref<80x125xi32, #tpu.memory_space<hbm>>
    tpu.wait_dma2 semaphore(%arg16 : memref<!tpu.dma_semaphore, #tpu.memory_space<semaphore_mem>>) src(%dma_wait3A_26 : memref<80x125xi32, #tpu.memory_space<hbm>>) dst(%arg8 : memref<80x125xi32, #tpu.memory_space<vmem>>)
    %dma_wait3A_27 = arith.constant 0 : i32
    %dma_wait3A_28 = arith.constant 0 : i32
    %dma_wait3A_29 = tpu.memref_slice %arg4[%add3A, %dma_wait3A_27, %dma_wait3A_28] : memref<32x80x125xi32, #tpu.memory_space<hbm>> -> memref<1x80x125xi32, #tpu.memory_space<hbm>>
    %dma_wait3A_30 = tpu.memref_squeeze %dma_wait3A_29 : memref<1x80x125xi32, #tpu.memory_space<hbm>> -> memref<80x125xi32, #tpu.memory_space<hbm>>
    %dma_wait3A_31 = arith.constant 0 : i32
    %dma_wait3A_32 = arith.constant 0 : i32
    %dma_wait3A_33 = tpu.memref_slice %arg4[%add3A, %dma_wait3A_31, %dma_wait3A_32] : memref<32x80x125xi32, #tpu.memory_space<hbm>> -> memref<1x80x125xi32, #tpu.memory_space<hbm>>
    %dma_wait3A_34 = tpu.memref_squeeze %dma_wait3A_33 : memref<1x80x125xi32, #tpu.memory_space<hbm>> -> memref<80x125xi32, #tpu.memory_space<hbm>>
    tpu.wait_dma2 semaphore(%arg17 : memref<!tpu.dma_semaphore, #tpu.memory_space<semaphore_mem>>) src(%dma_wait3A_34 : memref<80x125xi32, #tpu.memory_space<hbm>>) dst(%arg9 : memref<80x125xi32, #tpu.memory_space<vmem>>)
    %barrier3A = arith.constant 0 : index
    tpu.barrier barrier_id(%barrier3A)
    %dma_start3A_35 = arith.constant 0 : i32
    %dma_start3A_36 = arith.constant 0 : i32
    %dma_start3A_37 = tpu.memref_slice %arg8[%dma_start3A_35, %dma_start3A_36] : memref<80x125xi32, #tpu.memory_space<vmem>> -> memref<1x125xi32, #tpu.memory_space<vmem>>
    %dma_start3A_38 = tpu.memref_squeeze %dma_start3A_37 : memref<1x125xi32, #tpu.memory_space<vmem>> -> memref<125xi32, #tpu.memory_space<vmem>>
    %dma_start3A_39 = arith.constant 0 : i32
    %dma_start3A_40 = arith.constant 0 : i32
    %dma_start3A_41 = tpu.memref_slice %arg2[%dma_start3A_39, %dma_start3A_40] : memref<20000x64xf32, #tpu.memory_space<hbm>> -> memref<20000x64xf32, #tpu.memory_space<hbm>>
    tpu.enqueue_indirect_dma source(%dma_start3A_41 : memref<20000x64xf32, #tpu.memory_space<hbm>>) target(%arg10 : memref<125x64xf32, #tpu.memory_space<vmem>>) offsets(%dma_start3A_38 : memref<125xi32, #tpu.memory_space<vmem>>) semaphore(%arg15 : memref<!tpu.dma_semaphore, #tpu.memory_space<semaphore_mem>>)
    %dma_start3A_42 = arith.constant 1 : i32
    %dma_start3A_43 = arith.constant 0 : i32
    %dma_start3A_44 = tpu.memref_slice %arg8[%dma_start3A_42, %dma_start3A_43] : memref<80x125xi32, #tpu.memory_space<vmem>> -> memref<1x125xi32, #tpu.memory_space<vmem>>
    %dma_start3A_45 = tpu.memref_squeeze %dma_start3A_44 : memref<1x125xi32, #tpu.memory_space<vmem>> -> memref<125xi32, #tpu.memory_space<vmem>>
    %dma_start3A_46 = arith.constant 0 : i32
    %dma_start3A_47 = arith.constant 0 : i32
    %dma_start3A_48 = tpu.memref_slice %arg2[%dma_start3A_46, %dma_start3A_47] : memref<20000x64xf32, #tpu.memory_space<hbm>> -> memref<20000x64xf32, #tpu.memory_space<hbm>>
    tpu.enqueue_indirect_dma source(%dma_start3A_48 : memref<20000x64xf32, #tpu.memory_space<hbm>>) target(%arg11 : memref<125x64xf32, #tpu.memory_space<vmem>>) offsets(%dma_start3A_45 : memref<125xi32, #tpu.memory_space<vmem>>) semaphore(%arg16 : memref<!tpu.dma_semaphore, #tpu.memory_space<semaphore_mem>>)
    %scan3A = arith.constant 0 : i32
    %scan3A_49 = arith.constant 0 : i32
    %scan3A_50 = arith.constant 16 : i32
    %scan3A_51 = arith.addi %scan3A_49, %scan3A_50 : i32
    %scan3A_52 = arith.constant 1 : i32
    scf.for %scan3A_92 = %scan3A_49 to %scan3A_51 step %scan3A_52  : i32 {
      %mul3A_93 = arith.constant 5 : i32
      %mul3A_94 = arith.muli %scan3A_92, %mul3A_93 : i32
      %add3A_95 = arith.constant 0 : i32
      %add3A_96 = arith.addi %mul3A_94, %add3A_95 : i32
      %dma_wait3A_97 = arith.constant 0 : i32
      %dma_wait3A_98 = arith.constant 0 : i32
      %dma_wait3A_99 = tpu.memref_slice %arg2[%dma_wait3A_97, %dma_wait3A_98] : memref<20000x64xf32, #tpu.memory_space<hbm>> -> memref<125x64xf32, #tpu.memory_space<hbm>>
      %dma_wait3A_100 = arith.constant 0 : i32
      %dma_wait3A_101 = arith.constant 0 : i32
      %dma_wait3A_102 = tpu.memref_slice %arg2[%dma_wait3A_100, %dma_wait3A_101] : memref<20000x64xf32, #tpu.memory_space<hbm>> -> memref<125x64xf32, #tpu.memory_space<hbm>>
      tpu.wait_dma2 semaphore(%arg15 : memref<!tpu.dma_semaphore, #tpu.memory_space<semaphore_mem>>) src(%dma_wait3A_102 : memref<125x64xf32, #tpu.memory_space<hbm>>) dst(%arg10 : memref<125x64xf32, #tpu.memory_space<vmem>>)
      %dma_start3A_103 = arith.constant 0 : i32
      %dma_start3A_104 = tpu.memref_slice %arg9[%add3A_96, %dma_start3A_103] : memref<80x125xi32, #tpu.memory_space<vmem>> -> memref<1x125xi32, #tpu.memory_space<vmem>>
      %dma_start3A_105 = tpu.memref_squeeze %dma_start3A_104 : memref<1x125xi32, #tpu.memory_space<vmem>> -> memref<125xi32, #tpu.memory_space<vmem>>
      %dma_start3A_106 = arith.constant 0 : i32
      %dma_start3A_107 = arith.constant 0 : i32
      %dma_start3A_108 = tpu.memref_slice %arg7[%dma_start3A_106, %dma_start3A_107] : memref<10000x64xf32, #tpu.memory_space<vmem_shared>> -> memref<10000x64xf32, #tpu.memory_space<vmem_shared>>
      tpu.enqueue_indirect_dma source(%arg10 : memref<125x64xf32, #tpu.memory_space<vmem>>) target(%dma_start3A_108 : memref<10000x64xf32, #tpu.memory_space<vmem_shared>>) offsets(%dma_start3A_105 : memref<125xi32, #tpu.memory_space<vmem>>) semaphore(%arg20 : memref<!tpu.dma_semaphore, #tpu.memory_space<semaphore_mem>>) {add = true}
      %add3A_109 = arith.constant 2 : i32
      %add3A_110 = arith.addi %add3A_96, %add3A_109 : i32
      %lt3A = arith.constant 80 : i32
      %lt3A_111 = arith.cmpi slt, %add3A_110, %lt3A : i32
      %add3A_112 = arith.constant 2 : i32
      %add3A_113 = arith.addi %add3A_96, %add3A_112 : i32
      %ge3A = arith.constant 5 : i32
      %ge3A_114 = arith.cmpi sge, %add3A_113, %ge3A : i32
      %and3A = arith.andi %lt3A_111, %ge3A_114 : i1
      %convert_element_type3A_115 = arith.extui %and3A : i1 to i32
      %cond3A_116 = arith.constant 0 : i32
      %cond3A_117 = arith.cmpi ne, %convert_element_type3A_115, %cond3A_116 : i32
      scf.if %cond3A_117 {
        %dma_wait3A_265 = arith.constant 0 : i32
        %dma_wait3A_266 = arith.constant 0 : i32
        %dma_wait3A_267 = tpu.memref_slice %arg2[%dma_wait3A_265, %dma_wait3A_266] : memref<20000x64xf32, #tpu.memory_space<hbm>> -> memref<125x64xf32, #tpu.memory_space<hbm>>
        %dma_wait3A_268 = arith.constant 0 : i32
        %dma_wait3A_269 = arith.constant 0 : i32
        %dma_wait3A_270 = tpu.memref_slice %arg2[%dma_wait3A_268, %dma_wait3A_269] : memref<20000x64xf32, #tpu.memory_space<hbm>> -> memref<125x64xf32, #tpu.memory_space<hbm>>
        tpu.wait_dma2 semaphore(%arg22 : memref<!tpu.dma_semaphore, #tpu.memory_space<semaphore_mem>>) src(%dma_wait3A_270 : memref<125x64xf32, #tpu.memory_space<hbm>>) dst(%arg12 : memref<125x64xf32, #tpu.memory_space<vmem>>)
      } else {
      }
      %add3A_118 = arith.constant 2 : i32
      %add3A_119 = arith.addi %add3A_96, %add3A_118 : i32
      %lt3A_120 = arith.constant 80 : i32
      %lt3A_121 = arith.cmpi slt, %add3A_119, %lt3A_120 : i32
      %convert_element_type3A_122 = arith.extui %lt3A_121 : i1 to i32
      %cond3A_123 = arith.constant 0 : i32
      %cond3A_124 = arith.cmpi ne, %convert_element_type3A_122, %cond3A_123 : i32
      scf.if %cond3A_124 {
        %add3A_265 = arith.constant 2 : i32
        %add3A_266 = arith.addi %add3A_96, %add3A_265 : i32
        %dma_start3A_267 = arith.constant 0 : i32
        %dma_start3A_268 = tpu.memref_slice %arg8[%add3A_266, %dma_start3A_267] : memref<80x125xi32, #tpu.memory_space<vmem>> -> memref<1x125xi32, #tpu.memory_space<vmem>>
        %dma_start3A_269 = tpu.memref_squeeze %dma_start3A_268 : memref<1x125xi32, #tpu.memory_space<vmem>> -> memref<125xi32, #tpu.memory_space<vmem>>
        %dma_start3A_270 = arith.constant 0 : i32
        %dma_start3A_271 = arith.constant 0 : i32
        %dma_start3A_272 = tpu.memref_slice %arg2[%dma_start3A_270, %dma_start3A_271] : memref<20000x64xf32, #tpu.memory_space<hbm>> -> memref<20000x64xf32, #tpu.memory_space<hbm>>
        tpu.enqueue_indirect_dma source(%dma_start3A_272 : memref<20000x64xf32, #tpu.memory_space<hbm>>) target(%arg12 : memref<125x64xf32, #tpu.memory_space<vmem>>) offsets(%dma_start3A_269 : memref<125xi32, #tpu.memory_space<vmem>>) semaphore(%arg17 : memref<!tpu.dma_semaphore, #tpu.memory_space<semaphore_mem>>)
      } else {
      }
      %mul3A_125 = arith.constant 5 : i32
      %mul3A_126 = arith.muli %scan3A_92, %mul3A_125 : i32
      %add3A_127 = arith.constant 1 : i32
      %add3A_128 = arith.addi %mul3A_126, %add3A_127 : i32
      %dma_wait3A_129 = arith.constant 0 : i32
      %dma_wait3A_130 = arith.constant 0 : i32
      %dma_wait3A_131 = tpu.memref_slice %arg2[%dma_wait3A_129, %dma_wait3A_130] : memref<20000x64xf32, #tpu.memory_space<hbm>> -> memref<125x64xf32, #tpu.memory_space<hbm>>
      %dma_wait3A_132 = arith.constant 0 : i32
      %dma_wait3A_133 = arith.constant 0 : i32
      %dma_wait3A_134 = tpu.memref_slice %arg2[%dma_wait3A_132, %dma_wait3A_133] : memref<20000x64xf32, #tpu.memory_space<hbm>> -> memref<125x64xf32, #tpu.memory_space<hbm>>
      tpu.wait_dma2 semaphore(%arg16 : memref<!tpu.dma_semaphore, #tpu.memory_space<semaphore_mem>>) src(%dma_wait3A_134 : memref<125x64xf32, #tpu.memory_space<hbm>>) dst(%arg11 : memref<125x64xf32, #tpu.memory_space<vmem>>)
      %dma_start3A_135 = arith.constant 0 : i32
      %dma_start3A_136 = tpu.memref_slice %arg9[%add3A_128, %dma_start3A_135] : memref<80x125xi32, #tpu.memory_space<vmem>> -> memref<1x125xi32, #tpu.memory_space<vmem>>
      %dma_start3A_137 = tpu.memref_squeeze %dma_start3A_136 : memref<1x125xi32, #tpu.memory_space<vmem>> -> memref<125xi32, #tpu.memory_space<vmem>>
      %dma_start3A_138 = arith.constant 0 : i32
      %dma_start3A_139 = arith.constant 0 : i32
      %dma_start3A_140 = tpu.memref_slice %arg7[%dma_start3A_138, %dma_start3A_139] : memref<10000x64xf32, #tpu.memory_space<vmem_shared>> -> memref<10000x64xf32, #tpu.memory_space<vmem_shared>>
      tpu.enqueue_indirect_dma source(%arg11 : memref<125x64xf32, #tpu.memory_space<vmem>>) target(%dma_start3A_140 : memref<10000x64xf32, #tpu.memory_space<vmem_shared>>) offsets(%dma_start3A_137 : memref<125xi32, #tpu.memory_space<vmem>>) semaphore(%arg21 : memref<!tpu.dma_semaphore, #tpu.memory_space<semaphore_mem>>) {add = true}
      %add3A_141 = arith.constant 2 : i32
      %add3A_142 = arith.addi %add3A_128, %add3A_141 : i32
      %lt3A_143 = arith.constant 80 : i32
      %lt3A_144 = arith.cmpi slt, %add3A_142, %lt3A_143 : i32
      %add3A_145 = arith.constant 2 : i32
      %add3A_146 = arith.addi %add3A_128, %add3A_145 : i32
      %ge3A_147 = arith.constant 5 : i32
      %ge3A_148 = arith.cmpi sge, %add3A_146, %ge3A_147 : i32
      %and3A_149 = arith.andi %lt3A_144, %ge3A_148 : i1
      %convert_element_type3A_150 = arith.extui %and3A_149 : i1 to i32
      %cond3A_151 = arith.constant 0 : i32
      %cond3A_152 = arith.cmpi ne, %convert_element_type3A_150, %cond3A_151 : i32
      scf.if %cond3A_152 {
        %dma_wait3A_265 = arith.constant 0 : i32
        %dma_wait3A_266 = arith.constant 0 : i32
        %dma_wait3A_267 = tpu.memref_slice %arg2[%dma_wait3A_265, %dma_wait3A_266] : memref<20000x64xf32, #tpu.memory_space<hbm>> -> memref<125x64xf32, #tpu.memory_space<hbm>>
        %dma_wait3A_268 = arith.constant 0 : i32
        %dma_wait3A_269 = arith.constant 0 : i32
        %dma_wait3A_270 = tpu.memref_slice %arg2[%dma_wait3A_268, %dma_wait3A_269] : memref<20000x64xf32, #tpu.memory_space<hbm>> -> memref<125x64xf32, #tpu.memory_space<hbm>>
        tpu.wait_dma2 semaphore(%arg23 : memref<!tpu.dma_semaphore, #tpu.memory_space<semaphore_mem>>) src(%dma_wait3A_270 : memref<125x64xf32, #tpu.memory_space<hbm>>) dst(%arg13 : memref<125x64xf32, #tpu.memory_space<vmem>>)
      } else {
      }
      %add3A_153 = arith.constant 2 : i32
      %add3A_154 = arith.addi %add3A_128, %add3A_153 : i32
      %lt3A_155 = arith.constant 80 : i32
      %lt3A_156 = arith.cmpi slt, %add3A_154, %lt3A_155 : i32
      %convert_element_type3A_157 = arith.extui %lt3A_156 : i1 to i32
      %cond3A_158 = arith.constant 0 : i32
      %cond3A_159 = arith.cmpi ne, %convert_element_type3A_157, %cond3A_158 : i32
      scf.if %cond3A_159 {
        %add3A_265 = arith.constant 2 : i32
        %add3A_266 = arith.addi %add3A_128, %add3A_265 : i32
        %dma_start3A_267 = arith.constant 0 : i32
        %dma_start3A_268 = tpu.memref_slice %arg8[%add3A_266, %dma_start3A_267] : memref<80x125xi32, #tpu.memory_space<vmem>> -> memref<1x125xi32, #tpu.memory_space<vmem>>
        %dma_start3A_269 = tpu.memref_squeeze %dma_start3A_268 : memref<1x125xi32, #tpu.memory_space<vmem>> -> memref<125xi32, #tpu.memory_space<vmem>>
        %dma_start3A_270 = arith.constant 0 : i32
        %dma_start3A_271 = arith.constant 0 : i32
        %dma_start3A_272 = tpu.memref_slice %arg2[%dma_start3A_270, %dma_start3A_271] : memref<20000x64xf32, #tpu.memory_space<hbm>> -> memref<20000x64xf32, #tpu.memory_space<hbm>>
        tpu.enqueue_indirect_dma source(%dma_start3A_272 : memref<20000x64xf32, #tpu.memory_space<hbm>>) target(%arg13 : memref<125x64xf32, #tpu.memory_space<vmem>>) offsets(%dma_start3A_269 : memref<125xi32, #tpu.memory_space<vmem>>) semaphore(%arg18 : memref<!tpu.dma_semaphore, #tpu.memory_space<semaphore_mem>>)
      } else {
      }
      %mul3A_160 = arith.constant 5 : i32
      %mul3A_161 = arith.muli %scan3A_92, %mul3A_160 : i32
      %add3A_162 = arith.constant 2 : i32
      %add3A_163 = arith.addi %mul3A_161, %add3A_162 : i32
      %dma_wait3A_164 = arith.constant 0 : i32
      %dma_wait3A_165 = arith.constant 0 : i32
      %dma_wait3A_166 = tpu.memref_slice %arg2[%dma_wait3A_164, %dma_wait3A_165] : memref<20000x64xf32, #tpu.memory_space<hbm>> -> memref<125x64xf32, #tpu.memory_space<hbm>>
      %dma_wait3A_167 = arith.constant 0 : i32
      %dma_wait3A_168 = arith.constant 0 : i32
      %dma_wait3A_169 = tpu.memref_slice %arg2[%dma_wait3A_167, %dma_wait3A_168] : memref<20000x64xf32, #tpu.memory_space<hbm>> -> memref<125x64xf32, #tpu.memory_space<hbm>>
      tpu.wait_dma2 semaphore(%arg17 : memref<!tpu.dma_semaphore, #tpu.memory_space<semaphore_mem>>) src(%dma_wait3A_169 : memref<125x64xf32, #tpu.memory_space<hbm>>) dst(%arg12 : memref<125x64xf32, #tpu.memory_space<vmem>>)
      %dma_start3A_170 = arith.constant 0 : i32
      %dma_start3A_171 = tpu.memref_slice %arg9[%add3A_163, %dma_start3A_170] : memref<80x125xi32, #tpu.memory_space<vmem>> -> memref<1x125xi32, #tpu.memory_space<vmem>>
      %dma_start3A_172 = tpu.memref_squeeze %dma_start3A_171 : memref<1x125xi32, #tpu.memory_space<vmem>> -> memref<125xi32, #tpu.memory_space<vmem>>
      %dma_start3A_173 = arith.constant 0 : i32
      %dma_start3A_174 = arith.constant 0 : i32
      %dma_start3A_175 = tpu.memref_slice %arg7[%dma_start3A_173, %dma_start3A_174] : memref<10000x64xf32, #tpu.memory_space<vmem_shared>> -> memref<10000x64xf32, #tpu.memory_space<vmem_shared>>
      tpu.enqueue_indirect_dma source(%arg12 : memref<125x64xf32, #tpu.memory_space<vmem>>) target(%dma_start3A_175 : memref<10000x64xf32, #tpu.memory_space<vmem_shared>>) offsets(%dma_start3A_172 : memref<125xi32, #tpu.memory_space<vmem>>) semaphore(%arg22 : memref<!tpu.dma_semaphore, #tpu.memory_space<semaphore_mem>>) {add = true}
      %add3A_176 = arith.constant 2 : i32
      %add3A_177 = arith.addi %add3A_163, %add3A_176 : i32
      %lt3A_178 = arith.constant 80 : i32
      %lt3A_179 = arith.cmpi slt, %add3A_177, %lt3A_178 : i32
      %add3A_180 = arith.constant 2 : i32
      %add3A_181 = arith.addi %add3A_163, %add3A_180 : i32
      %ge3A_182 = arith.constant 5 : i32
      %ge3A_183 = arith.cmpi sge, %add3A_181, %ge3A_182 : i32
      %and3A_184 = arith.andi %lt3A_179, %ge3A_183 : i1
      %convert_element_type3A_185 = arith.extui %and3A_184 : i1 to i32
      %cond3A_186 = arith.constant 0 : i32
      %cond3A_187 = arith.cmpi ne, %convert_element_type3A_185, %cond3A_186 : i32
      scf.if %cond3A_187 {
        %dma_wait3A_265 = arith.constant 0 : i32
        %dma_wait3A_266 = arith.constant 0 : i32
        %dma_wait3A_267 = tpu.memref_slice %arg2[%dma_wait3A_265, %dma_wait3A_266] : memref<20000x64xf32, #tpu.memory_space<hbm>> -> memref<125x64xf32, #tpu.memory_space<hbm>>
        %dma_wait3A_268 = arith.constant 0 : i32
        %dma_wait3A_269 = arith.constant 0 : i32
        %dma_wait3A_270 = tpu.memref_slice %arg2[%dma_wait3A_268, %dma_wait3A_269] : memref<20000x64xf32, #tpu.memory_space<hbm>> -> memref<125x64xf32, #tpu.memory_space<hbm>>
        tpu.wait_dma2 semaphore(%arg24 : memref<!tpu.dma_semaphore, #tpu.memory_space<semaphore_mem>>) src(%dma_wait3A_270 : memref<125x64xf32, #tpu.memory_space<hbm>>) dst(%arg14 : memref<125x64xf32, #tpu.memory_space<vmem>>)
      } else {
      }
      %add3A_188 = arith.constant 2 : i32
      %add3A_189 = arith.addi %add3A_163, %add3A_188 : i32
      %lt3A_190 = arith.constant 80 : i32
      %lt3A_191 = arith.cmpi slt, %add3A_189, %lt3A_190 : i32
      %convert_element_type3A_192 = arith.extui %lt3A_191 : i1 to i32
      %cond3A_193 = arith.constant 0 : i32
      %cond3A_194 = arith.cmpi ne, %convert_element_type3A_192, %cond3A_193 : i32
      scf.if %cond3A_194 {
        %add3A_265 = arith.constant 2 : i32
        %add3A_266 = arith.addi %add3A_163, %add3A_265 : i32
        %dma_start3A_267 = arith.constant 0 : i32
        %dma_start3A_268 = tpu.memref_slice %arg8[%add3A_266, %dma_start3A_267] : memref<80x125xi32, #tpu.memory_space<vmem>> -> memref<1x125xi32, #tpu.memory_space<vmem>>
        %dma_start3A_269 = tpu.memref_squeeze %dma_start3A_268 : memref<1x125xi32, #tpu.memory_space<vmem>> -> memref<125xi32, #tpu.memory_space<vmem>>
        %dma_start3A_270 = arith.constant 0 : i32
        %dma_start3A_271 = arith.constant 0 : i32
        %dma_start3A_272 = tpu.memref_slice %arg2[%dma_start3A_270, %dma_start3A_271] : memref<20000x64xf32, #tpu.memory_space<hbm>> -> memref<20000x64xf32, #tpu.memory_space<hbm>>
        tpu.enqueue_indirect_dma source(%dma_start3A_272 : memref<20000x64xf32, #tpu.memory_space<hbm>>) target(%arg14 : memref<125x64xf32, #tpu.memory_space<vmem>>) offsets(%dma_start3A_269 : memref<125xi32, #tpu.memory_space<vmem>>) semaphore(%arg19 : memref<!tpu.dma_semaphore, #tpu.memory_space<semaphore_mem>>)
      } else {
      }
      %mul3A_195 = arith.constant 5 : i32
      %mul3A_196 = arith.muli %scan3A_92, %mul3A_195 : i32
      %add3A_197 = arith.constant 3 : i32
      %add3A_198 = arith.addi %mul3A_196, %add3A_197 : i32
      %dma_wait3A_199 = arith.constant 0 : i32
      %dma_wait3A_200 = arith.constant 0 : i32
      %dma_wait3A_201 = tpu.memref_slice %arg2[%dma_wait3A_199, %dma_wait3A_200] : memref<20000x64xf32, #tpu.memory_space<hbm>> -> memref<125x64xf32, #tpu.memory_space<hbm>>
      %dma_wait3A_202 = arith.constant 0 : i32
      %dma_wait3A_203 = arith.constant 0 : i32
      %dma_wait3A_204 = tpu.memref_slice %arg2[%dma_wait3A_202, %dma_wait3A_203] : memref<20000x64xf32, #tpu.memory_space<hbm>> -> memref<125x64xf32, #tpu.memory_space<hbm>>
      tpu.wait_dma2 semaphore(%arg18 : memref<!tpu.dma_semaphore, #tpu.memory_space<semaphore_mem>>) src(%dma_wait3A_204 : memref<125x64xf32, #tpu.memory_space<hbm>>) dst(%arg13 : memref<125x64xf32, #tpu.memory_space<vmem>>)
      %dma_start3A_205 = arith.constant 0 : i32
      %dma_start3A_206 = tpu.memref_slice %arg9[%add3A_198, %dma_start3A_205] : memref<80x125xi32, #tpu.memory_space<vmem>> -> memref<1x125xi32, #tpu.memory_space<vmem>>
      %dma_start3A_207 = tpu.memref_squeeze %dma_start3A_206 : memref<1x125xi32, #tpu.memory_space<vmem>> -> memref<125xi32, #tpu.memory_space<vmem>>
      %dma_start3A_208 = arith.constant 0 : i32
      %dma_start3A_209 = arith.constant 0 : i32
      %dma_start3A_210 = tpu.memref_slice %arg7[%dma_start3A_208, %dma_start3A_209] : memref<10000x64xf32, #tpu.memory_space<vmem_shared>> -> memref<10000x64xf32, #tpu.memory_space<vmem_shared>>
      tpu.enqueue_indirect_dma source(%arg13 : memref<125x64xf32, #tpu.memory_space<vmem>>) target(%dma_start3A_210 : memref<10000x64xf32, #tpu.memory_space<vmem_shared>>) offsets(%dma_start3A_207 : memref<125xi32, #tpu.memory_space<vmem>>) semaphore(%arg23 : memref<!tpu.dma_semaphore, #tpu.memory_space<semaphore_mem>>) {add = true}
      %add3A_211 = arith.constant 2 : i32
      %add3A_212 = arith.addi %add3A_198, %add3A_211 : i32
      %lt3A_213 = arith.constant 80 : i32
      %lt3A_214 = arith.cmpi slt, %add3A_212, %lt3A_213 : i32
      %add3A_215 = arith.constant 2 : i32
      %add3A_216 = arith.addi %add3A_198, %add3A_215 : i32
      %ge3A_217 = arith.constant 5 : i32
      %ge3A_218 = arith.cmpi sge, %add3A_216, %ge3A_217 : i32
      %and3A_219 = arith.andi %lt3A_214, %ge3A_218 : i1
      %convert_element_type3A_220 = arith.extui %and3A_219 : i1 to i32
      %cond3A_221 = arith.constant 0 : i32
      %cond3A_222 = arith.cmpi ne, %convert_element_type3A_220, %cond3A_221 : i32
      scf.if %cond3A_222 {
        %dma_wait3A_265 = arith.constant 0 : i32
        %dma_wait3A_266 = arith.constant 0 : i32
        %dma_wait3A_267 = tpu.memref_slice %arg2[%dma_wait3A_265, %dma_wait3A_266] : memref<20000x64xf32, #tpu.memory_space<hbm>> -> memref<125x64xf32, #tpu.memory_space<hbm>>
        %dma_wait3A_268 = arith.constant 0 : i32
        %dma_wait3A_269 = arith.constant 0 : i32
        %dma_wait3A_270 = tpu.memref_slice %arg2[%dma_wait3A_268, %dma_wait3A_269] : memref<20000x64xf32, #tpu.memory_space<hbm>> -> memref<125x64xf32, #tpu.memory_space<hbm>>
        tpu.wait_dma2 semaphore(%arg20 : memref<!tpu.dma_semaphore, #tpu.memory_space<semaphore_mem>>) src(%dma_wait3A_270 : memref<125x64xf32, #tpu.memory_space<hbm>>) dst(%arg10 : memref<125x64xf32, #tpu.memory_space<vmem>>)
      } else {
      }
      %add3A_223 = arith.constant 2 : i32
      %add3A_224 = arith.addi %add3A_198, %add3A_223 : i32
      %lt3A_225 = arith.constant 80 : i32
      %lt3A_226 = arith.cmpi slt, %add3A_224, %lt3A_225 : i32
      %convert_element_type3A_227 = arith.extui %lt3A_226 : i1 to i32
      %cond3A_228 = arith.constant 0 : i32
      %cond3A_229 = arith.cmpi ne, %convert_element_type3A_227, %cond3A_228 : i32
      scf.if %cond3A_229 {
        %add3A_265 = arith.constant 2 : i32
        %add3A_266 = arith.addi %add3A_198, %add3A_265 : i32
        %dma_start3A_267 = arith.constant 0 : i32
        %dma_start3A_268 = tpu.memref_slice %arg8[%add3A_266, %dma_start3A_267] : memref<80x125xi32, #tpu.memory_space<vmem>> -> memref<1x125xi32, #tpu.memory_space<vmem>>
        %dma_start3A_269 = tpu.memref_squeeze %dma_start3A_268 : memref<1x125xi32, #tpu.memory_space<vmem>> -> memref<125xi32, #tpu.memory_space<vmem>>
        %dma_start3A_270 = arith.constant 0 : i32
        %dma_start3A_271 = arith.constant 0 : i32
        %dma_start3A_272 = tpu.memref_slice %arg2[%dma_start3A_270, %dma_start3A_271] : memref<20000x64xf32, #tpu.memory_space<hbm>> -> memref<20000x64xf32, #tpu.memory_space<hbm>>
        tpu.enqueue_indirect_dma source(%dma_start3A_272 : memref<20000x64xf32, #tpu.memory_space<hbm>>) target(%arg10 : memref<125x64xf32, #tpu.memory_space<vmem>>) offsets(%dma_start3A_269 : memref<125xi32, #tpu.memory_space<vmem>>) semaphore(%arg15 : memref<!tpu.dma_semaphore, #tpu.memory_space<semaphore_mem>>)
      } else {
      }
      %mul3A_230 = arith.constant 5 : i32
      %mul3A_231 = arith.muli %scan3A_92, %mul3A_230 : i32
      %add3A_232 = arith.constant 4 : i32
      %add3A_233 = arith.addi %mul3A_231, %add3A_232 : i32
      %dma_wait3A_234 = arith.constant 0 : i32
      %dma_wait3A_235 = arith.constant 0 : i32
      %dma_wait3A_236 = tpu.memref_slice %arg2[%dma_wait3A_234, %dma_wait3A_235] : memref<20000x64xf32, #tpu.memory_space<hbm>> -> memref<125x64xf32, #tpu.memory_space<hbm>>
      %dma_wait3A_237 = arith.constant 0 : i32
      %dma_wait3A_238 = arith.constant 0 : i32
      %dma_wait3A_239 = tpu.memref_slice %arg2[%dma_wait3A_237, %dma_wait3A_238] : memref<20000x64xf32, #tpu.memory_space<hbm>> -> memref<125x64xf32, #tpu.memory_space<hbm>>
      tpu.wait_dma2 semaphore(%arg19 : memref<!tpu.dma_semaphore, #tpu.memory_space<semaphore_mem>>) src(%dma_wait3A_239 : memref<125x64xf32, #tpu.memory_space<hbm>>) dst(%arg14 : memref<125x64xf32, #tpu.memory_space<vmem>>)
      %dma_start3A_240 = arith.constant 0 : i32
      %dma_start3A_241 = tpu.memref_slice %arg9[%add3A_233, %dma_start3A_240] : memref<80x125xi32, #tpu.memory_space<vmem>> -> memref<1x125xi32, #tpu.memory_space<vmem>>
      %dma_start3A_242 = tpu.memref_squeeze %dma_start3A_241 : memref<1x125xi32, #tpu.memory_space<vmem>> -> memref<125xi32, #tpu.memory_space<vmem>>
      %dma_start3A_243 = arith.constant 0 : i32
      %dma_start3A_244 = arith.constant 0 : i32
      %dma_start3A_245 = tpu.memref_slice %arg7[%dma_start3A_243, %dma_start3A_244] : memref<10000x64xf32, #tpu.memory_space<vmem_shared>> -> memref<10000x64xf32, #tpu.memory_space<vmem_shared>>
      tpu.enqueue_indirect_dma source(%arg14 : memref<125x64xf32, #tpu.memory_space<vmem>>) target(%dma_start3A_245 : memref<10000x64xf32, #tpu.memory_space<vmem_shared>>) offsets(%dma_start3A_242 : memref<125xi32, #tpu.memory_space<vmem>>) semaphore(%arg24 : memref<!tpu.dma_semaphore, #tpu.memory_space<semaphore_mem>>) {add = true}
      %add3A_246 = arith.constant 2 : i32
      %add3A_247 = arith.addi %add3A_233, %add3A_246 : i32
      %lt3A_248 = arith.constant 80 : i32
      %lt3A_249 = arith.cmpi slt, %add3A_247, %lt3A_248 : i32
      %add3A_250 = arith.constant 2 : i32
      %add3A_251 = arith.addi %add3A_233, %add3A_250 : i32
      %ge3A_252 = arith.constant 5 : i32
      %ge3A_253 = arith.cmpi sge, %add3A_251, %ge3A_252 : i32
      %and3A_254 = arith.andi %lt3A_249, %ge3A_253 : i1
      %convert_element_type3A_255 = arith.extui %and3A_254 : i1 to i32
      %cond3A_256 = arith.constant 0 : i32
      %cond3A_257 = arith.cmpi ne, %convert_element_type3A_255, %cond3A_256 : i32
      scf.if %cond3A_257 {
        %dma_wait3A_265 = arith.constant 0 : i32
        %dma_wait3A_266 = arith.constant 0 : i32
        %dma_wait3A_267 = tpu.memref_slice %arg2[%dma_wait3A_265, %dma_wait3A_266] : memref<20000x64xf32, #tpu.memory_space<hbm>> -> memref<125x64xf32, #tpu.memory_space<hbm>>
        %dma_wait3A_268 = arith.constant 0 : i32
        %dma_wait3A_269 = arith.constant 0 : i32
        %dma_wait3A_270 = tpu.memref_slice %arg2[%dma_wait3A_268, %dma_wait3A_269] : memref<20000x64xf32, #tpu.memory_space<hbm>> -> memref<125x64xf32, #tpu.memory_space<hbm>>
        tpu.wait_dma2 semaphore(%arg21 : memref<!tpu.dma_semaphore, #tpu.memory_space<semaphore_mem>>) src(%dma_wait3A_270 : memref<125x64xf32, #tpu.memory_space<hbm>>) dst(%arg11 : memref<125x64xf32, #tpu.memory_space<vmem>>)
      } else {
      }
      %add3A_258 = arith.constant 2 : i32
      %add3A_259 = arith.addi %add3A_233, %add3A_258 : i32
      %lt3A_260 = arith.constant 80 : i32
      %lt3A_261 = arith.cmpi slt, %add3A_259, %lt3A_260 : i32
      %convert_element_type3A_262 = arith.extui %lt3A_261 : i1 to i32
      %cond3A_263 = arith.constant 0 : i32
      %cond3A_264 = arith.cmpi ne, %convert_element_type3A_262, %cond3A_263 : i32
      scf.if %cond3A_264 {
        %add3A_265 = arith.constant 2 : i32
        %add3A_266 = arith.addi %add3A_233, %add3A_265 : i32
        %dma_start3A_267 = arith.constant 0 : i32
        %dma_start3A_268 = tpu.memref_slice %arg8[%add3A_266, %dma_start3A_267] : memref<80x125xi32, #tpu.memory_space<vmem>> -> memref<1x125xi32, #tpu.memory_space<vmem>>
        %dma_start3A_269 = tpu.memref_squeeze %dma_start3A_268 : memref<1x125xi32, #tpu.memory_space<vmem>> -> memref<125xi32, #tpu.memory_space<vmem>>
        %dma_start3A_270 = arith.constant 0 : i32
        %dma_start3A_271 = arith.constant 0 : i32
        %dma_start3A_272 = tpu.memref_slice %arg2[%dma_start3A_270, %dma_start3A_271] : memref<20000x64xf32, #tpu.memory_space<hbm>> -> memref<20000x64xf32, #tpu.memory_space<hbm>>
        tpu.enqueue_indirect_dma source(%dma_start3A_272 : memref<20000x64xf32, #tpu.memory_space<hbm>>) target(%arg11 : memref<125x64xf32, #tpu.memory_space<vmem>>) offsets(%dma_start3A_269 : memref<125xi32, #tpu.memory_space<vmem>>) semaphore(%arg16 : memref<!tpu.dma_semaphore, #tpu.memory_space<semaphore_mem>>)
      } else {
      }
    }
    %scan3A_53 = arith.constant 16 : i32
    %dma_wait3A_54 = arith.constant 0 : i32
    %dma_wait3A_55 = arith.constant 0 : i32
    %dma_wait3A_56 = tpu.memref_slice %arg2[%dma_wait3A_54, %dma_wait3A_55] : memref<20000x64xf32, #tpu.memory_space<hbm>> -> memref<125x64xf32, #tpu.memory_space<hbm>>
    %dma_wait3A_57 = arith.constant 0 : i32
    %dma_wait3A_58 = arith.constant 0 : i32
    %dma_wait3A_59 = tpu.memref_slice %arg2[%dma_wait3A_57, %dma_wait3A_58] : memref<20000x64xf32, #tpu.memory_space<hbm>> -> memref<125x64xf32, #tpu.memory_space<hbm>>
    tpu.wait_dma2 semaphore(%arg20 : memref<!tpu.dma_semaphore, #tpu.memory_space<semaphore_mem>>) src(%dma_wait3A_59 : memref<125x64xf32, #tpu.memory_space<hbm>>) dst(%arg10 : memref<125x64xf32, #tpu.memory_space<vmem>>)
    %dma_wait3A_60 = arith.constant 0 : i32
    %dma_wait3A_61 = arith.constant 0 : i32
    %dma_wait3A_62 = tpu.memref_slice %arg2[%dma_wait3A_60, %dma_wait3A_61] : memref<20000x64xf32, #tpu.memory_space<hbm>> -> memref<125x64xf32, #tpu.memory_space<hbm>>
    %dma_wait3A_63 = arith.constant 0 : i32
    %dma_wait3A_64 = arith.constant 0 : i32
    %dma_wait3A_65 = tpu.memref_slice %arg2[%dma_wait3A_63, %dma_wait3A_64] : memref<20000x64xf32, #tpu.memory_space<hbm>> -> memref<125x64xf32, #tpu.memory_space<hbm>>
    tpu.wait_dma2 semaphore(%arg21 : memref<!tpu.dma_semaphore, #tpu.memory_space<semaphore_mem>>) src(%dma_wait3A_65 : memref<125x64xf32, #tpu.memory_space<hbm>>) dst(%arg11 : memref<125x64xf32, #tpu.memory_space<vmem>>)
    %dma_wait3A_66 = arith.constant 0 : i32
    %dma_wait3A_67 = arith.constant 0 : i32
    %dma_wait3A_68 = tpu.memref_slice %arg2[%dma_wait3A_66, %dma_wait3A_67] : memref<20000x64xf32, #tpu.memory_space<hbm>> -> memref<125x64xf32, #tpu.memory_space<hbm>>
    %dma_wait3A_69 = arith.constant 0 : i32
    %dma_wait3A_70 = arith.constant 0 : i32
    %dma_wait3A_71 = tpu.memref_slice %arg2[%dma_wait3A_69, %dma_wait3A_70] : memref<20000x64xf32, #tpu.memory_space<hbm>> -> memref<125x64xf32, #tpu.memory_space<hbm>>
    tpu.wait_dma2 semaphore(%arg22 : memref<!tpu.dma_semaphore, #tpu.memory_space<semaphore_mem>>) src(%dma_wait3A_71 : memref<125x64xf32, #tpu.memory_space<hbm>>) dst(%arg12 : memref<125x64xf32, #tpu.memory_space<vmem>>)
    %dma_wait3A_72 = arith.constant 0 : i32
    %dma_wait3A_73 = arith.constant 0 : i32
    %dma_wait3A_74 = tpu.memref_slice %arg2[%dma_wait3A_72, %dma_wait3A_73] : memref<20000x64xf32, #tpu.memory_space<hbm>> -> memref<125x64xf32, #tpu.memory_space<hbm>>
    %dma_wait3A_75 = arith.constant 0 : i32
    %dma_wait3A_76 = arith.constant 0 : i32
    %dma_wait3A_77 = tpu.memref_slice %arg2[%dma_wait3A_75, %dma_wait3A_76] : memref<20000x64xf32, #tpu.memory_space<hbm>> -> memref<125x64xf32, #tpu.memory_space<hbm>>
    tpu.wait_dma2 semaphore(%arg23 : memref<!tpu.dma_semaphore, #tpu.memory_space<semaphore_mem>>) src(%dma_wait3A_77 : memref<125x64xf32, #tpu.memory_space<hbm>>) dst(%arg13 : memref<125x64xf32, #tpu.memory_space<vmem>>)
    %dma_wait3A_78 = arith.constant 0 : i32
    %dma_wait3A_79 = arith.constant 0 : i32
    %dma_wait3A_80 = tpu.memref_slice %arg2[%dma_wait3A_78, %dma_wait3A_79] : memref<20000x64xf32, #tpu.memory_space<hbm>> -> memref<125x64xf32, #tpu.memory_space<hbm>>
    %dma_wait3A_81 = arith.constant 0 : i32
    %dma_wait3A_82 = arith.constant 0 : i32
    %dma_wait3A_83 = tpu.memref_slice %arg2[%dma_wait3A_81, %dma_wait3A_82] : memref<20000x64xf32, #tpu.memory_space<hbm>> -> memref<125x64xf32, #tpu.memory_space<hbm>>
    tpu.wait_dma2 semaphore(%arg24 : memref<!tpu.dma_semaphore, #tpu.memory_space<semaphore_mem>>) src(%dma_wait3A_83 : memref<125x64xf32, #tpu.memory_space<hbm>>) dst(%arg14 : memref<125x64xf32, #tpu.memory_space<vmem>>)
    %barrier3A_84 = arith.constant 0 : index
    tpu.barrier barrier_id(%barrier3A_84)
    %mul3A_85 = arith.constant 624 : i32
    %mul3A_86 = arith.muli %arg1, %mul3A_85 : i32
    "tpu.region"() ({
      %run_scoped3A = tpu.sem_alloc : memref<!tpu.dma_semaphore, #tpu.memory_space<semaphore_mem>>
      %dma_start3A_92 = arith.constant 0 : i32
      %dma_start3A_93 = tpu.memref_slice %arg6[%arg0, %mul3A_86, %dma_start3A_92] : memref<2x10000x128xf32, #tpu.memory_space<hbm>> -> memref<1x624x64xf32, #tpu.memory_space<hbm>>
      %dma_start3A_94 = tpu.memref_squeeze %dma_start3A_93 : memref<1x624x64xf32, #tpu.memory_space<hbm>> -> memref<624x64xf32, #tpu.memory_space<hbm>>
      %dma_start3A_95 = arith.constant 0 : i32
      %dma_start3A_96 = tpu.memref_slice %arg7[%mul3A_86, %dma_start3A_95] : memref<10000x64xf32, #tpu.memory_space<vmem_shared>> -> memref<624x64xf32, #tpu.memory_space<vmem_shared>>
      tpu.enqueue_dma source(%dma_start3A_96 : memref<624x64xf32, #tpu.memory_space<vmem_shared>>) target(%dma_start3A_94 : memref<624x64xf32, #tpu.memory_space<hbm>>) target_semaphore(%run_scoped3A : memref<!tpu.dma_semaphore, #tpu.memory_space<semaphore_mem>>)
      %dma_wait3A_97 = arith.constant 0 : i32
      %dma_wait3A_98 = tpu.memref_slice %arg6[%arg0, %mul3A_86, %dma_wait3A_97] : memref<2x10000x128xf32, #tpu.memory_space<hbm>> -> memref<1x624x64xf32, #tpu.memory_space<hbm>>
      %dma_wait3A_99 = tpu.memref_squeeze %dma_wait3A_98 : memref<1x624x64xf32, #tpu.memory_space<hbm>> -> memref<624x64xf32, #tpu.memory_space<hbm>>
      %dma_wait3A_100 = arith.constant 0 : i32
      %dma_wait3A_101 = tpu.memref_slice %arg7[%mul3A_86, %dma_wait3A_100] : memref<10000x64xf32, #tpu.memory_space<vmem_shared>> -> memref<624x64xf32, #tpu.memory_space<vmem_shared>>
      tpu.wait_dma2 semaphore(%run_scoped3A : memref<!tpu.dma_semaphore, #tpu.memory_space<semaphore_mem>>) src(%dma_wait3A_101 : memref<624x64xf32, #tpu.memory_space<vmem_shared>>) dst(%dma_wait3A_99 : memref<624x64xf32, #tpu.memory_space<hbm>>)
      tpu.yield
    }) : () -> ()
    %eq3A_87 = arith.constant 15 : i32
    %eq3A_88 = arith.cmpi eq, %arg1, %eq3A_87 : i32
    %convert_element_type3A_89 = arith.extui %eq3A_88 : i1 to i32
    %cond3A_90 = arith.constant 0 : i32
    %cond3A_91 = arith.cmpi ne, %convert_element_type3A_89, %cond3A_90 : i32
    scf.if %cond3A_91 {
      "tpu.region"() ({
        %run_scoped3A = tpu.sem_alloc : memref<!tpu.dma_semaphore, #tpu.memory_space<semaphore_mem>>
        %dma_start3A_92 = arith.constant 9984 : i32
        %dma_start3A_93 = arith.constant 0 : i32
        %dma_start3A_94 = tpu.memref_slice %arg6[%arg0, %dma_start3A_92, %dma_start3A_93] : memref<2x10000x128xf32, #tpu.memory_space<hbm>> -> memref<1x16x64xf32, #tpu.memory_space<hbm>>
        %dma_start3A_95 = tpu.memref_squeeze %dma_start3A_94 : memref<1x16x64xf32, #tpu.memory_space<hbm>> -> memref<16x64xf32, #tpu.memory_space<hbm>>
        %dma_start3A_96 = arith.constant 9984 : i32
        %dma_start3A_97 = arith.constant 0 : i32
        %dma_start3A_98 = tpu.memref_slice %arg7[%dma_start3A_96, %dma_start3A_97] : memref<10000x64xf32, #tpu.memory_space<vmem_shared>> -> memref<16x64xf32, #tpu.memory_space<vmem_shared>>
        tpu.enqueue_dma source(%dma_start3A_98 : memref<16x64xf32, #tpu.memory_space<vmem_shared>>) target(%dma_start3A_95 : memref<16x64xf32, #tpu.memory_space<hbm>>) target_semaphore(%run_scoped3A : memref<!tpu.dma_semaphore, #tpu.memory_space<semaphore_mem>>)
        %dma_wait3A_99 = arith.constant 9984 : i32
        %dma_wait3A_100 = arith.constant 0 : i32
        %dma_wait3A_101 = tpu.memref_slice %arg6[%arg0, %dma_wait3A_99, %dma_wait3A_100] : memref<2x10000x128xf32, #tpu.memory_space<hbm>> -> memref<1x16x64xf32, #tpu.memory_space<hbm>>
        %dma_wait3A_102 = tpu.memref_squeeze %dma_wait3A_101 : memref<1x16x64xf32, #tpu.memory_space<hbm>> -> memref<16x64xf32, #tpu.memory_space<hbm>>
        %dma_wait3A_103 = arith.constant 9984 : i32
        %dma_wait3A_104 = arith.constant 0 : i32
        %dma_wait3A_105 = tpu.memref_slice %arg7[%dma_wait3A_103, %dma_wait3A_104] : memref<10000x64xf32, #tpu.memory_space<vmem_shared>> -> memref<16x64xf32, #tpu.memory_space<vmem_shared>>
        tpu.wait_dma2 semaphore(%run_scoped3A : memref<!tpu.dma_semaphore, #tpu.memory_space<semaphore_mem>>) src(%dma_wait3A_105 : memref<16x64xf32, #tpu.memory_space<vmem_shared>>) dst(%dma_wait3A_102 : memref<16x64xf32, #tpu.memory_space<hbm>>)
        tpu.yield
      }) : () -> ()
    } else {
    }
    return
  }
}

module attributes {stable_mosaic.version = 14 : i64} {
  func.func @_tc_z_body(%arg0: memref<10000x128xf32, #tpu.memory_space<vmem>>, %arg1: memref<128x128xf32, #tpu.memory_space<vmem>>, %arg2: memref<10000x128xf32, #tpu.memory_space<vmem>>) attributes {dimension_semantics = [], scalar_prefetch = 0 : i64, scratch_operands = 0 : i64, tpu.core_type = #tpu.core_type<tc>} {
    %get3A = arith.constant 0 : index
    %get3A_0 = arith.constant 0 : index
    %get3A_1 = vector.load %arg0[%get3A, %get3A_0] : memref<10000x128xf32, #tpu.memory_space<vmem>>, vector<10000x128xf32>
    %get3A_2 = arith.constant 0 : index
    %get3A_3 = arith.constant 0 : index
    %get3A_4 = vector.load %arg1[%get3A_2, %get3A_3] : memref<128x128xf32, #tpu.memory_space<vmem>>, vector<128x128xf32>
    %dot_general3A = arith.constant dense<0.000000e+00> : vector<10000x128xf32>
    %dot_general3A_5 = tpu.matmul %get3A_1, %get3A_4, %dot_general3A {dimension_numbers = #tpu.dot_dimension_numbers<[1], [0], [0], [1], [0, 0, 1, 1], [], []>, transpose_lhs_hint = false} : vector<10000x128xf32>, vector<128x128xf32>, vector<10000x128xf32> -> vector<10000x128xf32>
    %swap3A = arith.constant 0 : index
    %swap3A_6 = arith.constant 0 : index
    %swap3A_7 = vector.load %arg2[%swap3A, %swap3A_6] : memref<10000x128xf32, #tpu.memory_space<vmem>>, vector<10000x128xf32>
    tpu.vector_store %arg2[%swap3A, %swap3A_6], %dot_general3A_5 {strides = array<i32>} : memref<10000x128xf32, #tpu.memory_space<vmem>>, vector<10000x128xf32>,
    return
  }
}

module attributes {stable_mosaic.version = 14 : i64} {
  func.func @_tc_pre_body(%arg0: memref<10000x128xf32, #tpu.memory_space<vmem>>, %arg1: memref<2x10000x8xf32, #tpu.memory_space<vmem>>, %arg2: memref<10000x128xf32, #tpu.memory_space<vmem>>) attributes {dimension_semantics = [], scalar_prefetch = 0 : i64, scratch_operands = 0 : i64, tpu.core_type = #tpu.core_type<tc>} {
    %get3A = arith.constant 0 : index
    %get3A_0 = arith.constant 0 : index
    %get3A_1 = arith.constant 0 : index
    %get3A_2 = vector.load %arg1[%get3A, %get3A_0, %get3A_1] : memref<2x10000x8xf32, #tpu.memory_space<vmem>>, vector<1x10000x8xf32>
    %get3A_3 = vector.shape_cast %get3A_2 : vector<1x10000x8xf32> to vector<10000x8xf32>
    %get3A_4 = arith.constant 1 : index
    %get3A_5 = arith.constant 0 : index
    %get3A_6 = arith.constant 0 : index
    %get3A_7 = vector.load %arg1[%get3A_4, %get3A_5, %get3A_6] : memref<2x10000x8xf32, #tpu.memory_space<vmem>>, vector<1x10000x8xf32>
    %get3A_8 = vector.shape_cast %get3A_7 : vector<1x10000x8xf32> to vector<10000x8xf32>
    %add3A = arith.addf %get3A_3, %get3A_8 : vector<10000x8xf32>
    %get3A_9 = arith.constant 0 : index
    %get3A_10 = arith.constant 0 : index
    %get3A_11 = vector.load %arg0[%get3A_9, %get3A_10] : memref<10000x128xf32, #tpu.memory_space<vmem>>, vector<10000x128xf32>
    %slice3A = vector.extract_strided_slice %add3A {offsets = [0, 0], sizes = [10000, 1], strides = [1, 1]} : vector<10000x8xf32> to vector<10000x1xf32>
    %max3A = arith.constant 1.000000e+00 : f32
    %max3A_12 = vector.broadcast %max3A : f32 to vector<10000x1xf32>
    %max3A_13 = arith.maximumf %slice3A, %max3A_12 : vector<10000x1xf32>
    %rsqrt3A = math.rsqrt %max3A_13 : vector<10000x1xf32>
    %mul3A = vector.broadcast %rsqrt3A : vector<10000x1xf32> to vector<10000x128xf32>
    %mul3A_14 = arith.mulf %get3A_11, %mul3A : vector<10000x128xf32>
    %swap3A = arith.constant 0 : index
    %swap3A_15 = arith.constant 0 : index
    %swap3A_16 = vector.load %arg2[%swap3A, %swap3A_15] : memref<10000x128xf32, #tpu.memory_space<vmem>>, vector<10000x128xf32>
    tpu.vector_store %arg2[%swap3A, %swap3A_15], %mul3A_14 {strides = array<i32>} : memref<10000x128xf32, #tpu.memory_space<vmem>>, vector<10000x128xf32>,
    return
  }
}

module attributes {stable_mosaic.version = 14 : i64} {
  func.func @_tc_mid_body(%arg0: memref<10000x128xf32, #tpu.memory_space<vmem>>, %arg1: memref<2x10000x8xf32, #tpu.memory_space<vmem>>, %arg2: memref<1x128xf32, #tpu.memory_space<vmem>>, %arg3: memref<128x64xf32, #tpu.memory_space<vmem>>, %arg4: memref<10000x128xf32, #tpu.memory_space<vmem>>) attributes {dimension_semantics = [], scalar_prefetch = 0 : i64, scratch_operands = 0 : i64, tpu.core_type = #tpu.core_type<tc>} {
    %get3A = arith.constant 0 : index
    %get3A_0 = arith.constant 0 : index
    %get3A_1 = arith.constant 0 : index
    %get3A_2 = vector.load %arg1[%get3A, %get3A_0, %get3A_1] : memref<2x10000x8xf32, #tpu.memory_space<vmem>>, vector<1x10000x8xf32>
    %get3A_3 = vector.shape_cast %get3A_2 : vector<1x10000x8xf32> to vector<10000x8xf32>
    %get3A_4 = arith.constant 1 : index
    %get3A_5 = arith.constant 0 : index
    %get3A_6 = arith.constant 0 : index
    %get3A_7 = vector.load %arg1[%get3A_4, %get3A_5, %get3A_6] : memref<2x10000x8xf32, #tpu.memory_space<vmem>>, vector<1x10000x8xf32>
    %get3A_8 = vector.shape_cast %get3A_7 : vector<1x10000x8xf32> to vector<10000x8xf32>
    %add3A = arith.addf %get3A_3, %get3A_8 : vector<10000x8xf32>
    %get3A_9 = arith.constant 0 : index
    %get3A_10 = arith.constant 0 : index
    %get3A_11 = vector.load %arg0[%get3A_9, %get3A_10] : memref<10000x128xf32, #tpu.memory_space<vmem>>, vector<10000x128xf32>
    %slice3A = vector.extract_strided_slice %add3A {offsets = [0, 1], sizes = [10000, 1], strides = [1, 1]} : vector<10000x8xf32> to vector<10000x1xf32>
    %max3A = arith.constant 1.000000e+00 : f32
    %max3A_12 = vector.broadcast %max3A : f32 to vector<10000x1xf32>
    %max3A_13 = arith.maximumf %slice3A, %max3A_12 : vector<10000x1xf32>
    %rsqrt3A = math.rsqrt %max3A_13 : vector<10000x1xf32>
    %mul3A = vector.broadcast %rsqrt3A : vector<10000x1xf32> to vector<10000x128xf32>
    %mul3A_14 = arith.mulf %get3A_11, %mul3A : vector<10000x128xf32>
    %get3A_15 = arith.constant 0 : index
    %get3A_16 = arith.constant 0 : index
    %get3A_17 = vector.load %arg2[%get3A_15, %get3A_16] : memref<1x128xf32, #tpu.memory_space<vmem>>, vector<1x128xf32>
    %add3A_18 = vector.broadcast %get3A_17 : vector<1x128xf32> to vector<10000x128xf32>
    %add3A_19 = arith.addf %mul3A_14, %add3A_18 : vector<10000x128xf32>
    %max3A_20 = arith.constant 0.000000e+00 : f32
    %max3A_21 = vector.broadcast %max3A_20 : f32 to vector<10000x128xf32>
    %max3A_22 = arith.maximumf %add3A_19, %max3A_21 : vector<10000x128xf32>
    %slice3A_23 = vector.extract_strided_slice %add3A {offsets = [0, 2], sizes = [10000, 1], strides = [1, 1]} : vector<10000x8xf32> to vector<10000x1xf32>
    %max3A_24 = arith.constant 1.000000e+00 : f32
    %max3A_25 = vector.broadcast %max3A_24 : f32 to vector<10000x1xf32>
    %max3A_26 = arith.maximumf %slice3A_23, %max3A_25 : vector<10000x1xf32>
    %rsqrt3A_27 = math.rsqrt %max3A_26 : vector<10000x1xf32>
    %mul3A_28 = vector.broadcast %rsqrt3A_27 : vector<10000x1xf32> to vector<10000x128xf32>
    %mul3A_29 = arith.mulf %max3A_22, %mul3A_28 : vector<10000x128xf32>
    %get3A_30 = arith.constant 0 : index
    %get3A_31 = arith.constant 0 : index
    %get3A_32 = vector.load %arg3[%get3A_30, %get3A_31] : memref<128x64xf32, #tpu.memory_space<vmem>>, vector<128x64xf32>
    %dot_general3A = arith.constant dense<0.000000e+00> : vector<10000x64xf32>
    %dot_general3A_33 = tpu.matmul %mul3A_29, %get3A_32, %dot_general3A {dimension_numbers = #tpu.dot_dimension_numbers<[1], [0], [0], [1], [0, 0, 1, 1], [], []>, transpose_lhs_hint = false} : vector<10000x128xf32>, vector<128x64xf32>, vector<10000x64xf32> -> vector<10000x64xf32>
    %swap3A = arith.constant 0 : index
    %swap3A_34 = arith.constant 0 : index
    %swap3A_35 = vector.load %arg4[%swap3A, %swap3A_34] : memref<10000x128xf32, #tpu.memory_space<vmem>>, vector<10000x64xf32>
    tpu.vector_store %arg4[%swap3A, %swap3A_34], %dot_general3A_33 {strides = array<i32>} : memref<10000x128xf32, #tpu.memory_space<vmem>>, vector<10000x64xf32>,
    return
  }
}

module attributes {stable_mosaic.version = 14 : i64} {
  func.func @_tc_post_body(%arg0: memref<2x10000x128xf32, #tpu.memory_space<vmem>>, %arg1: memref<2x10000x8xf32, #tpu.memory_space<vmem>>, %arg2: memref<1x64xf32, #tpu.memory_space<vmem>>, %arg3: memref<10000x64xf32, #tpu.memory_space<vmem>>) attributes {dimension_semantics = [], scalar_prefetch = 0 : i64, scratch_operands = 0 : i64, tpu.core_type = #tpu.core_type<tc>} {
    %get3A = arith.constant 0 : index
    %get3A_0 = arith.constant 0 : index
    %get3A_1 = arith.constant 0 : index
    %get3A_2 = vector.load %arg1[%get3A, %get3A_0, %get3A_1] : memref<2x10000x8xf32, #tpu.memory_space<vmem>>, vector<1x10000x8xf32>
    %get3A_3 = vector.shape_cast %get3A_2 : vector<1x10000x8xf32> to vector<10000x8xf32>
    %get3A_4 = arith.constant 1 : index
    %get3A_5 = arith.constant 0 : index
    %get3A_6 = arith.constant 0 : index
    %get3A_7 = vector.load %arg1[%get3A_4, %get3A_5, %get3A_6] : memref<2x10000x8xf32, #tpu.memory_space<vmem>>, vector<1x10000x8xf32>
    %get3A_8 = vector.shape_cast %get3A_7 : vector<1x10000x8xf32> to vector<10000x8xf32>
    %add3A = arith.addf %get3A_3, %get3A_8 : vector<10000x8xf32>
    %get3A_9 = arith.constant 0 : index
    %get3A_10 = arith.constant 0 : index
    %get3A_11 = arith.constant 0 : index
    %get3A_12 = vector.load %arg0[%get3A_9, %get3A_10, %get3A_11] : memref<2x10000x128xf32, #tpu.memory_space<vmem>>, vector<1x10000x128xf32>
    %get3A_13 = vector.shape_cast %get3A_12 : vector<1x10000x128xf32> to vector<10000x128xf32>
    %slice3A = vector.extract_strided_slice %get3A_13 {offsets = [0, 0], sizes = [10000, 64], strides = [1, 1]} : vector<10000x128xf32> to vector<10000x64xf32>
    %get3A_14 = arith.constant 1 : index
    %get3A_15 = arith.constant 0 : index
    %get3A_16 = arith.constant 0 : index
    %get3A_17 = vector.load %arg0[%get3A_14, %get3A_15, %get3A_16] : memref<2x10000x128xf32, #tpu.memory_space<vmem>>, vector<1x10000x128xf32>
    %get3A_18 = vector.shape_cast %get3A_17 : vector<1x10000x128xf32> to vector<10000x128xf32>
    %slice3A_19 = vector.extract_strided_slice %get3A_18 {offsets = [0, 0], sizes = [10000, 64], strides = [1, 1]} : vector<10000x128xf32> to vector<10000x64xf32>
    %add3A_20 = arith.addf %slice3A, %slice3A_19 : vector<10000x64xf32>
    %slice3A_21 = vector.extract_strided_slice %add3A {offsets = [0, 3], sizes = [10000, 1], strides = [1, 1]} : vector<10000x8xf32> to vector<10000x1xf32>
    %max3A = arith.constant 1.000000e+00 : f32
    %max3A_22 = vector.broadcast %max3A : f32 to vector<10000x1xf32>
    %max3A_23 = arith.maximumf %slice3A_21, %max3A_22 : vector<10000x1xf32>
    %rsqrt3A = math.rsqrt %max3A_23 : vector<10000x1xf32>
    %mul3A = vector.broadcast %rsqrt3A : vector<10000x1xf32> to vector<10000x64xf32>
    %mul3A_24 = arith.mulf %add3A_20, %mul3A : vector<10000x64xf32>
    %get3A_25 = arith.constant 0 : index
    %get3A_26 = arith.constant 0 : index
    %get3A_27 = vector.load %arg2[%get3A_25, %get3A_26] : memref<1x64xf32, #tpu.memory_space<vmem>>, vector<1x64xf32>
    %add3A_28 = vector.broadcast %get3A_27 : vector<1x64xf32> to vector<10000x64xf32>
    %add3A_29 = arith.addf %mul3A_24, %add3A_28 : vector<10000x64xf32>
    %swap3A = arith.constant 0 : index
    %swap3A_30 = arith.constant 0 : index
    %swap3A_31 = vector.load %arg3[%swap3A, %swap3A_30] : memref<10000x64xf32, #tpu.memory_space<vmem>>, vector<10000x64xf32>
    tpu.vector_store %arg3[%swap3A, %swap3A_30], %add3A_29 {strides = array<i32>} : memref<10000x64xf32, #tpu.memory_space<vmem>>, vector<10000x64xf32>,
    return
  }
}

</mosaic_0001>

<sc_bundles>
// kernel: kernel.12.cloned.1.call-start
scs
__scs_entry_jumppad:
0x0: {  	(pc) =	sbr.rel $0x88, $3  }
0x1: {  	(tag) =	ssettag $0x0;
	lr =	simm.s32 $0x1  }
0x2: {  	[smem:$0x3F9A] =	sst lr;
	_ =	strace $0xD0000000  }
0x3: {  	_ = 	snop  }
0x4: {  	_ = 	snop  }
0x5: {  	_ = 	snop  }
0x6: {  	_ = 	snop  }
0x7: {  	_ = 	snop  }
__scs_overlays_trampoline_lowered:
0x8: {  	[smem:$0x3FA9] =	sst s0  }
0x9: {  	[smem:$0x3FAA] =	sst s1  }
0xa: {  	[smem:$0x3FAB] =	sst s2  }
0xb: {  	[smem:$0x3FAC] =	sst s3  }
0xc: {  	[smem:$0x3FAD] =	sst s4  }
0xd: {  	[smem:$0x3FAE] =	sst s5  }
0xe: {  	[smem:$0x3FAF] =	sst s6  }
0xf: {  	[smem:$0x3FB0] =	sst s7  }
0x10: {  	[smem:$0x3FB1] =	sst s8  }
0x11: {  	[smem:$0x3FB2] =	sst s9;
	s0 =	simm.s32 @!p0 $0x0  }
0x12: {  	s1 =	sld [smem:$0x3F98];
	s0 =	simm.s32 @p0 $0x1  }
0x13: {  	[smem:$0x3FB3] =	sst s0;
	s0 =	simm.s32 @!p1 $0x0  }
0x14: {  	s2 =	sld [smem:$0x3F97];
	s0 =	simm.s32 @p1 $0x1  }
0x15: {  	[smem:$0x3FB4] =	sst s0;
	s0 =	simm.s32 @!p2 $0x0  }
0x16: {  	s3 =	sld [smem:$0x3FDB];
	s0 =	simm.s32 @p2 $0x1  }
0x17: {  	s4 =	simm.s32 $0x1BF5;
	[smem:$0x3FB6] =	sst s0  }
0x18: {  	s0 =	sld [smem:$0x3F99];
	_ =	swait.ge [sflag:s4], $0x0  }
0x19: {  	s7 =	sld [smem:$0x3F9A]  }
0x1a: {  	s8 =	sadd.s32 $0xFFFFE003, lr  }
0x1b: {  	s9 =	sadd.s32 $0xFFFFFEF7, lr;
	s5 =	simm.s32 $0xFFFFFFFF;
	p2 =	slt.u32 s8, $0xFFFFF086  }
0x1c: {  	p1 =	slt.u32 s9, $0xF7A;
	s5 =	simm.s32 @!p2 $0x0  }
0x1d: {  	s5 =	simm.s32 @p1 $0x1;
	p0 =	seq.s32 s7, s2  }
0x1e: {  	s7 =	smul.u32 @!p0 $0xF7A, s2;
	p2 =	seq.s32 @!p0 s5, $0x0  }
0x1f: {  	s9 =	smul.u32 $0xF7A, s1;
	s8 =	simm.s32 @!p0 $0x1BF5;
	p2 =	por !p2, p0  }
0x20: {  	[sflag:s8] =	ssyncset.s32 @!p0 $0xFFFFF086;
	s6 =	sadd.s32 @!p0 s3, s7;
	s7 =	simm.s32 @!p0 $0x108  }
0x21: {  	s3 =	sadd.s32 s3, s9;
	s6 =	sadd.s32 @!p0 $0x88, s6;
	s7 =	simm.s32 @p2 $0x1082  }
0x22: {  	[simem:s7], [sflag:s8] =	dma.local @!p0 [hbm:s6], $0xF7A  }
0x23: {  	s9 =	sor.u32 $0xD0000000, s2;
	s6 =	simm.s32 $0x108;
	_ =	swait.ge @!p0 [sflag:s8], $0x0  }
0x24: {  	s3 =	sadd.s32 $0x88, s3;
	s6 =	simm.s32 @!p1 $0x1082;
	[sflag:s4] =	ssyncset.s32 $0xFFFFF086  }
0x25: {  	[simem:s6], [sflag:s4] =	dma.local [hbm:s3], $0xF7A  }
0x26: {  	[smem:$0x3F9A] =	sst s1;
	(tag) =	ssettag s2;
	_ =	strace s9  }
0x27: {  	s1 =	sld [smem:$0x3FAA]  }
0x28: {  	s2 =	sld [smem:$0x3FAB]  }
0x29: {  	s4 =	sld [smem:$0x3FAD]  }
0x2a: {  	p0 =	seq.s32 s5, $0x0;
	s5 =	sld [smem:$0x3FAE]  }
0x2b: {  	s6 =	sld [smem:$0x3FAF]  }
0x2c: {  	s7 =	sld [smem:$0x3FB0]  }
0x2d: {  	s3 =	simm.s32 $0x108;
	s8 =	sld [smem:$0x3FB1]  }
0x2e: {  	s3 =	simm.s32 @!p0 $0x1082;
	s9 =	sld [smem:$0x3FB2]  }
0x2f: {  	lr =	sadd.s32 s0, s3;
	s0 =	sld [smem:$0x3FA9]  }
0x30: {  	s3 =	sld [smem:$0x3FAC]  }
0x31: {  	[smem:$0x3FB5] =	sst s10  }
0x32: {  	s10 =	sld [smem:$0x3FB3];
	_ =	sdelay $0x3  }
0x33: {  	p0 =	seq.s32 s10, $0x1;
	s10 =	sld [smem:$0x3FB5];
	_ =	sdelay $0x3  }
0x34: {  	[smem:$0x3FB5] =	sst s10  }
0x35: {  	s10 =	sld [smem:$0x3FB4];
	_ =	sdelay $0x3  }
0x36: {  	p1 =	seq.s32 s10, $0x1;
	s10 =	sld [smem:$0x3FB5];
	_ =	sdelay $0x3  }
0x37: {  	[smem:$0x3FB5] =	sst s10  }
0x38: {  	s10 =	sld [smem:$0x3FB6]  }
0x39: {  	_ = 	snop;
	(pc) =	sbr.ind lr, $3  }
0x3a: {  	_ = 	snop  }
0x3b: {  	_ = 	snop  }
0x3c: {  	p2 =	seq.s32 s10, $0x1;
	s10 =	sld [smem:$0x3FB5]  }
0x3d: {  	_ =	shalt  }
0x3e: {  	_ =	shalt  }
0x3f: {  	_ =	shalt  }
0x40: {  	_ =	shalt  }
0x41: {  	_ =	shalt  }
0x42: {  	_ =	shalt  }
0x43: {  	_ =	shalt  }
0x44: {  	_ =	shalt  }
0x45: {  	_ =	shalt  }
0x46: {  	_ =	shalt  }
0x47: {  	_ =	shalt  }
0x48: {  	_ =	shalt  }
0x49: {  	_ =	shalt  }
0x4a: {  	_ =	shalt  }
0x4b: {  	_ =	shalt  }
0x4c: {  	_ =	shalt  }
0x4d: {  	_ =	shalt  }
0x4e: {  	_ =	shalt  }
0x4f: {  	_ =	shalt  }
0x50: {  	_ =	shalt  }
0x51: {  	_ =	shalt  }
0x52: {  	_ =	shalt  }
0x53: {  	_ =	shalt  }
0x54: {  	_ =	shalt  }
0x55: {  	_ =	shalt  }
0x56: {  	_ =	shalt  }
0x57: {  	_ =	shalt  }
0x58: {  	_ =	shalt  }
0x59: {  	_ =	shalt  }
0x5a: {  	_ =	shalt  }
0x5b: {  	_ =	shalt  }
0x5c: {  	_ =	shalt  }
0x5d: {  	_ =	shalt  }
0x5e: {  	_ =	shalt  }
0x5f: {  	_ =	shalt  }
0x60: {  	_ =	shalt  }
0x61: {  	_ =	shalt  }
0x62: {  	_ =	shalt  }
0x63: {  	_ =	shalt  }
0x64: {  	_ =	shalt  }
0x65: {  	_ =	shalt  }
0x66: {  	_ =	shalt  }
0x67: {  	_ =	shalt  }
0x68: {  	_ =	shalt  }
0x69: {  	_ =	shalt  }
0x6a: {  	_ =	shalt  }
0x6b: {  	_ =	shalt  }
0x6c: {  	_ =	shalt  }
0x6d: {  	_ =	shalt  }
0x6e: {  	_ =	shalt  }
0x6f: {  	_ =	shalt  }
0x70: {  	_ =	shalt  }
0x71: {  	_ =	shalt  }
0x72: {  	_ =	shalt  }
0x73: {  	_ =	shalt  }
0x74: {  	_ =	shalt  }
0x75: {  	_ =	shalt  }
0x76: {  	_ =	shalt  }
0x77: {  	_ =	shalt  }
0x78: {  	_ =	shalt  }
0x79: {  	_ =	shalt  }
0x7a: {  	_ =	shalt  }
0x7b: {  	_ =	shalt  }
0x7c: {  	_ =	shalt  }
0x7d: {  	_ =	shalt  }
0x7e: {  	_ =	shalt  }
0x7f: {  	_ =	shalt  }
0x80: {  	_ =	shalt  }
0x81: {  	_ =	shalt  }
0x82: {  	_ =	shalt  }
0x83: {  	_ =	shalt  }
0x84: {  	_ =	shalt  }
0x85: {  	_ =	shalt  }
0x86: {  	_ =	shalt  }
0x87: {  	_ =	shalt  }
.Lfunc_end0:
.L_simem_size_0:
called_computation.1_lowered:
.L_overlay_start_0:
0x88: {  	s2 =	sld [smem:$0x3FD9]  }
0x89: {  	s3 =	sld [smem:$0x3FFE];
	_ =	sdelay $0x1  }
0x8a: {  	s1 =	srdreg.scid  }
0x8b: {  	s0 =	sand.u32 $0x1, s1  }
0x8c: {  	s17 =	sshll.u32 s0, $0xA;
	s2 =	sadd.s32 s3, s2  }
0x8d: {  	s2 =	sadd.s32 s2, s17  }
0x8e: {  	[smem:$0x3FC1] =	sst s2  }
0x8f: {  	_ = 	snop  }
0x90: {  	s2 =	sld [smem:$0x3FD0];
	(tm) =	ssettm $0x1  }
0x91: {  	s18 =	sld [smem:$0x3FFB];
	_ =	sdelay $0x3  }
0x92: {  	_ =	strace s18  }
0x93: {  	s3 =	sld [smem:$0x3FFC];
	_ =	sdelay $0x3  }
0x94: {  	_ =	strace s3  }
0x95: {  	s3 =	sld [smem:$0x3FFD];
	_ =	sdelay $0x3  }
0x96: {  	_ =	strace s3  }
0x97: {  	_ =	strace $0x8FFFFFFF  }
0x98: {  	s19 =	sld [smem:$0x3FDB];
	_ =	sdelay $0x1  }
0x99: {  	s4 =	simm.s32 $_scs_section_size  }
0x9a: {  	s5 =	simm.s32 $_size__tile_overlayer_lowered;
	s6 =	simm.s32 $_tile_overlayer_lowered  }
0x9b: {  	s22 =	simm.s32 $0x1BFF;
	s21 =	sshll.u32 s6, $0x1;
	s3 =	sadd.s32 s4, s19  }
0x9c: {  	s7 =	simm.s32 $0x0;
	s20 =	sshll.u32 s5, $0x1;
	s5 =	sadd.s32 s21, s3  }
0x9d: {  	[timem:s7], [sflag:s22] =	dma.local [hbm:s5], s20  }
0x9e: {  	_ =	swait.ge [sflag:s22], s20  }
0x9f: {  	s4 =	ssub.s32 $0x0, s20;
	[sflag:s22] =	ssyncset.done $0x0  }
0xa0: {  	[sflag:s22] =	ssyncadd.s32 s4;
	_ =	sdelay $0x1  }
0xa1: {  	s23 =	simm.s32 $0x1B8B  }
0xa2: {  	_ =	swait.ge [sflag:s23], $0x1  }
0xa3: {  	[sflag:s23] =	ssyncset.done $0x0  }
0xa4: {  	s25 =	simm.s32 $0x1B8E;
	s24 =	sld [smem:$0x3FFE];
	[sflag:s23] =	ssyncadd.s32 $0xFFFFFFFF  }
0xa5: {  	s26 =	simm.s32 $execute0_lowered;
	[smem:$0x3FD2] =	sst s25  }
0xa6: {  	s5 =	sshll.u32 s26, $0x1;
	_ =	strace $0x80000049;
	[dreg:$0x1] =	wrdreg $0xFFFFFFFF  }
0xa7: {  	s28 =	simm.s32 $_size_execute0_lowered;
	s3 =	sadd.s32 s3, s5;
	[dreg:$0x0] =	wrdreg $0x0  }
0xa8: {  	s5 =	sshll.u32 s28, $0x1;
	[dreg:$0x2] =	wrdreg s3  }
0xa9: {  	[dreg:$0x3] =	wrdreg s5  }
0xaa: {  	[dreg:$0x4] =	wrdreg $0xC0  }
0xab: {  	_ =	task [dreg:s7], $0x5FFFF  }
0xac: {  	[dreg:$0x1] =	wrdreg $0xFFFFFFFF  }
0xad: {  	[dreg:$0x0] =	wrdreg $0x60  }
0xae: {  	[dreg:$0x2] =	wrdreg s24  }
0xaf: {  	[dreg:$0x3] =	wrdreg s2  }
0xb0: {  	[dreg:$0x4] =	wrdreg $0x0  }
0xb1: {  	[dreg:$0x5] =	wrdreg $0x9  }
0xb2: {  	_ =	task.clear_ibuf [dreg:s7], $0x6FFFF;
	_ =	strace $0x90000049  }
0xb3: {  	s29 =	simm.s32 $0x9;
	_ =	strace $0x8000004B  }
0xb4: {  	_ =	swait.ge [sflag:s29], $0x1  }
0xb5: {  	[sflag:s29] =	ssyncadd.s32 $0xFFFFFFFF  }
0xb6: {  	_ =	strace $0x9000004B  }
0xb7: {  	_ =	sfence  }
0xb8: {  	s30 =	sld [smem:$0x0];
	_ =	sdelay $0x2  }
0xb9: {  	s31 =	sshll.u32 s1, $0xD;
	s1 =	sshrl.u32 s1, $0x2  }
0xba: {  	s3 =	sand.u32 $0x4000, s31;
	s1 =	sadd.s32 s1, s30  }
0xbb: {  	s0 =	sor.u32 s3, s0;
	s1 =	sshll.u32 s1, $0x11  }
0xbc: {  	s0 =	sor.u32 s1, s0  }
0xbd: {  	s0 =	sadd.s32 $0x8F2B, s0  }
0xbe: {  	[sflag:s0] =	ssyncadd.remote.s32 $0x1  }
0xbf: {  	_ =	sfence.sel $0xFFFF  }
0xc0: {  	[dreg:$0x0] =	wrdreg $0xFFFFFFFF;
	(pc) =	sbr.abs _section_cstart, $3  }
0xc1: {  	[dreg:$0x1] =	wrdreg $0xFFFFFFFF  }
0xc2: {  	_ =	task.clear_ibuf [dreg:s7], $0x2FFFF;
	_ =	strace $0x9FFFFFFF  }
0xc3: {  	(tm) =	ssettm $0x7FFFFFFF  }
tec
execute0_lowered:
.L_overlay_start_1:
0x0: {  	(tag) =	ssettag $0x1  }
0x1: {  	s0 =	rddreg [dreg:$0x0]  }
0x2: {  	s1 =	srdreg.scid;
	s3 =	rddreg [dreg:$0x1]  }
0x3: {  	s13 =	stileid.u32;
	s2 =	rddreg [dreg:$0x2]  }
0x4: {  	s6 =	simm.s32 $0x0;
	s16 =	simm.s32 $0xB;
	s18 =	simm.s32 $0x2  }
0x5: {  	s19 =	simm.s32 $0x3;
	s28 =	simm.s32 $0x1B940;
	s29 =	simm.s32 $0x4  }
0x6: {  	s30 =	simm.s32 $0x6;
	s31 =	simm.s32 $0x5;
	s5 =	smul.u32 $0x5000, s13  }
0x7: {  	s1 =	sand.u32 $0x1, s1;
	[smem:$0x7FF] =	sst s6;
	s9 =	smul.u32 $0x9C00, s13  }
0x8: {  	s23 =	sshll.u32 s13, $0x6;
	s24 =	smul.u32 $0x13800, s13;
	s14 =	sadd.s32 $0x9C000, s2  }
0x9: {  	p0 =	sne.s32 s13, $0xF;
	s4 =	smul.u32 $0x50000, s1;
	_ =	strace $0x8000004A  }
0xa: {  	s7 =	ssub.s32 $0x2, s1;
	s25 =	sshll.u32 s1, $0x6;
	s1 =	sshll.u32 s1, $0x3  }
0xb: {  	s17 =	sshrl.u32 @!p0 s14, $0x3;
	s14 =	simm.s32 $0x8;
	s8 =	sshrl.u32 s7, $0x1  }
0xc: {  	s21 =	sadd.s32 s9, s2;
	s22 =	sshrl.u32 s9, $0x3;
	s4 =	sadd.s32 s5, s4  }
0xd: {  	s5 =	sshrl.u32 s5, $0x3;
	s7 =	ssub.s32 s7, s8;
	s8 =	sor.u32 $0x1C0B, s23  }
0xe: {  	s15 =	sshrl.u32 s21, $0x3;
	s21 =	simm.s32 $0x13C40;
	s23 =	simm.s32 $0x15B80  }
0xf: {  	s20 =	sshrl.u32 s4, $0x3;
	s4 =	sadd.s32 $0x92C00, s0;
	s5 =	sadd.s32 s5, s0  }
0x10: {  	s12 =	smax.u32 s7, $0x1;
	s6 =	sadd.s32 s20, s0;
	s5 =	sadd.s32 $0x3AA00, s5  }
0x11: {  	s0 =	sadd.s32 $0xB9E00, s0;
	s6 =	sadd.s32 $0x26A00, s6;
	[dreg:$0x5] =	wrdreg s5  }
0x12: {  	s20 =	simm.s32 $0x7D;
	s1 =	sadd.s32 s1, s0;
	[dreg:$0x4] =	wrdreg s6  }
0x13: {  	s6 =	sadd.s32 s3, s22;
	s3 =	sadd.s32 $0x13800, s3;
	s11 =	sadd.s32 $0x27000, s1  }
0x14: {  	s1 =	simm.s32 $0x7;
	s22 =	simm.s32 $0x9;
	[dreg:$0x6] =	wrdreg s6  }
0x15: {  	s6 =	sor.u32 s25, s24;
	[dreg:$0x7] =	wrdreg s3;
	s24 =	simm.s32 $0x1  }
0x16: {  	s25 =	simm.s32 $0x17AC0;
	s3 =	simm.s32 $0x0;
	s26 =	sshrl.u32 s6, $0x3  }
0x17: {  	s10 =	sadd.s32 s0, s26;
	s26 =	simm.s32 $0x19A00;
	s0 =	simm.s32 $0xA  }
.LBB2_1:
0x18: {  	s5 =	simm.s32 $0x0;
	s6 =	rddreg [dreg:$0x4];
	s7 =	simm.s32 $0x9C40  }
0x19: {  	[tilespmem:s7], [sflag:$0x2] =	stream.linear.gather [hbm4b:s6+s5], $0x5000, $0x38;
	[tilespmem:$0x1D880] =	vst v63  }
0x1a: {  	s13 =	rddreg [dreg:$0x5];
	s9 =	simm.s32 $0xEC40  }
0x1b: {  	[tilespmem:s9], [sflag:$0x3] =	stream.linear.gather [hbm4b:s13+s5], $0x5000, $0x38;
	[tilespmem:$0x1D880] =	vst v63  }
0x1c: {  	s13 =	rddreg [dreg:$0x6]  }
0x1d: {  	[spmem:s15], [sflag:s8] =	dma.local [hbm:s13], $0x1380  }
0x1e: {  	_ =	swait.ge [sflag:s16], $0x1380  }
0x1f: {  	[sflag:s16] =	ssyncset.done $0x0  }
0x20: {  	s5 =	rddreg [dreg:$0x7];
	[sflag:s16] =	ssyncadd.s32 $0xFFFFEC80  }
0x21: {  	[spmem:s17], [sflag:s8] =	dma.local @!p0 [hbm:s5], $0x80  }
0x22: {  	s5 =	simm.s32 @!p0 $0xB  }
0x23: {  	_ =	swait.ge @!p0 [sflag:s5], $0x80  }
0x24: {  	[sflag:s5] =	ssyncset.done @!p0 $0x0  }
0x25: {  	[sflag:s5] =	ssyncadd.s32 @!p0 $0xFFFFFF80  }
0x26: {  	_ =	swait.ge [sflag:s18], $0x5000  }
0x27: {  	[sflag:s18] =	ssyncset.done $0x0  }
0x28: {  	[sflag:s18] =	ssyncadd.s32 $0xFFFFB000  }
0x29: {  	_ =	swait.ge [sflag:s19], $0x5000  }
0x2a: {  	[sflag:s19] =	ssyncset.done $0x0  }
0x2b: {  	[sflag:s19] =	ssyncadd.s32 $0xFFFFB000  }
0x2c: {  	[bflag:$0x0] =	sbarrier.arrive $0xFFFF  }
0x2d: {  	[tilespmem:s21], [sflag:$0x1] =	stream.indirect.gather [hbm4b:s4+s20], $0x40, s7, s20, $0xb8;
	[tilespmem:$0x1D880] =	vst v63  }
0x2e: {  	s6 =	simm.s32 $0x9CC0  }
0x2f: {  	[tilespmem:s23], [sflag:$0x2] =	stream.indirect.gather [hbm4b:s4+s20], $0x40, s6, s20, $0xb8;
	[tilespmem:$0x1D880] =	vst v63  }
0x30: {  	_ =	swait.ge [sflag:s24], $0x1F40  }
0x31: {  	p1 =	por $0x1, $0x1;
	[sflag:s24] =	ssyncset.done $0x0  }
0x32: {  	s7 =	simm.s32 $0xEC40;
	s6 =	simm.s32 @!p1 $0x8;
	[sflag:s24] =	ssyncadd.s32 $0xFFFFE0C0  }
0x33: {  	[spmem:s2] =	stream.indirect.scatter.add.f32 [tilespmem:s21], [sflag:$0x6], $0x40, s7, s20, $0xb8;
	[tilespmem:$0x1D880] =	vst v63  }
0x34: {  	_ =	swait.ge @!p1 [sflag:s6], $0x1F40  }
0x35: {  	[sflag:s6] =	ssyncset.done @!p1 $0x0  }
0x36: {  	s9 =	simm.s32 $0x9D40;
	[sflag:s6] =	ssyncadd.s32 @!p1 $0xFFFFE0C0  }
0x37: {  	[tilespmem:s25], [sflag:$0x3] =	stream.indirect.gather [hbm4b:s4+s20], $0x40, s9, s20, $0xb8;
	[tilespmem:$0x1D880] =	vst v63  }
0x38: {  	_ =	swait.ge [sflag:s18], $0x1F40  }
0x39: {  	p1 =	por $0x1, $0x1;
	[sflag:s18] =	ssyncset.done $0x0  }
0x3a: {  	s13 =	simm.s32 $0xECC0;
	s6 =	simm.s32 @!p1 $0x9;
	[sflag:s18] =	ssyncadd.s32 $0xFFFFE0C0  }
0x3b: {  	[spmem:s2] =	stream.indirect.scatter.add.f32 [tilespmem:s23], [sflag:$0x7], $0x40, s13, s20, $0xb8;
	[tilespmem:$0x1D880] =	vst v63  }
0x3c: {  	_ =	swait.ge @!p1 [sflag:s6], $0x1F40  }
0x3d: {  	[sflag:s6] =	ssyncset.done @!p1 $0x0  }
0x3e: {  	s7 =	simm.s32 $0x9DC0;
	[sflag:s6] =	ssyncadd.s32 @!p1 $0xFFFFE0C0  }
0x3f: {  	[tilespmem:s26], [sflag:$0x4] =	stream.indirect.gather [hbm4b:s4+s20], $0x40, s7, s20, $0xb8;
	[tilespmem:$0x1D880] =	vst v63  }
0x40: {  	_ =	swait.ge [sflag:s19], $0x1F40  }
0x41: {  	p1 =	por $0x1, $0x1;
	[sflag:s19] =	ssyncset.done $0x0  }
0x42: {  	s9 =	simm.s32 $0xED40;
	s6 =	simm.s32 @!p1 $0xA;
	[sflag:s19] =	ssyncadd.s32 $0xFFFFE0C0  }
0x43: {  	[spmem:s2] =	stream.indirect.scatter.add.f32 [tilespmem:s25], [sflag:$0x8], $0x40, s9, s20, $0xb8;
	[tilespmem:$0x1D880] =	vst v63  }
0x44: {  	_ =	swait.ge @!p1 [sflag:s6], $0x1F40  }
0x45: {  	[sflag:s6] =	ssyncset.done @!p1 $0x0  }
0x46: {  	s13 =	simm.s32 $0x9E40;
	[sflag:s6] =	ssyncadd.s32 @!p1 $0xFFFFE0C0  }
0x47: {  	[tilespmem:s28], [sflag:$0x5] =	stream.indirect.gather [hbm4b:s4+s20], $0x40, s13, s20, $0xb8;
	[tilespmem:$0x1D880] =	vst v63  }
0x48: {  	_ =	swait.ge [sflag:s29], $0x1F40  }
0x49: {  	[sflag:s29] =	ssyncset.done $0x0  }
0x4a: {  	s7 =	simm.s32 $0xEDC0;
	[sflag:s29] =	ssyncadd.s32 $0xFFFFE0C0  }
0x4b: {  	[spmem:s2] =	stream.indirect.scatter.add.f32 [tilespmem:s26], [sflag:$0x9], $0x40, s7, s20, $0xb8;
	[tilespmem:$0x1D880] =	vst v63  }
0x4c: {  	_ =	swait.ge [sflag:s30], $0x1F40  }
0x4d: {  	[sflag:s30] =	ssyncset.done $0x0  }
0x4e: {  	s9 =	simm.s32 $0x9EC0;
	[sflag:s30] =	ssyncadd.s32 $0xFFFFE0C0  }
0x4f: {  	[tilespmem:s21], [sflag:$0x1] =	stream.indirect.gather [hbm4b:s4+s20], $0x40, s9, s20, $0xb8;
	[tilespmem:$0x1D880] =	vst v63  }
0x50: {  	_ =	swait.ge [sflag:s31], $0x1F40  }
0x51: {  	[sflag:s31] =	ssyncset.done $0x0  }
0x52: {  	s13 =	simm.s32 $0xEE40;
	[sflag:s31] =	ssyncadd.s32 $0xFFFFE0C0  }
0x53: {  	[spmem:s2] =	stream.indirect.scatter.add.f32 [tilespmem:s28], [sflag:$0xA], $0x40, s13, s20, $0xb8;
	[tilespmem:$0x1D880] =	vst v63  }
0x54: {  	s5 =	simm.s32 $0xFFFFFFFD;
	_ =	swait.ge [sflag:s1], $0x1F40  }
0x55: {  	s6 =	simm.s32 $0xA00;
	s7 =	simm.s32 $0x9F40;
	[sflag:s1] =	ssyncset.done $0x0  }
.LBB2_2:
0x56: {  	[sflag:s1] =	ssyncadd.s32 $0xFFFFE0C0  }
0x57: {  	s5 =	sadd.s32 $0x5, s5;
	s9 =	smov.u32 s6;
	s6 =	sadd.s32 $0xA00, s6  }
0x58: {  	[tilespmem:s23], [sflag:$0x2] =	stream.indirect.gather [hbm4b:s4+s20], $0x40, s7, s20, $0xb8;
	[tilespmem:$0x1D880] =	vst v63  }
0x59: {  	s7 =	sshra.s32 s9, $0x2;
	p1 =	sne.s32 s6, $0x13600;
	_ =	swait.ge [sflag:s24], $0x1F40  }
0x5a: {  	p2 =	sgt.u32 s5, $0x9A;
	s9 =	sadd.s32 $0xEC40, s7;
	[sflag:s24] =	ssyncset.done $0x0  }
0x5b: {  	s13 =	simm.s32 @!p2 $0x8;
	[sflag:s24] =	ssyncadd.s32 $0xFFFFE0C0  }
0x5c: {  	[spmem:s2] =	stream.indirect.scatter.add.f32 [tilespmem:s21], [sflag:$0x6], $0x40, s9, s20, $0xb8;
	[tilespmem:$0x1D880] =	vst v63  }
0x5d: {  	_ =	swait.ge @!p2 [sflag:s13], $0x1F40  }
0x5e: {  	s9 =	sadd.s32 $0x9D40, s7;
	[sflag:s13] =	ssyncset.done @!p2 $0x0  }
0x5f: {  	[sflag:s13] =	ssyncadd.s32 @!p2 $0xFFFFE0C0  }
0x60: {  	[tilespmem:s25], [sflag:$0x3] =	stream.indirect.gather [hbm4b:s4+s20], $0x40, s9, s20, $0xb8;
	[tilespmem:$0x1D880] =	vst v63  }
0x61: {  	s9 =	sadd.s32 $0x1, s5;
	_ =	swait.ge [sflag:s18], $0x1F40  }
0x62: {  	s13 =	sadd.s32 $0xECC0, s7;
	p2 =	sgt.u32 s9, $0x9A;
	[sflag:s18] =	ssyncset.done $0x0  }
0x63: {  	s9 =	simm.s32 @!p2 $0x9;
	[sflag:s18] =	ssyncadd.s32 $0xFFFFE0C0  }
0x64: {  	[spmem:s2] =	stream.indirect.scatter.add.f32 [tilespmem:s23], [sflag:$0x7], $0x40, s13, s20, $0xb8;
	[tilespmem:$0x1D880] =	vst v63  }
0x65: {  	_ =	swait.ge @!p2 [sflag:s9], $0x1F40  }
0x66: {  	s13 =	sadd.s32 $0x9DC0, s7;
	[sflag:s9] =	ssyncset.done @!p2 $0x0  }
0x67: {  	[sflag:s9] =	ssyncadd.s32 @!p2 $0xFFFFE0C0  }
0x68: {  	[tilespmem:s26], [sflag:$0x4] =	stream.indirect.gather [hbm4b:s4+s20], $0x40, s13, s20, $0xb8;
	[tilespmem:$0x1D880] =	vst v63  }
0x69: {  	s9 =	sadd.s32 $0x2, s5;
	_ =	swait.ge [sflag:s19], $0x1F40  }
0x6a: {  	s13 =	sadd.s32 $0xED40, s7;
	p2 =	sgt.u32 s9, $0x9A;
	[sflag:s19] =	ssyncset.done $0x0  }
0x6b: {  	s9 =	simm.s32 @!p2 $0xA;
	[sflag:s19] =	ssyncadd.s32 $0xFFFFE0C0  }
0x6c: {  	[spmem:s2] =	stream.indirect.scatter.add.f32 [tilespmem:s25], [sflag:$0x8], $0x40, s13, s20, $0xb8;
	[tilespmem:$0x1D880] =	vst v63  }
0x6d: {  	_ =	swait.ge @!p2 [sflag:s9], $0x1F40  }
0x6e: {  	s13 =	sadd.s32 $0x9E40, s7;
	[sflag:s9] =	ssyncset.done @!p2 $0x0  }
0x6f: {  	[sflag:s9] =	ssyncadd.s32 @!p2 $0xFFFFE0C0  }
0x70: {  	[tilespmem:s28], [sflag:$0x5] =	stream.indirect.gather [hbm4b:s4+s20], $0x40, s13, s20, $0xb8;
	[tilespmem:$0x1D880] =	vst v63  }
0x71: {  	_ =	swait.ge [sflag:s29], $0x1F40  }
0x72: {  	s9 =	sadd.s32 $0xEDC0, s7;
	[sflag:s29] =	ssyncset.done $0x0  }
0x73: {  	[sflag:s29] =	ssyncadd.s32 $0xFFFFE0C0  }
0x74: {  	[spmem:s2] =	stream.indirect.scatter.add.f32 [tilespmem:s26], [sflag:$0x9], $0x40, s9, s20, $0xb8;
	[tilespmem:$0x1D880] =	vst v63  }
0x75: {  	_ =	swait.ge [sflag:s30], $0x1F40  }
0x76: {  	s9 =	sadd.s32 $0x9EC0, s7;
	[sflag:s30] =	ssyncset.done $0x0  }
0x77: {  	[sflag:s30] =	ssyncadd.s32 $0xFFFFE0C0  }
0x78: {  	[tilespmem:s21], [sflag:$0x1] =	stream.indirect.gather [hbm4b:s4+s20], $0x40, s9, s20, $0xb8;
	[tilespmem:$0x1D880] =	vst v63  }
0x79: {  	_ =	swait.ge [sflag:s31], $0x1F40  }
.Ltmp0:
0x7a: {  	s9 =	sadd.s32 $0xEE40, s7;
	[sflag:s31] =	ssyncset.done $0x0;
	(pc) =	sbr.rel @p1 .LBB2_2-.Ltmp0, $4  }
0x7b: {  	[sflag:s31] =	ssyncadd.s32 $0xFFFFE0C0  }
0x7c: {  	[spmem:s2] =	stream.indirect.scatter.add.f32 [tilespmem:s28], [sflag:$0xA], $0x40, s9, s20, $0xb8;
	[tilespmem:$0x1D880] =	vst v63  }
0x7d: {  	_ =	swait.ge [sflag:s1], $0x1F40  }
0x7e: {  	s7 =	sadd.s32 $0x9F40, s7;
	[sflag:s1] =	ssyncset.done $0x0  }
0x7f: {  	[sflag:s1] =	ssyncadd.s32 $0xFFFFE0C0  }
0x80: {  	[tilespmem:s23], [sflag:$0x2] =	stream.indirect.gather [hbm4b:s4+s20], $0x40, s7, s20, $0xb8;
	[tilespmem:$0x1D880] =	vst v63  }
0x81: {  	_ =	swait.ge [sflag:s24], $0x1F40  }
0x82: {  	[sflag:s24] =	ssyncset.done $0x0  }
0x83: {  	s5 =	simm.s32 $0x139C0;
	[sflag:s24] =	ssyncadd.s32 $0xFFFFE0C0  }
0x84: {  	[spmem:s2] =	stream.indirect.scatter.add.f32 [tilespmem:s21], [sflag:$0x6], $0x40, s5, s20, $0xb8;
	[tilespmem:$0x1D880] =	vst v63  }
0x85: {  	_ =	swait.ge [sflag:s14], $0x1F40  }
0x86: {  	[sflag:s14] =	ssyncset.done $0x0  }
0x87: {  	s6 =	simm.s32 $0xEAC0;
	[sflag:s14] =	ssyncadd.s32 $0xFFFFE0C0  }
0x88: {  	[tilespmem:s25], [sflag:$0x3] =	stream.indirect.gather [hbm4b:s4+s20], $0x40, s6, s20, $0xb8;
	[tilespmem:$0x1D880] =	vst v63  }
0x89: {  	_ =	swait.ge [sflag:s18], $0x1F40  }
0x8a: {  	[sflag:s18] =	ssyncset.done $0x0  }
0x8b: {  	s7 =	simm.s32 $0x13A40;
	[sflag:s18] =	ssyncadd.s32 $0xFFFFE0C0  }
0x8c: {  	[spmem:s2] =	stream.indirect.scatter.add.f32 [tilespmem:s23], [sflag:$0x7], $0x40, s7, s20, $0xb8;
	[tilespmem:$0x1D880] =	vst v63  }
0x8d: {  	_ =	swait.ge [sflag:s22], $0x1F40  }
0x8e: {  	[sflag:s22] =	ssyncset.done $0x0  }
0x8f: {  	s9 =	simm.s32 $0xEB40;
	[sflag:s22] =	ssyncadd.s32 $0xFFFFE0C0  }
0x90: {  	[tilespmem:s26], [sflag:$0x4] =	stream.indirect.gather [hbm4b:s4+s20], $0x40, s9, s20, $0xb8;
	[tilespmem:$0x1D880] =	vst v63  }
0x91: {  	_ =	swait.ge [sflag:s19], $0x1F40  }
0x92: {  	[sflag:s19] =	ssyncset.done $0x0  }
0x93: {  	s13 =	simm.s32 $0x13AC0;
	[sflag:s19] =	ssyncadd.s32 $0xFFFFE0C0  }
0x94: {  	[spmem:s2] =	stream.indirect.scatter.add.f32 [tilespmem:s25], [sflag:$0x8], $0x40, s13, s20, $0xb8;
	[tilespmem:$0x1D880] =	vst v63  }
0x95: {  	_ =	swait.ge [sflag:s0], $0x1F40  }
0x96: {  	[sflag:s0] =	ssyncset.done $0x0  }
0x97: {  	s6 =	simm.s32 $0xEBC0;
	[sflag:s0] =	ssyncadd.s32 $0xFFFFE0C0  }
0x98: {  	[tilespmem:s28], [sflag:$0x5] =	stream.indirect.gather [hbm4b:s4+s20], $0x40, s6, s20, $0xb8;
	[tilespmem:$0x1D880] =	vst v63  }
0x99: {  	_ =	swait.ge [sflag:s29], $0x1F40  }
0x9a: {  	[sflag:s29] =	ssyncset.done $0x0  }
0x9b: {  	s7 =	simm.s32 $0x13B40;
	[sflag:s29] =	ssyncadd.s32 $0xFFFFE0C0  }
0x9c: {  	[spmem:s2] =	stream.indirect.scatter.add.f32 [tilespmem:s26], [sflag:$0x9], $0x40, s7, s20, $0xb8;
	[tilespmem:$0x1D880] =	vst v63  }
0x9d: {  	_ =	swait.ge [sflag:s31], $0x1F40  }
0x9e: {  	[sflag:s31] =	ssyncset.done $0x0  }
0x9f: {  	s9 =	simm.s32 $0x13BC0;
	[sflag:s31] =	ssyncadd.s32 $0xFFFFE0C0  }
0xa0: {  	[spmem:s2] =	stream.indirect.scatter.add.f32 [tilespmem:s28], [sflag:$0xA], $0x40, s9, s20, $0xb8;
	[tilespmem:$0x1D880] =	vst v63  }
0xa1: {  	_ =	swait.ge [sflag:s30], $0x1F40  }
0xa2: {  	[sflag:s30] =	ssyncset.done $0x0  }
0xa3: {  	[sflag:s30] =	ssyncadd.s32 $0xFFFFE0C0  }
0xa4: {  	_ =	swait.ge [sflag:s1], $0x1F40  }
0xa5: {  	[sflag:s1] =	ssyncset.done $0x0  }
0xa6: {  	[sflag:s1] =	ssyncadd.s32 $0xFFFFE0C0  }
0xa7: {  	_ =	swait.ge [sflag:s14], $0x1F40  }
0xa8: {  	[sflag:s14] =	ssyncset.done $0x0  }
0xa9: {  	[sflag:s14] =	ssyncadd.s32 $0xFFFFE0C0  }
0xaa: {  	_ =	swait.ge [sflag:s22], $0x1F40  }
0xab: {  	[sflag:s22] =	ssyncset.done $0x0  }
0xac: {  	[sflag:s22] =	ssyncadd.s32 $0xFFFFE0C0  }
0xad: {  	_ =	swait.ge [sflag:s0], $0x1F40  }
0xae: {  	[sflag:s0] =	ssyncset.done $0x0  }
0xaf: {  	[sflag:s0] =	ssyncadd.s32 $0xFFFFE0C0  }
0xb0: {  	s13 =	simm.s32 $0x10;
	[bflag:$0x0] =	sbarrier.arrive $0xFFFF  }
0xb1: {  	[hbm:s10@s13], [sflag:s8] =	dma.strided [spmem:s15@s14], $0x1380, s24, $0x8   }
0xb2: {  	s3 =	sadd.s32 $0x1, s3;
	_ =	swait.ge [sflag:s16], $0x1380  }
0xb3: {  	p1 =	sne.s32 s3, s12;
	s5 =	simm.s32 @!p0 $0x1;
	[sflag:s16] =	ssyncset.done $0x0  }
0xb4: {  	s6 =	simm.s32 @!p0 $0x10;
	s7 =	simm.s32 @!p0 $0x8;
	[sflag:s16] =	ssyncadd.s32 $0xFFFFEC80  }
0xb5: {  	[hbm:s11@s6], [sflag:s8] =	dma.strided @!p0 [spmem:s17@s7], $0x80, s5, $0x8   }
.Ltmp1:
0xb6: {  	_ = 	snop;
	(pc) =	sbr.rel @p1 .LBB2_1-.Ltmp1, $4  }
0xb7: {  	s5 =	simm.s32 @!p0 $0xB  }
0xb8: {  	_ =	swait.ge @!p0 [sflag:s5], $0x80  }
0xb9: {  	[sflag:s5] =	ssyncset.done @!p0 $0x0  }
0xba: {  	[sflag:s5] =	ssyncadd.s32 @!p0 $0xFFFFFF80  }
0xbb: {  	_ =	sfence.sel $0x180000  }
0xbc: {  	[bflag:$0x0] =	sbarrier.arrive $0xFFFF  }
0xbd: {  	_ =	strace $0x9000004A  }
0xbe: {  	s0 =	stileid.u32;
	[bflag:$0x2] =	sbarrier.arrive $0xFFFF  }
0xbf: {  	p0 =	sne.s32 s0, $0x0;
	s0 =	rddreg [dreg:$0x3]  }
0xc0: {  	s0 =	sadd.s32 @!p0 $0x100000, s0  }
0xc1: {  	[sflag:s0] =	ssyncadd.tile.s32 @!p0 $0x1;
	_ =	shalt  }
.Lfunc_end2:
_tile_overlayer_lowered:
.L_overlay_start_2:
0xc2: {  	(tag) =	ssettag $0x2  }
0xc3: {  	s0 =	rddreg [dreg:$0x0];
	s2 =	stileid.u32  }
0xc4: {  	s1 =	rddreg [dreg:$0x1];
	p0 =	sne.s32 s2, $0x0  }
0xc5: {  	s3 =	rddreg [dreg:$0x2];
	[bflag:$0x3] =	sbarrier.arrive $0xFFFF;
	s2 =	simm.s32 @!p0 $0x1C0B  }
0xc6: {  	[timem:s3], [sflag:s2] =	dma.local @!p0 [hbm:s0], s1  }
0xc7: {  	s0 =	simm.s32 @!p0 $0xB  }
0xc8: {  	_ =	swait.ge @!p0 [sflag:s0], s1  }
0xc9: {  	s1 =	ssub.s32 @!p0 $0x0, s1;
	[sflag:s0] =	ssyncset.done @!p0 $0x0  }
0xca: {  	[sflag:s0] =	ssyncadd.s32 @!p0 s1  }
0xcb: {  	[bflag:$0x3] =	sbarrier.arrive $0xFFFF  }
0xcc: {  	_ =	shalt  }

// kernel: kernel.15.cloned.1.call-start
scs
__scs_entry_jumppad:
0x0: {  	(pc) =	sbr.rel $0x88, $3  }
0x1: {  	(tag) =	ssettag $0x0;
	lr =	simm.s32 $0x1  }
0x2: {  	[smem:$0x3F9A] =	sst lr;
	_ =	strace $0xD0000000  }
0x3: {  	_ = 	snop  }
0x4: {  	_ = 	snop  }
0x5: {  	_ = 	snop  }
0x6: {  	_ = 	snop  }
0x7: {  	_ = 	snop  }
__scs_overlays_trampoline_lowered:
0x8: {  	[smem:$0x3FA9] =	sst s0  }
0x9: {  	[smem:$0x3FAA] =	sst s1  }
0xa: {  	[smem:$0x3FAB] =	sst s2  }
0xb: {  	[smem:$0x3FAC] =	sst s3  }
0xc: {  	[smem:$0x3FAD] =	sst s4  }
0xd: {  	[smem:$0x3FAE] =	sst s5  }
0xe: {  	[smem:$0x3FAF] =	sst s6  }
0xf: {  	[smem:$0x3FB0] =	sst s7  }
0x10: {  	[smem:$0x3FB1] =	sst s8  }
0x11: {  	[smem:$0x3FB2] =	sst s9;
	s0 =	simm.s32 @!p0 $0x0  }
0x12: {  	s1 =	sld [smem:$0x3F98];
	s0 =	simm.s32 @p0 $0x1  }
0x13: {  	[smem:$0x3FB3] =	sst s0;
	s0 =	simm.s32 @!p1 $0x0  }
0x14: {  	s2 =	sld [smem:$0x3F97];
	s0 =	simm.s32 @p1 $0x1  }
0x15: {  	[smem:$0x3FB4] =	sst s0;
	s0 =	simm.s32 @!p2 $0x0  }
0x16: {  	s3 =	sld [smem:$0x3FDB];
	s0 =	simm.s32 @p2 $0x1  }
0x17: {  	s4 =	simm.s32 $0x1BF5;
	[smem:$0x3FB6] =	sst s0  }
0x18: {  	s0 =	sld [smem:$0x3F99];
	_ =	swait.ge [sflag:s4], $0x0  }
0x19: {  	s7 =	sld [smem:$0x3F9A]  }
0x1a: {  	s8 =	sadd.s32 $0xFFFFE003, lr  }
0x1b: {  	s9 =	sadd.s32 $0xFFFFFEF7, lr;
	s5 =	simm.s32 $0xFFFFFFFF;
	p2 =	slt.u32 s8, $0xFFFFF086  }
0x1c: {  	p1 =	slt.u32 s9, $0xF7A;
	s5 =	simm.s32 @!p2 $0x0  }
0x1d: {  	s5 =	simm.s32 @p1 $0x1;
	p0 =	seq.s32 s7, s2  }
0x1e: {  	s7 =	smul.u32 @!p0 $0xF7A, s2;
	p2 =	seq.s32 @!p0 s5, $0x0  }
0x1f: {  	s9 =	smul.u32 $0xF7A, s1;
	s8 =	simm.s32 @!p0 $0x1BF5;
	p2 =	por !p2, p0  }
0x20: {  	[sflag:s8] =	ssyncset.s32 @!p0 $0xFFFFF086;
	s6 =	sadd.s32 @!p0 s3, s7;
	s7 =	simm.s32 @!p0 $0x108  }
0x21: {  	s3 =	sadd.s32 s3, s9;
	s6 =	sadd.s32 @!p0 $0x88, s6;
	s7 =	simm.s32 @p2 $0x1082  }
0x22: {  	[simem:s7], [sflag:s8] =	dma.local @!p0 [hbm:s6], $0xF7A  }
0x23: {  	s9 =	sor.u32 $0xD0000000, s2;
	s6 =	simm.s32 $0x108;
	_ =	swait.ge @!p0 [sflag:s8], $0x0  }
0x24: {  	s3 =	sadd.s32 $0x88, s3;
	s6 =	simm.s32 @!p1 $0x1082;
	[sflag:s4] =	ssyncset.s32 $0xFFFFF086  }
0x25: {  	[simem:s6], [sflag:s4] =	dma.local [hbm:s3], $0xF7A  }
0x26: {  	[smem:$0x3F9A] =	sst s1;
	(tag) =	ssettag s2;
	_ =	strace s9  }
0x27: {  	s1 =	sld [smem:$0x3FAA]  }
0x28: {  	s2 =	sld [smem:$0x3FAB]  }
0x29: {  	s4 =	sld [smem:$0x3FAD]  }
0x2a: {  	p0 =	seq.s32 s5, $0x0;
	s5 =	sld [smem:$0x3FAE]  }
0x2b: {  	s6 =	sld [smem:$0x3FAF]  }
0x2c: {  	s7 =	sld [smem:$0x3FB0]  }
0x2d: {  	s3 =	simm.s32 $0x108;
	s8 =	sld [smem:$0x3FB1]  }
0x2e: {  	s3 =	simm.s32 @!p0 $0x1082;
	s9 =	sld [smem:$0x3FB2]  }
0x2f: {  	lr =	sadd.s32 s0, s3;
	s0 =	sld [smem:$0x3FA9]  }
0x30: {  	s3 =	sld [smem:$0x3FAC]  }
0x31: {  	[smem:$0x3FB5] =	sst s10  }
0x32: {  	s10 =	sld [smem:$0x3FB3];
	_ =	sdelay $0x3  }
0x33: {  	p0 =	seq.s32 s10, $0x1;
	s10 =	sld [smem:$0x3FB5];
	_ =	sdelay $0x3  }
0x34: {  	[smem:$0x3FB5] =	sst s10  }
0x35: {  	s10 =	sld [smem:$0x3FB4];
	_ =	sdelay $0x3  }
0x36: {  	p1 =	seq.s32 s10, $0x1;
	s10 =	sld [smem:$0x3FB5];
	_ =	sdelay $0x3  }
0x37: {  	[smem:$0x3FB5] =	sst s10  }
0x38: {  	s10 =	sld [smem:$0x3FB6]  }
0x39: {  	_ = 	snop;
	(pc) =	sbr.ind lr, $3  }
0x3a: {  	_ = 	snop  }
0x3b: {  	_ = 	snop  }
0x3c: {  	p2 =	seq.s32 s10, $0x1;
	s10 =	sld [smem:$0x3FB5]  }
0x3d: {  	_ =	shalt  }
0x3e: {  	_ =	shalt  }
0x3f: {  	_ =	shalt  }
0x40: {  	_ =	shalt  }
0x41: {  	_ =	shalt  }
0x42: {  	_ =	shalt  }
0x43: {  	_ =	shalt  }
0x44: {  	_ =	shalt  }
0x45: {  	_ =	shalt  }
0x46: {  	_ =	shalt  }
0x47: {  	_ =	shalt  }
0x48: {  	_ =	shalt  }
0x49: {  	_ =	shalt  }
0x4a: {  	_ =	shalt  }
0x4b: {  	_ =	shalt  }
0x4c: {  	_ =	shalt  }
0x4d: {  	_ =	shalt  }
0x4e: {  	_ =	shalt  }
0x4f: {  	_ =	shalt  }
0x50: {  	_ =	shalt  }
0x51: {  	_ =	shalt  }
0x52: {  	_ =	shalt  }
0x53: {  	_ =	shalt  }
0x54: {  	_ =	shalt  }
0x55: {  	_ =	shalt  }
0x56: {  	_ =	shalt  }
0x57: {  	_ =	shalt  }
0x58: {  	_ =	shalt  }
0x59: {  	_ =	shalt  }
0x5a: {  	_ =	shalt  }
0x5b: {  	_ =	shalt  }
0x5c: {  	_ =	shalt  }
0x5d: {  	_ =	shalt  }
0x5e: {  	_ =	shalt  }
0x5f: {  	_ =	shalt  }
0x60: {  	_ =	shalt  }
0x61: {  	_ =	shalt  }
0x62: {  	_ =	shalt  }
0x63: {  	_ =	shalt  }
0x64: {  	_ =	shalt  }
0x65: {  	_ =	shalt  }
0x66: {  	_ =	shalt  }
0x67: {  	_ =	shalt  }
0x68: {  	_ =	shalt  }
0x69: {  	_ =	shalt  }
0x6a: {  	_ =	shalt  }
0x6b: {  	_ =	shalt  }
0x6c: {  	_ =	shalt  }
0x6d: {  	_ =	shalt  }
0x6e: {  	_ =	shalt  }
0x6f: {  	_ =	shalt  }
0x70: {  	_ =	shalt  }
0x71: {  	_ =	shalt  }
0x72: {  	_ =	shalt  }
0x73: {  	_ =	shalt  }
0x74: {  	_ =	shalt  }
0x75: {  	_ =	shalt  }
0x76: {  	_ =	shalt  }
0x77: {  	_ =	shalt  }
0x78: {  	_ =	shalt  }
0x79: {  	_ =	shalt  }
0x7a: {  	_ =	shalt  }
0x7b: {  	_ =	shalt  }
0x7c: {  	_ =	shalt  }
0x7d: {  	_ =	shalt  }
0x7e: {  	_ =	shalt  }
0x7f: {  	_ =	shalt  }
0x80: {  	_ =	shalt  }
0x81: {  	_ =	shalt  }
0x82: {  	_ =	shalt  }
0x83: {  	_ =	shalt  }
0x84: {  	_ =	shalt  }
0x85: {  	_ =	shalt  }
0x86: {  	_ =	shalt  }
0x87: {  	_ =	shalt  }
.Lfunc_end0:
.L_simem_size_0:
called_computation.2_lowered:
.L_overlay_start_0:
0x88: {  	s2 =	sld [smem:$0x3FD9]  }
0x89: {  	s3 =	sld [smem:$0x3FFE];
	_ =	sdelay $0x1  }
0x8a: {  	s1 =	srdreg.scid  }
0x8b: {  	s0 =	sand.u32 $0x1, s1  }
0x8c: {  	s17 =	sshll.u32 s0, $0xA;
	s2 =	sadd.s32 s3, s2  }
0x8d: {  	s2 =	sadd.s32 s2, s17  }
0x8e: {  	[smem:$0x3FC1] =	sst s2  }
0x8f: {  	_ = 	snop  }
0x90: {  	s2 =	sld [smem:$0x3FD0];
	(tm) =	ssettm $0x1  }
0x91: {  	s18 =	sld [smem:$0x3FFB];
	_ =	sdelay $0x3  }
0x92: {  	_ =	strace s18  }
0x93: {  	s3 =	sld [smem:$0x3FFC];
	_ =	sdelay $0x3  }
0x94: {  	_ =	strace s3  }
0x95: {  	s3 =	sld [smem:$0x3FFD];
	_ =	sdelay $0x3  }
0x96: {  	_ =	strace s3  }
0x97: {  	_ =	strace $0x8FFFFFFF  }
0x98: {  	s19 =	sld [smem:$0x3FDB];
	_ =	sdelay $0x1  }
0x99: {  	s4 =	simm.s32 $_scs_section_size  }
0x9a: {  	s5 =	simm.s32 $_size__tile_overlayer_lowered;
	s6 =	simm.s32 $_tile_overlayer_lowered  }
0x9b: {  	s22 =	simm.s32 $0x1BFF;
	s21 =	sshll.u32 s6, $0x1;
	s3 =	sadd.s32 s4, s19  }
0x9c: {  	s7 =	simm.s32 $0x0;
	s20 =	sshll.u32 s5, $0x1;
	s5 =	sadd.s32 s21, s3  }
0x9d: {  	[timem:s7], [sflag:s22] =	dma.local [hbm:s5], s20  }
0x9e: {  	_ =	swait.ge [sflag:s22], s20  }
0x9f: {  	s4 =	ssub.s32 $0x0, s20;
	[sflag:s22] =	ssyncset.done $0x0  }
0xa0: {  	[sflag:s22] =	ssyncadd.s32 s4;
	_ =	sdelay $0x1  }
0xa1: {  	s23 =	simm.s32 $0x1B8B  }
0xa2: {  	_ =	swait.ge [sflag:s23], $0x1  }
0xa3: {  	[sflag:s23] =	ssyncset.done $0x0  }
0xa4: {  	s25 =	simm.s32 $0x1B8E;
	s24 =	sld [smem:$0x3FFE];
	[sflag:s23] =	ssyncadd.s32 $0xFFFFFFFF  }
0xa5: {  	s26 =	simm.s32 $execute0_lowered;
	[smem:$0x3FD2] =	sst s25  }
0xa6: {  	s5 =	sshll.u32 s26, $0x1;
	_ =	strace $0x8000004C;
	[dreg:$0x1] =	wrdreg $0xFFFFFFFF  }
0xa7: {  	s28 =	simm.s32 $_size_execute0_lowered;
	s3 =	sadd.s32 s3, s5;
	[dreg:$0x0] =	wrdreg $0x0  }
0xa8: {  	s5 =	sshll.u32 s28, $0x1;
	[dreg:$0x2] =	wrdreg s3  }
0xa9: {  	[dreg:$0x3] =	wrdreg s5  }
0xaa: {  	[dreg:$0x4] =	wrdreg $0xC0  }
0xab: {  	_ =	task [dreg:s7], $0x5FFFF  }
0xac: {  	[dreg:$0x1] =	wrdreg $0xFFFFFFFF  }
0xad: {  	[dreg:$0x0] =	wrdreg $0x60  }
0xae: {  	[dreg:$0x2] =	wrdreg s24  }
0xaf: {  	[dreg:$0x3] =	wrdreg s2  }
0xb0: {  	[dreg:$0x4] =	wrdreg $0x0  }
0xb1: {  	[dreg:$0x5] =	wrdreg $0x9  }
0xb2: {  	_ =	task.clear_ibuf [dreg:s7], $0x6FFFF;
	_ =	strace $0x9000004C  }
0xb3: {  	s29 =	simm.s32 $0x9;
	_ =	strace $0x8000004E  }
0xb4: {  	_ =	swait.ge [sflag:s29], $0x1  }
0xb5: {  	[sflag:s29] =	ssyncadd.s32 $0xFFFFFFFF  }
0xb6: {  	_ =	strace $0x9000004E  }
0xb7: {  	_ =	sfence  }
0xb8: {  	s30 =	sld [smem:$0x0];
	_ =	sdelay $0x2  }
0xb9: {  	s31 =	sshll.u32 s1, $0xD;
	s1 =	sshrl.u32 s1, $0x2  }
0xba: {  	s3 =	sand.u32 $0x4000, s31;
	s1 =	sadd.s32 s1, s30  }
0xbb: {  	s0 =	sor.u32 s3, s0;
	s1 =	sshll.u32 s1, $0x11  }
0xbc: {  	s0 =	sor.u32 s1, s0  }
0xbd: {  	s0 =	sadd.s32 $0x8F2B, s0  }
0xbe: {  	[sflag:s0] =	ssyncadd.remote.s32 $0x1  }
0xbf: {  	_ =	sfence.sel $0xFFFF  }
0xc0: {  	[dreg:$0x0] =	wrdreg $0xFFFFFFFF;
	(pc) =	sbr.abs _section_cstart, $3  }
0xc1: {  	[dreg:$0x1] =	wrdreg $0xFFFFFFFF  }
0xc2: {  	_ =	task.clear_ibuf [dreg:s7], $0x2FFFF;
	_ =	strace $0x9FFFFFFF  }
0xc3: {  	(tm) =	ssettm $0x7FFFFFFF  }
tec
execute0_lowered:
.L_overlay_start_1:
0x0: {  	(tag) =	ssettag $0x1  }
0x1: {  	s0 =	rddreg [dreg:$0x0]  }
0x2: {  	s1 =	srdreg.scid;
	s3 =	rddreg [dreg:$0x1]  }
0x3: {  	s2 =	rddreg [dreg:$0x2];
	s13 =	stileid.u32  }
0x4: {  	s5 =	simm.s32 $0x0;
	s16 =	simm.s32 $0xB;
	s18 =	simm.s32 $0x2  }
0x5: {  	s19 =	simm.s32 $0x3;
	s20 =	simm.s32 $0x7D;
	s21 =	simm.s32 $0xEC40  }
0x6: {  	s28 =	simm.s32 $0x16940;
	s29 =	simm.s32 $0x4;
	s30 =	simm.s32 $0x6  }
0x7: {  	s31 =	simm.s32 $0x5;
	s14 =	simm.s32 $0x8;
	s1 =	sand.u32 $0x1, s1  }
0x8: {  	[smem:$0x7FF] =	sst s5;
	s23 =	smul.u32 $0x9C00, s13;
	s25 =	sshll.u32 s13, $0x6  }
0x9: {  	s9 =	smul.u32 $0x13800, s13;
	p0 =	sne.s32 s13, $0xF;
	s4 =	sshll.u32 s1, $0x4  }
0xa: {  	_ =	strace $0x8000004D;
	s6 =	ssub.s32 $0x2, s1;
	s1 =	smul.u32 $0x138800, s1  }
0xb: {  	s4 =	sor.u32 s13, s4;
	s7 =	sshrl.u32 s6, $0x1;
	s24 =	sshrl.u32 s23, $0x3  }
0xc: {  	s22 =	smul.u32 $0x500, s4;
	s4 =	sadd.s32 $0x15200, s0;
	s6 =	ssub.s32 s6, s7  }
0xd: {  	s7 =	sadd.s32 s23, s2;
	s10 =	sadd.s32 s9, s1;
	s1 =	sshrl.u32 s1, $0x3  }
0xe: {  	s23 =	simm.s32 $0x10B80;
	s26 =	sshrl.u32 s10, $0x3;
	s12 =	smax.u32 s6, $0x1  }
0xf: {  	s15 =	sshrl.u32 s7, $0x3;
	s5 =	sadd.s32 s22, s0;
	s0 =	sadd.s32 $0x92C00, s0  }
0x10: {  	s22 =	simm.s32 $0x9;
	s8 =	sadd.s32 $0xB200, s5;
	s5 =	sadd.s32 $0x1200, s5  }
0x11: {  	s1 =	sadd.s32 s0, s1;
	s10 =	sadd.s32 s0, s26;
	[dreg:$0x4] =	wrdreg s8  }
0x12: {  	s26 =	simm.s32 $0x14A00;
	s0 =	simm.s32 $0x7;
	[dreg:$0x5] =	wrdreg s5  }
0x13: {  	s5 =	sadd.s32 s3, s24;
	s8 =	sor.u32 $0x1C0B, s25;
	s3 =	sadd.s32 $0x13800, s3  }
0x14: {  	s11 =	sadd.s32 $0x27000, s1;
	s24 =	simm.s32 $0x1;
	s25 =	simm.s32 $0x12AC0  }
0x15: {  	s1 =	simm.s32 $0xA;
	[dreg:$0x6] =	wrdreg s5;
	s5 =	sadd.s32 $0x9C000, s2  }
0x16: {  	[dreg:$0x7] =	wrdreg s3;
	s3 =	simm.s32 $0x0;
	s17 =	sshrl.u32 @!p0 s5, $0x3  }
.LBB2_1:
0x17: {  	s5 =	simm.s32 $0x0;
	s6 =	rddreg [dreg:$0x4];
	s7 =	simm.s32 $0x9C40  }
0x18: {  	[tilespmem:s7], [sflag:$0x2] =	stream.linear.gather [hbm4b:s6+s5], $0x2800, $0x38;
	[tilespmem:$0x18880] =	vst v63  }
0x19: {  	s13 =	rddreg [dreg:$0x5];
	s9 =	simm.s32 $0xC440  }
0x1a: {  	[tilespmem:s9], [sflag:$0x3] =	stream.linear.gather [hbm4b:s13+s5], $0x2800, $0x38;
	[tilespmem:$0x18880] =	vst v63  }
0x1b: {  	s13 =	rddreg [dreg:$0x6]  }
0x1c: {  	[spmem:s15], [sflag:s8] =	dma.local [hbm:s13], $0x1380  }
0x1d: {  	_ =	swait.ge [sflag:s16], $0x1380  }
0x1e: {  	[sflag:s16] =	ssyncset.done $0x0  }
0x1f: {  	s5 =	rddreg [dreg:$0x7];
	[sflag:s16] =	ssyncadd.s32 $0xFFFFEC80  }
0x20: {  	[spmem:s17], [sflag:s8] =	dma.local @!p0 [hbm:s5], $0x80  }
0x21: {  	s5 =	simm.s32 @!p0 $0xB  }
0x22: {  	_ =	swait.ge @!p0 [sflag:s5], $0x80  }
0x23: {  	[sflag:s5] =	ssyncset.done @!p0 $0x0  }
0x24: {  	[sflag:s5] =	ssyncadd.s32 @!p0 $0xFFFFFF80  }
0x25: {  	_ =	swait.ge [sflag:s18], $0x2800  }
0x26: {  	[sflag:s18] =	ssyncset.done $0x0  }
0x27: {  	[sflag:s18] =	ssyncadd.s32 $0xFFFFD800  }
0x28: {  	_ =	swait.ge [sflag:s19], $0x2800  }
0x29: {  	[sflag:s19] =	ssyncset.done $0x0  }
0x2a: {  	[sflag:s19] =	ssyncadd.s32 $0xFFFFD800  }
0x2b: {  	[bflag:$0x0] =	sbarrier.arrive $0xFFFF  }
0x2c: {  	[tilespmem:s21], [sflag:$0x1] =	stream.indirect.gather [hbm4b:s4+s20], $0x40, s7, s20, $0xb8;
	[tilespmem:$0x18880] =	vst v63  }
0x2d: {  	s6 =	simm.s32 $0x9CC0  }
0x2e: {  	[tilespmem:s23], [sflag:$0x2] =	stream.indirect.gather [hbm4b:s4+s20], $0x40, s6, s20, $0xb8;
	[tilespmem:$0x18880] =	vst v63  }
0x2f: {  	_ =	swait.ge [sflag:s24], $0x1F40  }
0x30: {  	p1 =	por $0x1, $0x1;
	[sflag:s24] =	ssyncset.done $0x0  }
0x31: {  	s7 =	simm.s32 $0xC440;
	s6 =	simm.s32 @!p1 $0x8;
	[sflag:s24] =	ssyncadd.s32 $0xFFFFE0C0  }
0x32: {  	[spmem:s2] =	stream.indirect.scatter.add.f32 [tilespmem:s21], [sflag:$0x6], $0x40, s7, s20, $0xb8;
	[tilespmem:$0x18880] =	vst v63  }
0x33: {  	_ =	swait.ge @!p1 [sflag:s6], $0x1F40  }
0x34: {  	[sflag:s6] =	ssyncset.done @!p1 $0x0  }
0x35: {  	s9 =	simm.s32 $0x9D40;
	[sflag:s6] =	ssyncadd.s32 @!p1 $0xFFFFE0C0  }
0x36: {  	[tilespmem:s25], [sflag:$0x3] =	stream.indirect.gather [hbm4b:s4+s20], $0x40, s9, s20, $0xb8;
	[tilespmem:$0x18880] =	vst v63  }
0x37: {  	_ =	swait.ge [sflag:s18], $0x1F40  }
0x38: {  	p1 =	por $0x1, $0x1;
	[sflag:s18] =	ssyncset.done $0x0  }
0x39: {  	s13 =	simm.s32 $0xC4C0;
	s6 =	simm.s32 @!p1 $0x9;
	[sflag:s18] =	ssyncadd.s32 $0xFFFFE0C0  }
0x3a: {  	[spmem:s2] =	stream.indirect.scatter.add.f32 [tilespmem:s23], [sflag:$0x7], $0x40, s13, s20, $0xb8;
	[tilespmem:$0x18880] =	vst v63  }
0x3b: {  	_ =	swait.ge @!p1 [sflag:s6], $0x1F40  }
0x3c: {  	[sflag:s6] =	ssyncset.done @!p1 $0x0  }
0x3d: {  	s7 =	simm.s32 $0x9DC0;
	[sflag:s6] =	ssyncadd.s32 @!p1 $0xFFFFE0C0  }
0x3e: {  	[tilespmem:s26], [sflag:$0x4] =	stream.indirect.gather [hbm4b:s4+s20], $0x40, s7, s20, $0xb8;
	[tilespmem:$0x18880] =	vst v63  }
0x3f: {  	_ =	swait.ge [sflag:s19], $0x1F40  }
0x40: {  	p1 =	por $0x1, $0x1;
	[sflag:s19] =	ssyncset.done $0x0  }
0x41: {  	s9 =	simm.s32 $0xC540;
	s6 =	simm.s32 @!p1 $0xA;
	[sflag:s19] =	ssyncadd.s32 $0xFFFFE0C0  }
0x42: {  	[spmem:s2] =	stream.indirect.scatter.add.f32 [tilespmem:s25], [sflag:$0x8], $0x40, s9, s20, $0xb8;
	[tilespmem:$0x18880] =	vst v63  }
0x43: {  	_ =	swait.ge @!p1 [sflag:s6], $0x1F40  }
0x44: {  	[sflag:s6] =	ssyncset.done @!p1 $0x0  }
0x45: {  	s13 =	simm.s32 $0x9E40;
	[sflag:s6] =	ssyncadd.s32 @!p1 $0xFFFFE0C0  }
0x46: {  	[tilespmem:s28], [sflag:$0x5] =	stream.indirect.gather [hbm4b:s4+s20], $0x40, s13, s20, $0xb8;
	[tilespmem:$0x18880] =	vst v63  }
0x47: {  	_ =	swait.ge [sflag:s29], $0x1F40  }
0x48: {  	[sflag:s29] =	ssyncset.done $0x0  }
0x49: {  	s7 =	simm.s32 $0xC5C0;
	[sflag:s29] =	ssyncadd.s32 $0xFFFFE0C0  }
0x4a: {  	[spmem:s2] =	stream.indirect.scatter.add.f32 [tilespmem:s26], [sflag:$0x9], $0x40, s7, s20, $0xb8;
	[tilespmem:$0x18880] =	vst v63  }
0x4b: {  	_ =	swait.ge [sflag:s30], $0x1F40  }
0x4c: {  	[sflag:s30] =	ssyncset.done $0x0  }
0x4d: {  	s9 =	simm.s32 $0x9EC0;
	[sflag:s30] =	ssyncadd.s32 $0xFFFFE0C0  }
0x4e: {  	[tilespmem:s21], [sflag:$0x1] =	stream.indirect.gather [hbm4b:s4+s20], $0x40, s9, s20, $0xb8;
	[tilespmem:$0x18880] =	vst v63  }
0x4f: {  	_ =	swait.ge [sflag:s31], $0x1F40  }
0x50: {  	[sflag:s31] =	ssyncset.done $0x0  }
0x51: {  	s13 =	simm.s32 $0xC640;
	[sflag:s31] =	ssyncadd.s32 $0xFFFFE0C0  }
0x52: {  	[spmem:s2] =	stream.indirect.scatter.add.f32 [tilespmem:s28], [sflag:$0xA], $0x40, s13, s20, $0xb8;
	[tilespmem:$0x18880] =	vst v63  }
0x53: {  	s5 =	simm.s32 $0xFFFFFFFD;
	_ =	swait.ge [sflag:s0], $0x1F40  }
0x54: {  	s6 =	simm.s32 $0xA00;
	s7 =	simm.s32 $0x9F40;
	[sflag:s0] =	ssyncset.done $0x0  }
.LBB2_2:
0x55: {  	[sflag:s0] =	ssyncadd.s32 $0xFFFFE0C0  }
0x56: {  	s5 =	sadd.s32 $0x5, s5;
	s9 =	smov.u32 s6;
	s6 =	sadd.s32 $0xA00, s6  }
0x57: {  	[tilespmem:s23], [sflag:$0x2] =	stream.indirect.gather [hbm4b:s4+s20], $0x40, s7, s20, $0xb8;
	[tilespmem:$0x18880] =	vst v63  }
0x58: {  	s7 =	sshra.s32 s9, $0x2;
	p1 =	sne.s32 s6, $0x9600;
	_ =	swait.ge [sflag:s24], $0x1F40  }
0x59: {  	p2 =	sgt.u32 s5, $0x4A;
	s9 =	sadd.s32 $0xC440, s7;
	[sflag:s24] =	ssyncset.done $0x0  }
0x5a: {  	s13 =	simm.s32 @!p2 $0x8;
	[sflag:s24] =	ssyncadd.s32 $0xFFFFE0C0  }
0x5b: {  	[spmem:s2] =	stream.indirect.scatter.add.f32 [tilespmem:s21], [sflag:$0x6], $0x40, s9, s20, $0xb8;
	[tilespmem:$0x18880] =	vst v63  }
0x5c: {  	_ =	swait.ge @!p2 [sflag:s13], $0x1F40  }
0x5d: {  	s9 =	sadd.s32 $0x9D40, s7;
	[sflag:s13] =	ssyncset.done @!p2 $0x0  }
0x5e: {  	[sflag:s13] =	ssyncadd.s32 @!p2 $0xFFFFE0C0  }
0x5f: {  	[tilespmem:s25], [sflag:$0x3] =	stream.indirect.gather [hbm4b:s4+s20], $0x40, s9, s20, $0xb8;
	[tilespmem:$0x18880] =	vst v63  }
0x60: {  	s9 =	sadd.s32 $0x1, s5;
	_ =	swait.ge [sflag:s18], $0x1F40  }
0x61: {  	s13 =	sadd.s32 $0xC4C0, s7;
	p2 =	sgt.u32 s9, $0x4A;
	[sflag:s18] =	ssyncset.done $0x0  }
0x62: {  	s9 =	simm.s32 @!p2 $0x9;
	[sflag:s18] =	ssyncadd.s32 $0xFFFFE0C0  }
0x63: {  	[spmem:s2] =	stream.indirect.scatter.add.f32 [tilespmem:s23], [sflag:$0x7], $0x40, s13, s20, $0xb8;
	[tilespmem:$0x18880] =	vst v63  }
0x64: {  	_ =	swait.ge @!p2 [sflag:s9], $0x1F40  }
0x65: {  	s13 =	sadd.s32 $0x9DC0, s7;
	[sflag:s9] =	ssyncset.done @!p2 $0x0  }
0x66: {  	[sflag:s9] =	ssyncadd.s32 @!p2 $0xFFFFE0C0  }
0x67: {  	[tilespmem:s26], [sflag:$0x4] =	stream.indirect.gather [hbm4b:s4+s20], $0x40, s13, s20, $0xb8;
	[tilespmem:$0x18880] =	vst v63  }
0x68: {  	s9 =	sadd.s32 $0x2, s5;
	_ =	swait.ge [sflag:s19], $0x1F40  }
0x69: {  	s13 =	sadd.s32 $0xC540, s7;
	p2 =	sgt.u32 s9, $0x4A;
	[sflag:s19] =	ssyncset.done $0x0  }
0x6a: {  	s9 =	simm.s32 @!p2 $0xA;
	[sflag:s19] =	ssyncadd.s32 $0xFFFFE0C0  }
0x6b: {  	[spmem:s2] =	stream.indirect.scatter.add.f32 [tilespmem:s25], [sflag:$0x8], $0x40, s13, s20, $0xb8;
	[tilespmem:$0x18880] =	vst v63  }
0x6c: {  	_ =	swait.ge @!p2 [sflag:s9], $0x1F40  }
0x6d: {  	s13 =	sadd.s32 $0x9E40, s7;
	[sflag:s9] =	ssyncset.done @!p2 $0x0  }
0x6e: {  	[sflag:s9] =	ssyncadd.s32 @!p2 $0xFFFFE0C0  }
0x6f: {  	[tilespmem:s28], [sflag:$0x5] =	stream.indirect.gather [hbm4b:s4+s20], $0x40, s13, s20, $0xb8;
	[tilespmem:$0x18880] =	vst v63  }
0x70: {  	_ =	swait.ge [sflag:s29], $0x1F40  }
0x71: {  	s9 =	sadd.s32 $0xC5C0, s7;
	[sflag:s29] =	ssyncset.done $0x0  }
0x72: {  	[sflag:s29] =	ssyncadd.s32 $0xFFFFE0C0  }
0x73: {  	[spmem:s2] =	stream.indirect.scatter.add.f32 [tilespmem:s26], [sflag:$0x9], $0x40, s9, s20, $0xb8;
	[tilespmem:$0x18880] =	vst v63  }
0x74: {  	_ =	swait.ge [sflag:s30], $0x1F40  }
0x75: {  	s9 =	sadd.s32 $0x9EC0, s7;
	[sflag:s30] =	ssyncset.done $0x0  }
0x76: {  	[sflag:s30] =	ssyncadd.s32 $0xFFFFE0C0  }
0x77: {  	[tilespmem:s21], [sflag:$0x1] =	stream.indirect.gather [hbm4b:s4+s20], $0x40, s9, s20, $0xb8;
	[tilespmem:$0x18880] =	vst v63  }
0x78: {  	_ =	swait.ge [sflag:s31], $0x1F40  }
.Ltmp0:
0x79: {  	s9 =	sadd.s32 $0xC640, s7;
	[sflag:s31] =	ssyncset.done $0x0;
	(pc) =	sbr.rel @p1 .LBB2_2-.Ltmp0, $4  }
0x7a: {  	[sflag:s31] =	ssyncadd.s32 $0xFFFFE0C0  }
0x7b: {  	[spmem:s2] =	stream.indirect.scatter.add.f32 [tilespmem:s28], [sflag:$0xA], $0x40, s9, s20, $0xb8;
	[tilespmem:$0x18880] =	vst v63  }
0x7c: {  	_ =	swait.ge [sflag:s0], $0x1F40  }
0x7d: {  	s7 =	sadd.s32 $0x9F40, s7;
	[sflag:s0] =	ssyncset.done $0x0  }
0x7e: {  	[sflag:s0] =	ssyncadd.s32 $0xFFFFE0C0  }
0x7f: {  	[tilespmem:s23], [sflag:$0x2] =	stream.indirect.gather [hbm4b:s4+s20], $0x40, s7, s20, $0xb8;
	[tilespmem:$0x18880] =	vst v63  }
0x80: {  	_ =	swait.ge [sflag:s24], $0x1F40  }
0x81: {  	[sflag:s24] =	ssyncset.done $0x0  }
0x82: {  	s5 =	simm.s32 $0xE9C0;
	[sflag:s24] =	ssyncadd.s32 $0xFFFFE0C0  }
0x83: {  	[spmem:s2] =	stream.indirect.scatter.add.f32 [tilespmem:s21], [sflag:$0x6], $0x40, s5, s20, $0xb8;
	[tilespmem:$0x18880] =	vst v63  }
0x84: {  	_ =	swait.ge [sflag:s14], $0x1F40  }
0x85: {  	[sflag:s14] =	ssyncset.done $0x0  }
0x86: {  	s6 =	simm.s32 $0xC2C0;
	[sflag:s14] =	ssyncadd.s32 $0xFFFFE0C0  }
0x87: {  	[tilespmem:s25], [sflag:$0x3] =	stream.indirect.gather [hbm4b:s4+s20], $0x40, s6, s20, $0xb8;
	[tilespmem:$0x18880] =	vst v63  }
0x88: {  	_ =	swait.ge [sflag:s18], $0x1F40  }
0x89: {  	[sflag:s18] =	ssyncset.done $0x0  }
0x8a: {  	s7 =	simm.s32 $0xEA40;
	[sflag:s18] =	ssyncadd.s32 $0xFFFFE0C0  }
0x8b: {  	[spmem:s2] =	stream.indirect.scatter.add.f32 [tilespmem:s23], [sflag:$0x7], $0x40, s7, s20, $0xb8;
	[tilespmem:$0x18880] =	vst v63  }
0x8c: {  	_ =	swait.ge [sflag:s22], $0x1F40  }
0x8d: {  	[sflag:s22] =	ssyncset.done $0x0  }
0x8e: {  	s9 =	simm.s32 $0xC340;
	[sflag:s22] =	ssyncadd.s32 $0xFFFFE0C0  }
0x8f: {  	[tilespmem:s26], [sflag:$0x4] =	stream.indirect.gather [hbm4b:s4+s20], $0x40, s9, s20, $0xb8;
	[tilespmem:$0x18880] =	vst v63  }
0x90: {  	_ =	swait.ge [sflag:s19], $0x1F40  }
0x91: {  	[sflag:s19] =	ssyncset.done $0x0  }
0x92: {  	s13 =	simm.s32 $0xEAC0;
	[sflag:s19] =	ssyncadd.s32 $0xFFFFE0C0  }
0x93: {  	[spmem:s2] =	stream.indirect.scatter.add.f32 [tilespmem:s25], [sflag:$0x8], $0x40, s13, s20, $0xb8;
	[tilespmem:$0x18880] =	vst v63  }
0x94: {  	_ =	swait.ge [sflag:s1], $0x1F40  }
0x95: {  	[sflag:s1] =	ssyncset.done $0x0  }
0x96: {  	s6 =	simm.s32 $0xC3C0;
	[sflag:s1] =	ssyncadd.s32 $0xFFFFE0C0  }
0x97: {  	[tilespmem:s28], [sflag:$0x5] =	stream.indirect.gather [hbm4b:s4+s20], $0x40, s6, s20, $0xb8;
	[tilespmem:$0x18880] =	vst v63  }
0x98: {  	_ =	swait.ge [sflag:s29], $0x1F40  }
0x99: {  	[sflag:s29] =	ssyncset.done $0x0  }
0x9a: {  	s7 =	simm.s32 $0xEB40;
	[sflag:s29] =	ssyncadd.s32 $0xFFFFE0C0  }
0x9b: {  	[spmem:s2] =	stream.indirect.scatter.add.f32 [tilespmem:s26], [sflag:$0x9], $0x40, s7, s20, $0xb8;
	[tilespmem:$0x18880] =	vst v63  }
0x9c: {  	_ =	swait.ge [sflag:s31], $0x1F40  }
0x9d: {  	[sflag:s31] =	ssyncset.done $0x0  }
0x9e: {  	s9 =	simm.s32 $0xEBC0;
	[sflag:s31] =	ssyncadd.s32 $0xFFFFE0C0  }
0x9f: {  	[spmem:s2] =	stream.indirect.scatter.add.f32 [tilespmem:s28], [sflag:$0xA], $0x40, s9, s20, $0xb8;
	[tilespmem:$0x18880] =	vst v63  }
0xa0: {  	_ =	swait.ge [sflag:s30], $0x1F40  }
0xa1: {  	[sflag:s30] =	ssyncset.done $0x0  }
0xa2: {  	[sflag:s30] =	ssyncadd.s32 $0xFFFFE0C0  }
0xa3: {  	_ =	swait.ge [sflag:s0], $0x1F40  }
0xa4: {  	[sflag:s0] =	ssyncset.done $0x0  }
0xa5: {  	[sflag:s0] =	ssyncadd.s32 $0xFFFFE0C0  }
0xa6: {  	_ =	swait.ge [sflag:s14], $0x1F40  }
0xa7: {  	[sflag:s14] =	ssyncset.done $0x0  }
0xa8: {  	[sflag:s14] =	ssyncadd.s32 $0xFFFFE0C0  }
0xa9: {  	_ =	swait.ge [sflag:s22], $0x1F40  }
0xaa: {  	[sflag:s22] =	ssyncset.done $0x0  }
0xab: {  	[sflag:s22] =	ssyncadd.s32 $0xFFFFE0C0  }
0xac: {  	_ =	swait.ge [sflag:s1], $0x1F40  }
0xad: {  	[sflag:s1] =	ssyncset.done $0x0  }
0xae: {  	[sflag:s1] =	ssyncadd.s32 $0xFFFFE0C0  }
0xaf: {  	s13 =	simm.s32 $0x10;
	[bflag:$0x0] =	sbarrier.arrive $0xFFFF  }
0xb0: {  	[hbm:s10@s13], [sflag:s8] =	dma.strided [spmem:s15@s14], $0x1380, s24, $0x8   }
0xb1: {  	s3 =	sadd.s32 $0x1, s3;
	_ =	swait.ge [sflag:s16], $0x1380  }
0xb2: {  	p1 =	sne.s32 s3, s12;
	s5 =	simm.s32 @!p0 $0x1;
	[sflag:s16] =	ssyncset.done $0x0  }
0xb3: {  	s6 =	simm.s32 @!p0 $0x10;
	s7 =	simm.s32 @!p0 $0x8;
	[sflag:s16] =	ssyncadd.s32 $0xFFFFEC80  }
0xb4: {  	[hbm:s11@s6], [sflag:s8] =	dma.strided @!p0 [spmem:s17@s7], $0x80, s5, $0x8   }
.Ltmp1:
0xb5: {  	_ = 	snop;
	(pc) =	sbr.rel @p1 .LBB2_1-.Ltmp1, $4  }
0xb6: {  	s5 =	simm.s32 @!p0 $0xB  }
0xb7: {  	_ =	swait.ge @!p0 [sflag:s5], $0x80  }
0xb8: {  	[sflag:s5] =	ssyncset.done @!p0 $0x0  }
0xb9: {  	[sflag:s5] =	ssyncadd.s32 @!p0 $0xFFFFFF80  }
0xba: {  	_ =	sfence.sel $0x180000  }
0xbb: {  	[bflag:$0x0] =	sbarrier.arrive $0xFFFF  }
0xbc: {  	_ =	strace $0x9000004D  }
0xbd: {  	s0 =	stileid.u32;
	[bflag:$0x2] =	sbarrier.arrive $0xFFFF  }
0xbe: {  	p0 =	sne.s32 s0, $0x0;
	s0 =	rddreg [dreg:$0x3]  }
0xbf: {  	s0 =	sadd.s32 @!p0 $0x100000, s0  }
0xc0: {  	[sflag:s0] =	ssyncadd.tile.s32 @!p0 $0x1;
	_ =	shalt  }
.Lfunc_end2:
_tile_overlayer_lowered:
.L_overlay_start_2:
0xc1: {  	(tag) =	ssettag $0x2  }
0xc2: {  	s0 =	rddreg [dreg:$0x0];
	s2 =	stileid.u32  }
0xc3: {  	s1 =	rddreg [dreg:$0x1];
	p0 =	sne.s32 s2, $0x0  }
0xc4: {  	s3 =	rddreg [dreg:$0x2];
	[bflag:$0x3] =	sbarrier.arrive $0xFFFF;
	s2 =	simm.s32 @!p0 $0x1C0B  }
0xc5: {  	[timem:s3], [sflag:s2] =	dma.local @!p0 [hbm:s0], s1  }
0xc6: {  	s0 =	simm.s32 @!p0 $0xB  }
0xc7: {  	_ =	swait.ge @!p0 [sflag:s0], s1  }
0xc8: {  	s1 =	ssub.s32 @!p0 $0x0, s1;
	[sflag:s0] =	ssyncset.done @!p0 $0x0  }
0xc9: {  	[sflag:s0] =	ssyncadd.s32 @!p0 s1  }
0xca: {  	[bflag:$0x3] =	sbarrier.arrive $0xFFFF  }
0xcb: {  	_ =	shalt  }

// kernel: kernel.9.cloned.1.call-start
scs
__scs_entry_jumppad:
0x0: {  	(pc) =	sbr.rel $0x88, $3  }
0x1: {  	(tag) =	ssettag $0x0;
	lr =	simm.s32 $0x1  }
0x2: {  	[smem:$0x3F9A] =	sst lr;
	_ =	strace $0xD0000000  }
0x3: {  	_ = 	snop  }
0x4: {  	_ = 	snop  }
0x5: {  	_ = 	snop  }
0x6: {  	_ = 	snop  }
0x7: {  	_ = 	snop  }
__scs_overlays_trampoline_lowered:
0x8: {  	[smem:$0x3FA9] =	sst s0  }
0x9: {  	[smem:$0x3FAA] =	sst s1  }
0xa: {  	[smem:$0x3FAB] =	sst s2  }
0xb: {  	[smem:$0x3FAC] =	sst s3  }
0xc: {  	[smem:$0x3FAD] =	sst s4  }
0xd: {  	[smem:$0x3FAE] =	sst s5  }
0xe: {  	[smem:$0x3FAF] =	sst s6  }
0xf: {  	[smem:$0x3FB0] =	sst s7  }
0x10: {  	[smem:$0x3FB1] =	sst s8  }
0x11: {  	[smem:$0x3FB2] =	sst s9;
	s0 =	simm.s32 @!p0 $0x0  }
0x12: {  	s1 =	sld [smem:$0x3F98];
	s0 =	simm.s32 @p0 $0x1  }
0x13: {  	[smem:$0x3FB3] =	sst s0;
	s0 =	simm.s32 @!p1 $0x0  }
0x14: {  	s2 =	sld [smem:$0x3F97];
	s0 =	simm.s32 @p1 $0x1  }
0x15: {  	[smem:$0x3FB4] =	sst s0;
	s0 =	simm.s32 @!p2 $0x0  }
0x16: {  	s3 =	sld [smem:$0x3FDB];
	s0 =	simm.s32 @p2 $0x1  }
0x17: {  	s4 =	simm.s32 $0x1BF5;
	[smem:$0x3FB6] =	sst s0  }
0x18: {  	s0 =	sld [smem:$0x3F99];
	_ =	swait.ge [sflag:s4], $0x0  }
0x19: {  	s7 =	sld [smem:$0x3F9A]  }
0x1a: {  	s8 =	sadd.s32 $0xFFFFE003, lr  }
0x1b: {  	s9 =	sadd.s32 $0xFFFFFEF7, lr;
	s5 =	simm.s32 $0xFFFFFFFF;
	p2 =	slt.u32 s8, $0xFFFFF086  }
0x1c: {  	p1 =	slt.u32 s9, $0xF7A;
	s5 =	simm.s32 @!p2 $0x0  }
0x1d: {  	s5 =	simm.s32 @p1 $0x1;
	p0 =	seq.s32 s7, s2  }
0x1e: {  	s7 =	smul.u32 @!p0 $0xF7A, s2;
	p2 =	seq.s32 @!p0 s5, $0x0  }
0x1f: {  	s9 =	smul.u32 $0xF7A, s1;
	s8 =	simm.s32 @!p0 $0x1BF5;
	p2 =	por !p2, p0  }
0x20: {  	[sflag:s8] =	ssyncset.s32 @!p0 $0xFFFFF086;
	s6 =	sadd.s32 @!p0 s3, s7;
	s7 =	simm.s32 @!p0 $0x108  }
0x21: {  	s3 =	sadd.s32 s3, s9;
	s6 =	sadd.s32 @!p0 $0x88, s6;
	s7 =	simm.s32 @p2 $0x1082  }
0x22: {  	[simem:s7], [sflag:s8] =	dma.local @!p0 [hbm:s6], $0xF7A  }
0x23: {  	s9 =	sor.u32 $0xD0000000, s2;
	s6 =	simm.s32 $0x108;
	_ =	swait.ge @!p0 [sflag:s8], $0x0  }
0x24: {  	s3 =	sadd.s32 $0x88, s3;
	s6 =	simm.s32 @!p1 $0x1082;
	[sflag:s4] =	ssyncset.s32 $0xFFFFF086  }
0x25: {  	[simem:s6], [sflag:s4] =	dma.local [hbm:s3], $0xF7A  }
0x26: {  	[smem:$0x3F9A] =	sst s1;
	(tag) =	ssettag s2;
	_ =	strace s9  }
0x27: {  	s1 =	sld [smem:$0x3FAA]  }
0x28: {  	s2 =	sld [smem:$0x3FAB]  }
0x29: {  	s4 =	sld [smem:$0x3FAD]  }
0x2a: {  	p0 =	seq.s32 s5, $0x0;
	s5 =	sld [smem:$0x3FAE]  }
0x2b: {  	s6 =	sld [smem:$0x3FAF]  }
0x2c: {  	s7 =	sld [smem:$0x3FB0]  }
0x2d: {  	s3 =	simm.s32 $0x108;
	s8 =	sld [smem:$0x3FB1]  }
0x2e: {  	s3 =	simm.s32 @!p0 $0x1082;
	s9 =	sld [smem:$0x3FB2]  }
0x2f: {  	lr =	sadd.s32 s0, s3;
	s0 =	sld [smem:$0x3FA9]  }
0x30: {  	s3 =	sld [smem:$0x3FAC]  }
0x31: {  	[smem:$0x3FB5] =	sst s10  }
0x32: {  	s10 =	sld [smem:$0x3FB3];
	_ =	sdelay $0x3  }
0x33: {  	p0 =	seq.s32 s10, $0x1;
	s10 =	sld [smem:$0x3FB5];
	_ =	sdelay $0x3  }
0x34: {  	[smem:$0x3FB5] =	sst s10  }
0x35: {  	s10 =	sld [smem:$0x3FB4];
	_ =	sdelay $0x3  }
0x36: {  	p1 =	seq.s32 s10, $0x1;
	s10 =	sld [smem:$0x3FB5];
	_ =	sdelay $0x3  }
0x37: {  	[smem:$0x3FB5] =	sst s10  }
0x38: {  	s10 =	sld [smem:$0x3FB6]  }
0x39: {  	_ = 	snop;
	(pc) =	sbr.ind lr, $3  }
0x3a: {  	_ = 	snop  }
0x3b: {  	_ = 	snop  }
0x3c: {  	p2 =	seq.s32 s10, $0x1;
	s10 =	sld [smem:$0x3FB5]  }
0x3d: {  	_ =	shalt  }
0x3e: {  	_ =	shalt  }
0x3f: {  	_ =	shalt  }
0x40: {  	_ =	shalt  }
0x41: {  	_ =	shalt  }
0x42: {  	_ =	shalt  }
0x43: {  	_ =	shalt  }
0x44: {  	_ =	shalt  }
0x45: {  	_ =	shalt  }
0x46: {  	_ =	shalt  }
0x47: {  	_ =	shalt  }
0x48: {  	_ =	shalt  }
0x49: {  	_ =	shalt  }
0x4a: {  	_ =	shalt  }
0x4b: {  	_ =	shalt  }
0x4c: {  	_ =	shalt  }
0x4d: {  	_ =	shalt  }
0x4e: {  	_ =	shalt  }
0x4f: {  	_ =	shalt  }
0x50: {  	_ =	shalt  }
0x51: {  	_ =	shalt  }
0x52: {  	_ =	shalt  }
0x53: {  	_ =	shalt  }
0x54: {  	_ =	shalt  }
0x55: {  	_ =	shalt  }
0x56: {  	_ =	shalt  }
0x57: {  	_ =	shalt  }
0x58: {  	_ =	shalt  }
0x59: {  	_ =	shalt  }
0x5a: {  	_ =	shalt  }
0x5b: {  	_ =	shalt  }
0x5c: {  	_ =	shalt  }
0x5d: {  	_ =	shalt  }
0x5e: {  	_ =	shalt  }
0x5f: {  	_ =	shalt  }
0x60: {  	_ =	shalt  }
0x61: {  	_ =	shalt  }
0x62: {  	_ =	shalt  }
0x63: {  	_ =	shalt  }
0x64: {  	_ =	shalt  }
0x65: {  	_ =	shalt  }
0x66: {  	_ =	shalt  }
0x67: {  	_ =	shalt  }
0x68: {  	_ =	shalt  }
0x69: {  	_ =	shalt  }
0x6a: {  	_ =	shalt  }
0x6b: {  	_ =	shalt  }
0x6c: {  	_ =	shalt  }
0x6d: {  	_ =	shalt  }
0x6e: {  	_ =	shalt  }
0x6f: {  	_ =	shalt  }
0x70: {  	_ =	shalt  }
0x71: {  	_ =	shalt  }
0x72: {  	_ =	shalt  }
0x73: {  	_ =	shalt  }
0x74: {  	_ =	shalt  }
0x75: {  	_ =	shalt  }
0x76: {  	_ =	shalt  }
0x77: {  	_ =	shalt  }
0x78: {  	_ =	shalt  }
0x79: {  	_ =	shalt  }
0x7a: {  	_ =	shalt  }
0x7b: {  	_ =	shalt  }
0x7c: {  	_ =	shalt  }
0x7d: {  	_ =	shalt  }
0x7e: {  	_ =	shalt  }
0x7f: {  	_ =	shalt  }
0x80: {  	_ =	shalt  }
0x81: {  	_ =	shalt  }
0x82: {  	_ =	shalt  }
0x83: {  	_ =	shalt  }
0x84: {  	_ =	shalt  }
0x85: {  	_ =	shalt  }
0x86: {  	_ =	shalt  }
0x87: {  	_ =	shalt  }
.Lfunc_end0:
.L_simem_size_0:
called_computation_lowered:
.L_overlay_start_0:
0x88: {  	s2 =	sld [smem:$0x3FD9]  }
0x89: {  	s3 =	sld [smem:$0x3FFE];
	_ =	sdelay $0x1  }
0x8a: {  	s1 =	srdreg.scid  }
0x8b: {  	s0 =	sand.u32 $0x1, s1  }
0x8c: {  	s17 =	sshll.u32 s0, $0xA;
	s2 =	sadd.s32 s3, s2  }
0x8d: {  	s2 =	sadd.s32 s2, s17  }
0x8e: {  	[smem:$0x3FC1] =	sst s2  }
0x8f: {  	_ = 	snop  }
0x90: {  	s2 =	sld [smem:$0x3FD0];
	(tm) =	ssettm $0x1  }
0x91: {  	s18 =	sld [smem:$0x3FFB];
	_ =	sdelay $0x3  }
0x92: {  	_ =	strace s18  }
0x93: {  	s3 =	sld [smem:$0x3FFC];
	_ =	sdelay $0x3  }
0x94: {  	_ =	strace s3  }
0x95: {  	s3 =	sld [smem:$0x3FFD];
	_ =	sdelay $0x3  }
0x96: {  	_ =	strace s3  }
0x97: {  	_ =	strace $0x8FFFFFFF  }
0x98: {  	s19 =	sld [smem:$0x3FDB];
	_ =	sdelay $0x1  }
0x99: {  	s4 =	simm.s32 $_scs_section_size  }
0x9a: {  	s5 =	simm.s32 $_size__tile_overlayer_lowered;
	s6 =	simm.s32 $_tile_overlayer_lowered  }
0x9b: {  	s22 =	simm.s32 $0x1BFF;
	s21 =	sshll.u32 s6, $0x1;
	s3 =	sadd.s32 s4, s19  }
0x9c: {  	s7 =	simm.s32 $0x0;
	s20 =	sshll.u32 s5, $0x1;
	s5 =	sadd.s32 s21, s3  }
0x9d: {  	[timem:s7], [sflag:s22] =	dma.local [hbm:s5], s20  }
0x9e: {  	_ =	swait.ge [sflag:s22], s20  }
0x9f: {  	s4 =	ssub.s32 $0x0, s20;
	[sflag:s22] =	ssyncset.done $0x0  }
0xa0: {  	[sflag:s22] =	ssyncadd.s32 s4;
	_ =	sdelay $0x1  }
0xa1: {  	s23 =	simm.s32 $0x1B8B  }
0xa2: {  	_ =	swait.ge [sflag:s23], $0x1  }
0xa3: {  	[sflag:s23] =	ssyncset.done $0x0  }
0xa4: {  	s25 =	simm.s32 $0x1B8E;
	s24 =	sld [smem:$0x3FFE];
	[sflag:s23] =	ssyncadd.s32 $0xFFFFFFFF  }
0xa5: {  	s26 =	simm.s32 $execute0_lowered;
	[smem:$0x3FD2] =	sst s25  }
0xa6: {  	s5 =	sshll.u32 s26, $0x1;
	_ =	strace $0x80000046;
	[dreg:$0x1] =	wrdreg $0xFFFFFFFF  }
0xa7: {  	s28 =	simm.s32 $_size_execute0_lowered;
	s3 =	sadd.s32 s3, s5;
	[dreg:$0x0] =	wrdreg $0x0  }
0xa8: {  	s5 =	sshll.u32 s28, $0x1;
	[dreg:$0x2] =	wrdreg s3  }
0xa9: {  	[dreg:$0x3] =	wrdreg s5  }
0xaa: {  	[dreg:$0x4] =	wrdreg $0xC0  }
0xab: {  	_ =	task [dreg:s7], $0x5FFFF  }
0xac: {  	[dreg:$0x1] =	wrdreg $0xFFFFFFFF  }
0xad: {  	[dreg:$0x0] =	wrdreg $0x60  }
0xae: {  	[dreg:$0x2] =	wrdreg s2  }
0xaf: {  	[dreg:$0x3] =	wrdreg s24  }
0xb0: {  	[dreg:$0x4] =	wrdreg $0x0  }
0xb1: {  	[dreg:$0x5] =	wrdreg $0x9  }
0xb2: {  	_ =	task.clear_ibuf [dreg:s7], $0x6FFFF;
	_ =	strace $0x90000046  }
0xb3: {  	s29 =	simm.s32 $0x9;
	_ =	strace $0x80000048  }
0xb4: {  	_ =	swait.ge [sflag:s29], $0x1  }
0xb5: {  	[sflag:s29] =	ssyncadd.s32 $0xFFFFFFFF  }
0xb6: {  	_ =	strace $0x90000048  }
0xb7: {  	_ =	sfence  }
0xb8: {  	s30 =	sld [smem:$0x0];
	_ =	sdelay $0x2  }
0xb9: {  	s31 =	sshll.u32 s1, $0xD;
	s1 =	sshrl.u32 s1, $0x2  }
0xba: {  	s3 =	sand.u32 $0x4000, s31;
	s1 =	sadd.s32 s1, s30  }
0xbb: {  	s0 =	sor.u32 s3, s0;
	s1 =	sshll.u32 s1, $0x11  }
0xbc: {  	s0 =	sor.u32 s1, s0  }
0xbd: {  	s0 =	sadd.s32 $0x8F2B, s0  }
0xbe: {  	[sflag:s0] =	ssyncadd.remote.s32 $0x1  }
0xbf: {  	_ =	sfence.sel $0xFFFF  }
0xc0: {  	[dreg:$0x0] =	wrdreg $0xFFFFFFFF;
	(pc) =	sbr.abs _section_cstart, $3  }
0xc1: {  	[dreg:$0x1] =	wrdreg $0xFFFFFFFF  }
0xc2: {  	_ =	task.clear_ibuf [dreg:s7], $0x2FFFF;
	_ =	strace $0x9FFFFFFF  }
0xc3: {  	(tm) =	ssettm $0x7FFFFFFF  }
tec
execute0_lowered:
.L_overlay_start_1:
0x0: {  	(tag) =	ssettag $0x1  }
0x1: {  	s0 =	srdreg.scid;
	s1 =	rddreg [dreg:$0x0]  }
0x2: {  	s4 =	rddreg [dreg:$0x1];
	s20 =	stileid.u32  }
0x3: {  	s2 =	rddreg [dreg:$0x2];
	s28 =	simm.s32 $0xBF40;
	s29 =	simm.s32 $0x6  }
0x4: {  	s30 =	simm.s32 $0x1;
	s31 =	simm.s32 $0x2;
	s0 =	sand.u32 $0x1, s0  }
0x5: {  	s6 =	smul.u32 $0x1380, s20;
	s9 =	sadd.s32 $0x1000, s4;
	s17 =	sadd.s32 $0x21A00, s4  }
0x6: {  	s11 =	sadd.s32 $0x1177, s4;
	s25 =	sshll.u32 s20, $0x6;
	s15 =	sadd.s32 $0x13800, s2  }
0x7: {  	s16 =	sadd.s32 $0x21900, s4;
	p0 =	sne.s32 s20, $0xF;
	s3 =	sshll.u32 s0, $0x4  }
0x8: {  	s8 =	ssub.s32 $0x2, s0;
	s0 =	smul.u32 $0x13880, s0;
	s14 =	sor.u32 $0x1C06, s25  }
0x9: {  	s25 =	simm.s32 $0xB770;
	s5 =	sor.u32 s20, s3;
	s3 =	simm.s32 $0x0  }
0xa: {  	s21 =	sshrl.u32 s6, $0x3;
	s10 =	sshrl.u32 s8, $0x1;
	s12 =	sadd.s32 s6, s2  }
0xb: {  	s20 =	simm.s32 $0x1388;
	s5 =	smul.u32 $0x500, s5;
	[smem:$0x7FF] =	sst s3  }
0xc: {  	s13 =	sadd.s32 s21, s4;
	s19 =	ssub.s32 s8, s10;
	s10 =	sadd.s32 $0x10FA, s4  }
0xd: {  	s26 =	sadd.s32 s6, s0;
	s0 =	sshrl.u32 s0, $0x3;
	s21 =	simm.s32 $0x4  }
0xe: {  	_ =	strace $0x80000047;
	[dreg:$0x4] =	wrdreg s9;
	s9 =	sadd.s32 $0x107D, s4  }
0xf: {  	s13 =	sadd.s32 $0x1F200, s13;
	s0 =	sadd.s32 s17, s0;
	s19 =	smax.u32 s19, $0x1  }
0x10: {  	s7 =	sadd.s32 s5, s4;
	s1 =	sadd.s32 s1, s5;
	s18 =	sadd.s32 $0x2700, s0  }
0x11: {  	s0 =	simm.s32 $0x3;
	[dreg:$0x5] =	wrdreg s1;
	s22 =	sadd.s32 $0x15200, s7  }
0x12: {  	s23 =	sadd.s32 $0xB200, s7;
	s24 =	sadd.s32 $0x1200, s7;
	[dreg:$0x6] =	wrdreg s22  }
0x13: {  	s1 =	sshrl.u32 s26, $0x3;
	s26 =	simm.s32 $0xBB58;
	[dreg:$0x7] =	wrdreg s23  }
0x14: {  	[dreg:$0x8] =	wrdreg s24;
	s17 =	sadd.s32 s17, s1;
	s24 =	simm.s32 $0xB388  }
0x15: {  	s1 =	simm.s32 $0x7D;
	s22 =	simm.s32 $0x5;
	s23 =	simm.s32 $0x0  }
.LBB2_1:
0x16: {  	s4 =	rddreg [dreg:$0x5]  }
0x17: {  	[tilespmem:s20], [sflag:$0x1] =	stream.linear.gather [hbm4b:s4+s3], $0x2800, $0x38;
	[tilespmem:$0xC328] =	vst v63  }
0x18: {  	s8 =	rddreg [dreg:$0x6];
	s5 =	simm.s32 $0x3B88  }
0x19: {  	[tilespmem:s5], [sflag:$0x1] =	stream.linear.gather [hbm4b:s8+s3], $0x2800, $0x38;
	[tilespmem:$0xC328] =	vst v63  }
0x1a: {  	s6 =	simm.s32 $0x6388;
	s5 =	rddreg [dreg:$0x7]  }
0x1b: {  	[tilespmem:s6], [sflag:$0x1] =	stream.linear.gather [hbm4b:s5+s3], $0x2800, $0x38;
	[tilespmem:$0xC328] =	vst v63  }
0x1c: {  	s7 =	rddreg [dreg:$0x8];
	s8 =	simm.s32 $0x8B88  }
0x1d: {  	[tilespmem:s8], [sflag:$0x1] =	stream.linear.gather [hbm4b:s7+s3], $0x2800, $0x38;
	[tilespmem:$0xC328] =	vst v63  }
0x1e: {  	s6 =	rddreg [dreg:$0x4]  }
0x1f: {  	[tilespmem:s24], [sflag:$0x2] =	stream.linear.gather [hbm4b:s6+s3], $0x3E8, $0x38;
	[tilespmem:$0xC328] =	vst v63  }
0x20: {  	_ = 	snop  }
0x21: {  	[tilespmem:s25], [sflag:$0x2] =	stream.linear.gather [hbm4b:s9+s3], $0x3E8, $0x38;
	[tilespmem:$0xC328] =	vst v63  }
0x22: {  	_ = 	snop  }
0x23: {  	[tilespmem:s26], [sflag:$0x2] =	stream.linear.gather [hbm4b:s10+s3], $0x3E8, $0x38;
	[tilespmem:$0xC328] =	vst v63  }
0x24: {  	s4 =	sshrl.u32 s12, $0x3  }
0x25: {  	[tilespmem:s28], [sflag:$0x2] =	stream.linear.gather [hbm4b:s11+s3], $0x3E8, $0x38;
	[tilespmem:$0xC328] =	vst v63  }
0x26: {  	[spmem:s4], [sflag:s14] =	dma.local [hbm:s13], $0x270  }
0x27: {  	_ =	swait.ge [sflag:s29], $0x270  }
0x28: {  	[sflag:s29] =	ssyncset.done $0x0  }
0x29: {  	s5 =	sshrl.u32 @!p0 s15, $0x3;
	s6 =	simm.s32 @!p0 $0x6;
	[sflag:s29] =	ssyncadd.s32 $0xFFFFFD90  }
0x2a: {  	[spmem:s5], [sflag:s14] =	dma.local @!p0 [hbm:s16], $0x10  }
0x2b: {  	_ =	swait.ge @!p0 [sflag:s6], $0x10  }
0x2c: {  	[sflag:s6] =	ssyncset.done @!p0 $0x0  }
0x2d: {  	[sflag:s6] =	ssyncadd.s32 @!p0 $0xFFFFFFF0  }
0x2e: {  	_ =	swait.ge [sflag:s30], $0x2800  }
0x2f: {  	[sflag:s30] =	ssyncset.done $0x0  }
0x30: {  	[sflag:s30] =	ssyncadd.s32 $0xFFFFD800  }
0x31: {  	_ =	swait.ge [sflag:s30], $0x2800  }
0x32: {  	[sflag:s30] =	ssyncset.done $0x0  }
0x33: {  	[sflag:s30] =	ssyncadd.s32 $0xFFFFD800  }
0x34: {  	_ =	swait.ge [sflag:s30], $0x2800  }
0x35: {  	[sflag:s30] =	ssyncset.done $0x0  }
0x36: {  	[sflag:s30] =	ssyncadd.s32 $0xFFFFD800  }
0x37: {  	_ =	swait.ge [sflag:s30], $0x2800  }
0x38: {  	[sflag:s30] =	ssyncset.done $0x0  }
0x39: {  	[sflag:s30] =	ssyncadd.s32 $0xFFFFD800  }
0x3a: {  	_ =	swait.ge [sflag:s31], $0x3E8  }
0x3b: {  	[sflag:s31] =	ssyncset.done $0x0  }
0x3c: {  	[sflag:s31] =	ssyncadd.s32 $0xFFFFFC18  }
0x3d: {  	_ =	swait.ge [sflag:s31], $0x3E8  }
0x3e: {  	[sflag:s31] =	ssyncset.done $0x0  }
0x3f: {  	[sflag:s31] =	ssyncadd.s32 $0xFFFFFC18  }
0x40: {  	_ =	swait.ge [sflag:s31], $0x3E8  }
0x41: {  	[sflag:s31] =	ssyncset.done $0x0  }
0x42: {  	[sflag:s31] =	ssyncadd.s32 $0xFFFFFC18  }
0x43: {  	_ =	swait.ge [sflag:s31], $0x3E8  }
0x44: {  	[sflag:s31] =	ssyncset.done $0x0  }
0x45: {  	[sflag:s31] =	ssyncadd.s32 $0xFFFFFC18  }
0x46: {  	[bflag:$0x0] =	sbarrier.arrive $0xFFFF  }
0x47: {  	[spmem:s2] =	stream.indirect.scatter.add.f32 [tilespmem:s24], [sflag:$0x1], $0x8, s20, s1, $0xb8;
	[tilespmem:$0xC328] =	vst v63  }
0x48: {  	s7 =	simm.s32 $0x1408  }
0x49: {  	[spmem:s2] =	stream.indirect.scatter.add.f32 [tilespmem:s24], [sflag:$0x2], $0x8, s7, s1, $0xb8;
	[tilespmem:$0xC328] =	vst v63  }
0x4a: {  	s8 =	simm.s32 $0x1488  }
0x4b: {  	[spmem:s2] =	stream.indirect.scatter.add.f32 [tilespmem:s24], [sflag:$0x3], $0x8, s8, s1, $0xb8;
	[tilespmem:$0xC328] =	vst v63  }
0x4c: {  	s7 =	simm.s32 $0x1508  }
0x4d: {  	[spmem:s2] =	stream.indirect.scatter.add.f32 [tilespmem:s24], [sflag:$0x4], $0x8, s7, s1, $0xb8;
	[tilespmem:$0xC328] =	vst v63  }
0x4e: {  	s8 =	simm.s32 $0x1588  }
0x4f: {  	[spmem:s2] =	stream.indirect.scatter.add.f32 [tilespmem:s24], [sflag:$0x5], $0x8, s8, s1, $0xb8;
	[tilespmem:$0xC328] =	vst v63  }
0x50: {  	_ =	swait.ge [sflag:s30], $0x3E8  }
0x51: {  	[sflag:s30] =	ssyncset.done $0x0  }
0x52: {  	s7 =	simm.s32 $0x1608;
	[sflag:s30] =	ssyncadd.s32 $0xFFFFFC18  }
0x53: {  	[spmem:s2] =	stream.indirect.scatter.add.f32 [tilespmem:s24], [sflag:$0x1], $0x8, s7, s1, $0xb8;
	[tilespmem:$0xC328] =	vst v63  }
0x54: {  	_ =	swait.ge [sflag:s31], $0x3E8  }
0x55: {  	[sflag:s31] =	ssyncset.done $0x0  }
0x56: {  	s8 =	simm.s32 $0x1688;
	[sflag:s31] =	ssyncadd.s32 $0xFFFFFC18  }
0x57: {  	[spmem:s2] =	stream.indirect.scatter.add.f32 [tilespmem:s24], [sflag:$0x2], $0x8, s8, s1, $0xb8;
	[tilespmem:$0xC328] =	vst v63  }
0x58: {  	_ =	swait.ge [sflag:s0], $0x3E8  }
0x59: {  	[sflag:s0] =	ssyncset.done $0x0  }
0x5a: {  	s7 =	simm.s32 $0x1708;
	[sflag:s0] =	ssyncadd.s32 $0xFFFFFC18  }
0x5b: {  	[spmem:s2] =	stream.indirect.scatter.add.f32 [tilespmem:s24], [sflag:$0x3], $0x8, s7, s1, $0xb8;
	[tilespmem:$0xC328] =	vst v63  }
0x5c: {  	_ =	swait.ge [sflag:s21], $0x3E8  }
0x5d: {  	[sflag:s21] =	ssyncset.done $0x0  }
0x5e: {  	s8 =	simm.s32 $0x1788;
	[sflag:s21] =	ssyncadd.s32 $0xFFFFFC18  }
0x5f: {  	[spmem:s2] =	stream.indirect.scatter.add.f32 [tilespmem:s24], [sflag:$0x4], $0x8, s8, s1, $0xb8;
	[tilespmem:$0xC328] =	vst v63  }
0x60: {  	_ =	swait.ge [sflag:s22], $0x3E8  }
0x61: {  	[sflag:s22] =	ssyncset.done $0x0  }
0x62: {  	s6 =	simm.s32 $0xFFFF7400;
	s7 =	simm.s32 $0x1808;
	[sflag:s22] =	ssyncadd.s32 $0xFFFFFC18  }
.LBB2_2:
0x63: {  	[spmem:s2] =	stream.indirect.scatter.add.f32 [tilespmem:s24], [sflag:$0x5], $0x8, s7, s1, $0xb8;
	[tilespmem:$0xC328] =	vst v63  }
0x64: {  	s7 =	smov.u32 s6  }
0x65: {  	p1 =	sne.s32 s6, $0xFFFFF600;
	s6 =	sadd.s32 $0xA00, s6;
	_ =	swait.ge [sflag:s30], $0x3E8  }
0x66: {  	s7 =	sshra.s32 s7, $0x2;
	[sflag:s30] =	ssyncset.done $0x0  }
0x67: {  	s8 =	sadd.s32 $0x3B88, s7;
	[sflag:s30] =	ssyncadd.s32 $0xFFFFFC18  }
0x68: {  	[spmem:s2] =	stream.indirect.scatter.add.f32 [tilespmem:s24], [sflag:$0x1], $0x8, s8, s1, $0xb8;
	[tilespmem:$0xC328] =	vst v63  }
0x69: {  	_ =	swait.ge [sflag:s31], $0x3E8  }
0x6a: {  	[sflag:s31] =	ssyncset.done $0x0  }
0x6b: {  	s8 =	sadd.s32 $0x3C08, s7;
	[sflag:s31] =	ssyncadd.s32 $0xFFFFFC18  }
0x6c: {  	[spmem:s2] =	stream.indirect.scatter.add.f32 [tilespmem:s24], [sflag:$0x2], $0x8, s8, s1, $0xb8;
	[tilespmem:$0xC328] =	vst v63  }
0x6d: {  	_ =	swait.ge [sflag:s0], $0x3E8  }
0x6e: {  	[sflag:s0] =	ssyncset.done $0x0  }
0x6f: {  	s8 =	sadd.s32 $0x3C88, s7;
	[sflag:s0] =	ssyncadd.s32 $0xFFFFFC18  }
0x70: {  	[spmem:s2] =	stream.indirect.scatter.add.f32 [tilespmem:s24], [sflag:$0x3], $0x8, s8, s1, $0xb8;
	[tilespmem:$0xC328] =	vst v63  }
0x71: {  	_ =	swait.ge [sflag:s21], $0x3E8  }
0x72: {  	[sflag:s21] =	ssyncset.done $0x0  }
.Ltmp0:
0x73: {  	s8 =	sadd.s32 $0x3D08, s7;
	[sflag:s21] =	ssyncadd.s32 $0xFFFFFC18;
	(pc) =	sbr.rel @p1 .LBB2_2-.Ltmp0, $4  }
0x74: {  	[spmem:s2] =	stream.indirect.scatter.add.f32 [tilespmem:s24], [sflag:$0x4], $0x8, s8, s1, $0xb8;
	[tilespmem:$0xC328] =	vst v63  }
0x75: {  	_ =	swait.ge [sflag:s22], $0x3E8  }
0x76: {  	[sflag:s22] =	ssyncset.done $0x0  }
0x77: {  	s7 =	sadd.s32 $0x3D88, s7;
	[sflag:s22] =	ssyncadd.s32 $0xFFFFFC18  }
0x78: {  	[spmem:s2] =	stream.indirect.scatter.add.f32 [tilespmem:s24], [sflag:$0x5], $0x8, s7, s1, $0xb8;
	[tilespmem:$0xC328] =	vst v63  }
0x79: {  	_ =	swait.ge [sflag:s30], $0x3E8  }
0x7a: {  	[sflag:s30] =	ssyncset.done $0x0  }
0x7b: {  	s6 =	simm.s32 $0x3B88;
	[sflag:s30] =	ssyncadd.s32 $0xFFFFFC18  }
0x7c: {  	[spmem:s2] =	stream.indirect.scatter.add.f32 [tilespmem:s25], [sflag:$0x1], $0x8, s6, s1, $0xb8;
	[tilespmem:$0xC328] =	vst v63  }
0x7d: {  	_ =	swait.ge [sflag:s31], $0x3E8  }
0x7e: {  	[sflag:s31] =	ssyncset.done $0x0  }
0x7f: {  	s8 =	simm.s32 $0x3C08;
	[sflag:s31] =	ssyncadd.s32 $0xFFFFFC18  }
0x80: {  	[spmem:s2] =	stream.indirect.scatter.add.f32 [tilespmem:s25], [sflag:$0x2], $0x8, s8, s1, $0xb8;
	[tilespmem:$0xC328] =	vst v63  }
0x81: {  	_ =	swait.ge [sflag:s0], $0x3E8  }
0x82: {  	[sflag:s0] =	ssyncset.done $0x0  }
0x83: {  	s7 =	simm.s32 $0x3C88;
	[sflag:s0] =	ssyncadd.s32 $0xFFFFFC18  }
0x84: {  	[spmem:s2] =	stream.indirect.scatter.add.f32 [tilespmem:s25], [sflag:$0x3], $0x8, s7, s1, $0xb8;
	[tilespmem:$0xC328] =	vst v63  }
0x85: {  	_ =	swait.ge [sflag:s21], $0x3E8  }
0x86: {  	[sflag:s21] =	ssyncset.done $0x0  }
0x87: {  	s8 =	simm.s32 $0x3D08;
	[sflag:s21] =	ssyncadd.s32 $0xFFFFFC18  }
0x88: {  	[spmem:s2] =	stream.indirect.scatter.add.f32 [tilespmem:s25], [sflag:$0x4], $0x8, s8, s1, $0xb8;
	[tilespmem:$0xC328] =	vst v63  }
0x89: {  	_ =	swait.ge [sflag:s22], $0x3E8  }
0x8a: {  	[sflag:s22] =	ssyncset.done $0x0  }
0x8b: {  	s6 =	simm.s32 $0xFFFF6A00;
	s7 =	simm.s32 $0x3D88;
	[sflag:s22] =	ssyncadd.s32 $0xFFFFFC18  }
.LBB2_4:
0x8c: {  	[spmem:s2] =	stream.indirect.scatter.add.f32 [tilespmem:s25], [sflag:$0x5], $0x8, s7, s1, $0xb8;
	[tilespmem:$0xC328] =	vst v63  }
0x8d: {  	s7 =	smov.u32 s6  }
0x8e: {  	p1 =	sne.s32 s6, $0xFFFFF600;
	s6 =	sadd.s32 $0xA00, s6;
	_ =	swait.ge [sflag:s30], $0x3E8  }
0x8f: {  	s7 =	sshra.s32 s7, $0x2;
	[sflag:s30] =	ssyncset.done $0x0  }
0x90: {  	s8 =	sadd.s32 $0x6388, s7;
	[sflag:s30] =	ssyncadd.s32 $0xFFFFFC18  }
0x91: {  	[spmem:s2] =	stream.indirect.scatter.add.f32 [tilespmem:s25], [sflag:$0x1], $0x8, s8, s1, $0xb8;
	[tilespmem:$0xC328] =	vst v63  }
0x92: {  	_ =	swait.ge [sflag:s31], $0x3E8  }
0x93: {  	[sflag:s31] =	ssyncset.done $0x0  }
0x94: {  	s8 =	sadd.s32 $0x6408, s7;
	[sflag:s31] =	ssyncadd.s32 $0xFFFFFC18  }
0x95: {  	[spmem:s2] =	stream.indirect.scatter.add.f32 [tilespmem:s25], [sflag:$0x2], $0x8, s8, s1, $0xb8;
	[tilespmem:$0xC328] =	vst v63  }
0x96: {  	_ =	swait.ge [sflag:s0], $0x3E8  }
0x97: {  	[sflag:s0] =	ssyncset.done $0x0  }
0x98: {  	s8 =	sadd.s32 $0x6488, s7;
	[sflag:s0] =	ssyncadd.s32 $0xFFFFFC18  }
0x99: {  	[spmem:s2] =	stream.indirect.scatter.add.f32 [tilespmem:s25], [sflag:$0x3], $0x8, s8, s1, $0xb8;
	[tilespmem:$0xC328] =	vst v63  }
0x9a: {  	_ =	swait.ge [sflag:s21], $0x3E8  }
0x9b: {  	[sflag:s21] =	ssyncset.done $0x0  }
.Ltmp1:
0x9c: {  	s8 =	sadd.s32 $0x6508, s7;
	[sflag:s21] =	ssyncadd.s32 $0xFFFFFC18;
	(pc) =	sbr.rel @p1 .LBB2_4-.Ltmp1, $4  }
0x9d: {  	[spmem:s2] =	stream.indirect.scatter.add.f32 [tilespmem:s25], [sflag:$0x4], $0x8, s8, s1, $0xb8;
	[tilespmem:$0xC328] =	vst v63  }
0x9e: {  	_ =	swait.ge [sflag:s22], $0x3E8  }
0x9f: {  	[sflag:s22] =	ssyncset.done $0x0  }
0xa0: {  	s7 =	sadd.s32 $0x6588, s7;
	[sflag:s22] =	ssyncadd.s32 $0xFFFFFC18  }
0xa1: {  	[spmem:s2] =	stream.indirect.scatter.add.f32 [tilespmem:s25], [sflag:$0x5], $0x8, s7, s1, $0xb8;
	[tilespmem:$0xC328] =	vst v63  }
0xa2: {  	_ =	swait.ge [sflag:s30], $0x3E8  }
0xa3: {  	[sflag:s30] =	ssyncset.done $0x0  }
0xa4: {  	s6 =	simm.s32 $0x6388;
	[sflag:s30] =	ssyncadd.s32 $0xFFFFFC18  }
0xa5: {  	[spmem:s2] =	stream.indirect.scatter.add.f32 [tilespmem:s26], [sflag:$0x1], $0x8, s6, s1, $0xb8;
	[tilespmem:$0xC328] =	vst v63  }
0xa6: {  	_ =	swait.ge [sflag:s31], $0x3E8  }
0xa7: {  	[sflag:s31] =	ssyncset.done $0x0  }
0xa8: {  	s8 =	simm.s32 $0x6408;
	[sflag:s31] =	ssyncadd.s32 $0xFFFFFC18  }
0xa9: {  	[spmem:s2] =	stream.indirect.scatter.add.f32 [tilespmem:s26], [sflag:$0x2], $0x8, s8, s1, $0xb8;
	[tilespmem:$0xC328] =	vst v63  }
0xaa: {  	_ =	swait.ge [sflag:s0], $0x3E8  }
0xab: {  	[sflag:s0] =	ssyncset.done $0x0  }
0xac: {  	s7 =	simm.s32 $0x6488;
	[sflag:s0] =	ssyncadd.s32 $0xFFFFFC18  }
0xad: {  	[spmem:s2] =	stream.indirect.scatter.add.f32 [tilespmem:s26], [sflag:$0x3], $0x8, s7, s1, $0xb8;
	[tilespmem:$0xC328] =	vst v63  }
0xae: {  	_ =	swait.ge [sflag:s21], $0x3E8  }
0xaf: {  	[sflag:s21] =	ssyncset.done $0x0  }
0xb0: {  	s8 =	simm.s32 $0x6508;
	[sflag:s21] =	ssyncadd.s32 $0xFFFFFC18  }
0xb1: {  	[spmem:s2] =	stream.indirect.scatter.add.f32 [tilespmem:s26], [sflag:$0x4], $0x8, s8, s1, $0xb8;
	[tilespmem:$0xC328] =	vst v63  }
0xb2: {  	_ =	swait.ge [sflag:s22], $0x3E8  }
0xb3: {  	[sflag:s22] =	ssyncset.done $0x0  }
0xb4: {  	s6 =	simm.s32 $0xFFFF6A00;
	s7 =	simm.s32 $0x6588;
	[sflag:s22] =	ssyncadd.s32 $0xFFFFFC18  }
.LBB2_6:
0xb5: {  	[spmem:s2] =	stream.indirect.scatter.add.f32 [tilespmem:s26], [sflag:$0x5], $0x8, s7, s1, $0xb8;
	[tilespmem:$0xC328] =	vst v63  }
0xb6: {  	s7 =	smov.u32 s6  }
0xb7: {  	p1 =	sne.s32 s6, $0xFFFFF600;
	s6 =	sadd.s32 $0xA00, s6;
	_ =	swait.ge [sflag:s30], $0x3E8  }
0xb8: {  	s7 =	sshra.s32 s7, $0x2;
	[sflag:s30] =	ssyncset.done $0x0  }
0xb9: {  	s8 =	sadd.s32 $0x8B88, s7;
	[sflag:s30] =	ssyncadd.s32 $0xFFFFFC18  }
0xba: {  	[spmem:s2] =	stream.indirect.scatter.add.f32 [tilespmem:s26], [sflag:$0x1], $0x8, s8, s1, $0xb8;
	[tilespmem:$0xC328] =	vst v63  }
0xbb: {  	_ =	swait.ge [sflag:s31], $0x3E8  }
0xbc: {  	[sflag:s31] =	ssyncset.done $0x0  }
0xbd: {  	s8 =	sadd.s32 $0x8C08, s7;
	[sflag:s31] =	ssyncadd.s32 $0xFFFFFC18  }
0xbe: {  	[spmem:s2] =	stream.indirect.scatter.add.f32 [tilespmem:s26], [sflag:$0x2], $0x8, s8, s1, $0xb8;
	[tilespmem:$0xC328] =	vst v63  }
0xbf: {  	_ =	swait.ge [sflag:s0], $0x3E8  }
0xc0: {  	[sflag:s0] =	ssyncset.done $0x0  }
0xc1: {  	s8 =	sadd.s32 $0x8C88, s7;
	[sflag:s0] =	ssyncadd.s32 $0xFFFFFC18  }
0xc2: {  	[spmem:s2] =	stream.indirect.scatter.add.f32 [tilespmem:s26], [sflag:$0x3], $0x8, s8, s1, $0xb8;
	[tilespmem:$0xC328] =	vst v63  }
0xc3: {  	_ =	swait.ge [sflag:s21], $0x3E8  }
0xc4: {  	[sflag:s21] =	ssyncset.done $0x0  }
.Ltmp2:
0xc5: {  	s8 =	sadd.s32 $0x8D08, s7;
	[sflag:s21] =	ssyncadd.s32 $0xFFFFFC18;
	(pc) =	sbr.rel @p1 .LBB2_6-.Ltmp2, $4  }
0xc6: {  	[spmem:s2] =	stream.indirect.scatter.add.f32 [tilespmem:s26], [sflag:$0x4], $0x8, s8, s1, $0xb8;
	[tilespmem:$0xC328] =	vst v63  }
0xc7: {  	_ =	swait.ge [sflag:s22], $0x3E8  }
0xc8: {  	[sflag:s22] =	ssyncset.done $0x0  }
0xc9: {  	s7 =	sadd.s32 $0x8D88, s7;
	[sflag:s22] =	ssyncadd.s32 $0xFFFFFC18  }
0xca: {  	[spmem:s2] =	stream.indirect.scatter.add.f32 [tilespmem:s26], [sflag:$0x5], $0x8, s7, s1, $0xb8;
	[tilespmem:$0xC328] =	vst v63  }
0xcb: {  	_ =	swait.ge [sflag:s30], $0x3E8  }
0xcc: {  	[sflag:s30] =	ssyncset.done $0x0  }
0xcd: {  	s6 =	simm.s32 $0x8B88;
	[sflag:s30] =	ssyncadd.s32 $0xFFFFFC18  }
0xce: {  	[spmem:s2] =	stream.indirect.scatter.add.f32 [tilespmem:s28], [sflag:$0x1], $0x8, s6, s1, $0xb8;
	[tilespmem:$0xC328] =	vst v63  }
0xcf: {  	_ =	swait.ge [sflag:s31], $0x3E8  }
0xd0: {  	[sflag:s31] =	ssyncset.done $0x0  }
0xd1: {  	s8 =	simm.s32 $0x8C08;
	[sflag:s31] =	ssyncadd.s32 $0xFFFFFC18  }
0xd2: {  	[spmem:s2] =	stream.indirect.scatter.add.f32 [tilespmem:s28], [sflag:$0x2], $0x8, s8, s1, $0xb8;
	[tilespmem:$0xC328] =	vst v63  }
0xd3: {  	_ =	swait.ge [sflag:s0], $0x3E8  }
0xd4: {  	[sflag:s0] =	ssyncset.done $0x0  }
0xd5: {  	s7 =	simm.s32 $0x8C88;
	[sflag:s0] =	ssyncadd.s32 $0xFFFFFC18  }
0xd6: {  	[spmem:s2] =	stream.indirect.scatter.add.f32 [tilespmem:s28], [sflag:$0x3], $0x8, s7, s1, $0xb8;
	[tilespmem:$0xC328] =	vst v63  }
0xd7: {  	_ =	swait.ge [sflag:s21], $0x3E8  }
0xd8: {  	[sflag:s21] =	ssyncset.done $0x0  }
0xd9: {  	s8 =	simm.s32 $0x8D08;
	[sflag:s21] =	ssyncadd.s32 $0xFFFFFC18  }
0xda: {  	[spmem:s2] =	stream.indirect.scatter.add.f32 [tilespmem:s28], [sflag:$0x4], $0x8, s8, s1, $0xb8;
	[tilespmem:$0xC328] =	vst v63  }
0xdb: {  	_ =	swait.ge [sflag:s22], $0x3E8  }
0xdc: {  	[sflag:s22] =	ssyncset.done $0x0  }
0xdd: {  	s6 =	simm.s32 $0xFFFF6A00;
	s7 =	simm.s32 $0x8D88;
	[sflag:s22] =	ssyncadd.s32 $0xFFFFFC18  }
.LBB2_8:
0xde: {  	[spmem:s2] =	stream.indirect.scatter.add.f32 [tilespmem:s28], [sflag:$0x5], $0x8, s7, s1, $0xb8;
	[tilespmem:$0xC328] =	vst v63  }
0xdf: {  	s7 =	smov.u32 s6  }
0xe0: {  	p1 =	sne.s32 s6, $0xFFFFF600;
	s6 =	sadd.s32 $0xA00, s6;
	_ =	swait.ge [sflag:s30], $0x3E8  }
0xe1: {  	s7 =	sshra.s32 s7, $0x2;
	[sflag:s30] =	ssyncset.done $0x0  }
0xe2: {  	s8 =	sadd.s32 $0xB388, s7;
	[sflag:s30] =	ssyncadd.s32 $0xFFFFFC18  }
0xe3: {  	[spmem:s2] =	stream.indirect.scatter.add.f32 [tilespmem:s28], [sflag:$0x1], $0x8, s8, s1, $0xb8;
	[tilespmem:$0xC328] =	vst v63  }
0xe4: {  	_ =	swait.ge [sflag:s31], $0x3E8  }
0xe5: {  	[sflag:s31] =	ssyncset.done $0x0  }
0xe6: {  	s8 =	sadd.s32 $0xB408, s7;
	[sflag:s31] =	ssyncadd.s32 $0xFFFFFC18  }
0xe7: {  	[spmem:s2] =	stream.indirect.scatter.add.f32 [tilespmem:s28], [sflag:$0x2], $0x8, s8, s1, $0xb8;
	[tilespmem:$0xC328] =	vst v63  }
0xe8: {  	_ =	swait.ge [sflag:s0], $0x3E8  }
0xe9: {  	[sflag:s0] =	ssyncset.done $0x0  }
0xea: {  	s8 =	sadd.s32 $0xB488, s7;
	[sflag:s0] =	ssyncadd.s32 $0xFFFFFC18  }
0xeb: {  	[spmem:s2] =	stream.indirect.scatter.add.f32 [tilespmem:s28], [sflag:$0x3], $0x8, s8, s1, $0xb8;
	[tilespmem:$0xC328] =	vst v63  }
0xec: {  	_ =	swait.ge [sflag:s21], $0x3E8  }
0xed: {  	[sflag:s21] =	ssyncset.done $0x0  }
.Ltmp3:
0xee: {  	s8 =	sadd.s32 $0xB508, s7;
	[sflag:s21] =	ssyncadd.s32 $0xFFFFFC18;
	(pc) =	sbr.rel @p1 .LBB2_8-.Ltmp3, $4  }
0xef: {  	[spmem:s2] =	stream.indirect.scatter.add.f32 [tilespmem:s28], [sflag:$0x4], $0x8, s8, s1, $0xb8;
	[tilespmem:$0xC328] =	vst v63  }
0xf0: {  	_ =	swait.ge [sflag:s22], $0x3E8  }
0xf1: {  	[sflag:s22] =	ssyncset.done $0x0  }
0xf2: {  	s7 =	sadd.s32 $0xB588, s7;
	[sflag:s22] =	ssyncadd.s32 $0xFFFFFC18  }
0xf3: {  	[spmem:s2] =	stream.indirect.scatter.add.f32 [tilespmem:s28], [sflag:$0x5], $0x8, s7, s1, $0xb8;
	[tilespmem:$0xC328] =	vst v63  }
0xf4: {  	_ =	swait.ge [sflag:s30], $0x3E8  }
0xf5: {  	[sflag:s30] =	ssyncset.done $0x0  }
0xf6: {  	[sflag:s30] =	ssyncadd.s32 $0xFFFFFC18  }
0xf7: {  	_ =	swait.ge [sflag:s31], $0x3E8  }
0xf8: {  	[sflag:s31] =	ssyncset.done $0x0  }
0xf9: {  	[sflag:s31] =	ssyncadd.s32 $0xFFFFFC18  }
0xfa: {  	_ =	swait.ge [sflag:s0], $0x3E8  }
0xfb: {  	[sflag:s0] =	ssyncset.done $0x0  }
0xfc: {  	[sflag:s0] =	ssyncadd.s32 $0xFFFFFC18  }
0xfd: {  	_ =	swait.ge [sflag:s21], $0x3E8  }
0xfe: {  	[sflag:s21] =	ssyncset.done $0x0  }
0xff: {  	[sflag:s21] =	ssyncadd.s32 $0xFFFFFC18  }
0x100: {  	_ =	swait.ge [sflag:s22], $0x3E8  }
0x101: {  	[sflag:s22] =	ssyncset.done $0x0  }
0x102: {  	[sflag:s22] =	ssyncadd.s32 $0xFFFFFC18  }
0x103: {  	[bflag:$0x0] =	sbarrier.arrive $0xFFFF  }
0x104: {  	[hbm:s17], [sflag:s14] =	dma.local [spmem:s4], $0x270  }
0x105: {  	s23 =	sadd.s32 $0x1, s23;
	_ =	swait.ge [sflag:s29], $0x270  }
0x106: {  	p1 =	sne.s32 s23, s19;
	[sflag:s29] =	ssyncset.done $0x0  }
.Ltmp4:
0x107: {  	s4 =	simm.s32 @!p0 $0x6;
	[sflag:s29] =	ssyncadd.s32 $0xFFFFFD90;
	(pc) =	sbr.rel @p1 .LBB2_1-.Ltmp4, $4  }
0x108: {  	[hbm:s18], [sflag:s14] =	dma.local @!p0 [spmem:s5], $0x10  }
0x109: {  	_ =	swait.ge @!p0 [sflag:s4], $0x10  }
0x10a: {  	[sflag:s4] =	ssyncset.done @!p0 $0x0  }
0x10b: {  	[sflag:s4] =	ssyncadd.s32 @!p0 $0xFFFFFFF0  }
0x10c: {  	_ =	sfence.sel $0x180000  }
0x10d: {  	[bflag:$0x0] =	sbarrier.arrive $0xFFFF  }
0x10e: {  	_ =	strace $0x90000047  }
0x10f: {  	s0 =	stileid.u32;
	[bflag:$0x2] =	sbarrier.arrive $0xFFFF  }
0x110: {  	p0 =	sne.s32 s0, $0x0;
	s0 =	rddreg [dreg:$0x3]  }
0x111: {  	s0 =	sadd.s32 @!p0 $0x100000, s0  }
0x112: {  	[sflag:s0] =	ssyncadd.tile.s32 @!p0 $0x1;
	_ =	shalt  }
.Lfunc_end2:
_tile_overlayer_lowered:
.L_overlay_start_2:
0x113: {  	(tag) =	ssettag $0x2  }
0x114: {  	s0 =	rddreg [dreg:$0x0];
	s2 =	stileid.u32  }
0x115: {  	s1 =	rddreg [dreg:$0x1];
	p0 =	sne.s32 s2, $0x0  }
0x116: {  	s3 =	rddreg [dreg:$0x2];
	[bflag:$0x3] =	sbarrier.arrive $0xFFFF;
	s2 =	simm.s32 @!p0 $0x1C06  }
0x117: {  	[timem:s3], [sflag:s2] =	dma.local @!p0 [hbm:s0], s1  }
0x118: {  	s0 =	simm.s32 @!p0 $0x6  }
0x119: {  	_ =	swait.ge @!p0 [sflag:s0], s1  }
0x11a: {  	s1 =	ssub.s32 @!p0 $0x0, s1;
	[sflag:s0] =	ssyncset.done @!p0 $0x0  }
0x11b: {  	[sflag:s0] =	ssyncadd.s32 @!p0 s1  }
0x11c: {  	[bflag:$0x3] =	sbarrier.arrive $0xFFFF  }
0x11d: {  	_ =	shalt  }

</sc_bundles>
